<compile_context>
chip_gen: v7x
topology: tpu7x:2x2x1
jax: 0.10.2.dev20260603
libtpu: 0.0.44.dev20260713+nightly
codegen_flags: <defaults>
</compile_context>

<pallas_src>
import jax
import jax.numpy as jnp
from jax import lax
from jax.experimental import pallas as pl
from jax.experimental.pallas import tpu as pltpu
from jax.experimental.pallas import tpu_sc as plsc

B = 16384
D = 64
V = 1000001
NC = 2
NS = 16
NW = NC * NS
QPW = B // NW
BLK = 32768
NBLK = (V + BLK - 1) // BLK



def _k2_body(sidx_ref, t_ref, t2_hbm, d0_ref, d1_ref, n_ref, isn_ref,
             st_v, buf_v, sem):
    i = pl.program_id(0)

    @pl.when(i == 0)
    def _support():
        for j in range(10):
            v = sidx_ref[j]
            base = pl.multiple_of((v // 128) * 128, 128)
            pltpu.make_async_copy(
                t2_hbm.at[:, pl.ds(base, 128)], buf_v.at[j], sem).start()
        for j in range(10):
            pltpu.make_async_copy(
                t2_hbm.at[:, pl.ds(0, 128)], buf_v.at[j], sem).wait()
        lane = lax.broadcasted_iota(jnp.int32, (1, 128), 1)
        cols = []
        for j in range(10):
            m = (lane == (sidx_ref[j] % 128)).astype(jnp.float32)
            cols.append(jnp.sum(buf_v[j] * m, axis=1, keepdims=True))
        s0 = (cols[0] + cols[2] + cols[4] + cols[6] + cols[8]) * 0.2
        s1 = (cols[1] + cols[3] + cols[5] + cols[7] + cols[9]) * 0.2
        st_v[...] = jnp.concatenate([s0, s1], axis=1)
        sn2 = jnp.sum(s0 * s0) + jnp.sum(s1 * s1)
        inv_sn = 1.0 / jnp.maximum(jnp.sqrt(sn2), 1e-8)
        isn_ref[...] = jnp.full((16,), inv_sn, jnp.float32)

    t = t_ref[...]
    d01 = jax.lax.dot_general(st_v[...], t, (((0,), (0,)), ((), ())),
                              preferred_element_type=jnp.float32)
    d0_ref[...] = d01[0, :]
    d1_ref[...] = d01[1, :]
    n_ref[...] = jnp.sum(t * t, axis=0)


_k2 = pl.pallas_call(
    _k2_body,
    grid=(NBLK,),
    in_specs=[
        pl.BlockSpec(memory_space=pltpu.SMEM),
        pl.BlockSpec((D, BLK), lambda i: (0, i)),
        pl.BlockSpec(memory_space=pl.ANY),
    ],
    out_specs=[
        pl.BlockSpec((BLK,), lambda i: (i,)),
        pl.BlockSpec((BLK,), lambda i: (i,)),
        pl.BlockSpec((BLK,), lambda i: (i,)),
        pl.BlockSpec((16,), lambda i: (0,)),
    ],
    scratch_shapes=[
        pltpu.VMEM((D, 2), jnp.float32),
        pltpu.VMEM((10, D, 128), jnp.float32),
        pltpu.SemaphoreType.DMA,
    ],
    out_shape=[
        jax.ShapeDtypeStruct((V,), jnp.float32),
        jax.ShapeDtypeStruct((V,), jnp.float32),
        jax.ShapeDtypeStruct((V,), jnp.float32),
        jax.ShapeDtypeStruct((16,), jnp.float32),
    ],
)



def _rsqrt16(x):
    i = lax.bitcast_convert_type(x, jnp.int32)
    i = jnp.int32(0x5F3759DF) - (i >> 1)
    y = lax.bitcast_convert_type(i, jnp.float32)
    for _ in range(3):
        y = y * (1.5 - 0.5 * x * y * y)
    return y


def _k3_body(qt_hbm, d0_hbm, d1_hbm, n_hbm, isn_hbm, out_hbm,
             ia_v, ib_v, ga_v, gb_v, na_v, nb_v, isn_v, out_v, sem):
    wid = lax.axis_index("s") * NC + lax.axis_index("c")
    pltpu.sync_copy(qt_hbm.at[0, pl.ds(wid * QPW, QPW)], ia_v)
    pltpu.sync_copy(qt_hbm.at[1, pl.ds(wid * QPW, QPW)], ib_v)
    pltpu.sync_copy(isn_hbm, isn_v)
    copies = []
    for r in range(QPW // 128):
        sl = pl.ds(r * 128, 128)
        copies.append(pltpu.async_copy(d0_hbm.at[ia_v.at[sl]], ga_v.at[sl], sem))
        copies.append(pltpu.async_copy(d1_hbm.at[ib_v.at[sl]], gb_v.at[sl], sem))
        copies.append(pltpu.async_copy(n_hbm.at[ia_v.at[sl]], na_v.at[sl], sem))
        copies.append(pltpu.async_copy(n_hbm.at[ib_v.at[sl]], nb_v.at[sl], sem))
    for c in copies:
        c.wait()
    inv_sn = isn_v[...]
    for g in range(QPW // 16):
        sl = pl.ds(g * 16, 16)
        y = _rsqrt16(jnp.maximum(na_v[sl] + nb_v[sl], 1e-16))
        out_v[sl] = (ga_v[sl] + gb_v[sl]) * y * inv_sn
    pltpu.sync_copy(out_v, out_hbm.at[pl.ds(wid * QPW, QPW)])


_k3 = pl.kernel(
    _k3_body,
    out_type=jax.ShapeDtypeStruct((B,), jnp.float32),
    mesh=plsc.VectorSubcoreMesh(core_axis_name="c", subcore_axis_name="s"),
    compiler_params=pltpu.CompilerParams(
        needs_layout_passes=False, use_tc_tiling_on_sc=True),
    scratch_types=[
        pltpu.VMEM((QPW,), jnp.int32),
        pltpu.VMEM((QPW,), jnp.int32),
        pltpu.VMEM((QPW,), jnp.float32),
        pltpu.VMEM((QPW,), jnp.float32),
        pltpu.VMEM((QPW,), jnp.float32),
        pltpu.VMEM((QPW,), jnp.float32),
        pltpu.VMEM((16,), jnp.float32),
        pltpu.VMEM((QPW,), jnp.float32),
        pltpu.SemaphoreType.DMA,
    ],
)


def kernel(query, support, table):
    t2 = table.T
    qt = query.astype(jnp.int32).T
    sidx = jnp.pad(support.astype(jnp.int32).reshape(-1), (0, 6))
    d0, d1, n, isn = _k2(sidx, t2, t2)
    return _k3(qt, d0, d1, n, isn)

# --- scband reference (transcript-rebuilt; emitter-appended) ---
"""Pipeline reference for scband-embed-matcher-26645977104891 (READ-ONLY COPY).

The authoritative reference and input builder live on the scoring server;
editing this copy changes nothing except your own understanding.
"""

import jax, jax.numpy as jnp
import numpy as np

NUM_SYMBOLS = 1000000
EMBED_DIM = 64
BATCH = 16384
FEW = 5

def setup_inputs(seed: int = 0) -> dict:
    key = jax.random.key(seed)
    k1, k2, k3 = jax.random.split(key, 3)
    query = jax.random.randint(k1, (BATCH, 2), 0, NUM_SYMBOLS).astype(jnp.int64)
    support = jax.random.randint(k2, (FEW, 2), 0, NUM_SYMBOLS).astype(jnp.int64)
    # symbol embedding table with padding row (index NUM_SYMBOLS) zeroed
    table = jax.random.normal(k3, (NUM_SYMBOLS + 1, EMBED_DIM), dtype=jnp.float32) * 0.02
    table = table.at[NUM_SYMBOLS].set(0.0)
    return {"query": query, "support": support, "table": table}

def reference(query, support, table):
    # forward path with query_meta=None / support_meta=None
    q_emb = jnp.take(table, query, axis=0).reshape(query.shape[0], -1)   # (B, 2*d)
    s_emb = jnp.take(table, support, axis=0).reshape(support.shape[0], -1)  # (few, 2*d)
    s_mean = jnp.mean(s_emb, axis=0, keepdims=True)                      # (1, 2*d)
    s = jnp.broadcast_to(s_mean, q_emb.shape)
    dot = jnp.sum(q_emb * s, axis=-1)
    qn = jnp.maximum(jnp.sqrt(jnp.sum(q_emb * q_emb, axis=-1)), 1e-8)
    sn = jnp.maximum(jnp.sqrt(jnp.sum(s * s, axis=-1)), 1e-8)
    return dot / (qn * sn)

if __name__ == "__main__":
    import jax
    _d = setup_inputs()
    print(jax.jit(kernel)(*tuple(_d.values())))

</pallas_src>

<mosaic_0001>
#map = affine_map<(d0, d1) -> (0, 0)>
#map1 = affine_map<(d0, d1) -> (0)>
module attributes {stable_mosaic.version = 14 : i64} {
  func.func @_k3_body(%arg0: i32, %arg1: i32, %arg2: memref<2x16384xi32, #tpu.memory_space<hbm>>, %arg3: memref<1000001xf32, #tpu.memory_space<hbm>>, %arg4: memref<1000001xf32, #tpu.memory_space<hbm>>, %arg5: memref<1000001xf32, #tpu.memory_space<hbm>>, %arg6: memref<16xf32, #tpu.memory_space<hbm>>, %arg7: memref<16384xf32, #tpu.memory_space<hbm>>, %arg8: memref<512xi32, #tpu.memory_space<vmem>>, %arg9: memref<512xi32, #tpu.memory_space<vmem>>, %arg10: memref<512xf32, #tpu.memory_space<vmem>>, %arg11: memref<512xf32, #tpu.memory_space<vmem>>, %arg12: memref<512xf32, #tpu.memory_space<vmem>>, %arg13: memref<512xf32, #tpu.memory_space<vmem>>, %arg14: memref<16xf32, #tpu.memory_space<vmem>>, %arg15: memref<512xf32, #tpu.memory_space<vmem>>, %arg16: memref<!tpu.dma_semaphore, #tpu.memory_space<semaphore_mem>>) attributes {dimension_semantics = [#tpu.dimension_semantics<core_parallel>, #tpu.dimension_semantics<subcore_parallel>], iteration_bounds = array<i64: 2, 16>, scalar_prefetch = 0 : i64, scratch_operands = 9 : i64, tpu.core_type = #tpu.core_type<sc_vector_subcore>, window_params = [{transform_indices = #map}, {transform_indices = #map1}, {transform_indices = #map1}, {transform_indices = #map1}, {transform_indices = #map1}, {transform_indices = #map1}]} {
    %mul3A = arith.constant 2 : i32
    %mul3A_0 = arith.muli %arg1, %mul3A : i32
    %add3A = arith.addi %mul3A_0, %arg0 : i32
    %mul3A_1 = arith.constant 512 : i32
    %mul3A_2 = arith.muli %add3A, %mul3A_1 : i32
    %run_scoped3A = arith.constant 0 : i32
    "tpu.region"() ({
      %run_scoped3A_1858 = tpu.sem_alloc : memref<!tpu.dma_semaphore, #tpu.memory_space<semaphore_mem>>
      %dma_start3A_1859 = tpu.memref_slice %arg2[%run_scoped3A, %mul3A_2] : memref<2x16384xi32, #tpu.memory_space<hbm>> -> memref<1x512xi32, #tpu.memory_space<hbm>>
      %dma_start3A_1860 = tpu.memref_squeeze %dma_start3A_1859 : memref<1x512xi32, #tpu.memory_space<hbm>> -> memref<512xi32, #tpu.memory_space<hbm>>
      %dma_start3A_1861 = tpu.memref_slice %arg2[%run_scoped3A, %mul3A_2] : memref<2x16384xi32, #tpu.memory_space<hbm>> -> memref<1x512xi32, #tpu.memory_space<hbm>>
      %dma_start3A_1862 = tpu.memref_squeeze %dma_start3A_1861 : memref<1x512xi32, #tpu.memory_space<hbm>> -> memref<512xi32, #tpu.memory_space<hbm>>
      tpu.enqueue_dma source(%dma_start3A_1862 : memref<512xi32, #tpu.memory_space<hbm>>) target(%arg8 : memref<512xi32, #tpu.memory_space<vmem>>) target_semaphore(%run_scoped3A_1858 : memref<!tpu.dma_semaphore, #tpu.memory_space<semaphore_mem>>)
      %dma_wait3A_1863 = tpu.memref_slice %arg2[%run_scoped3A, %mul3A_2] : memref<2x16384xi32, #tpu.memory_space<hbm>> -> memref<1x512xi32, #tpu.memory_space<hbm>>
      %dma_wait3A_1864 = tpu.memref_squeeze %dma_wait3A_1863 : memref<1x512xi32, #tpu.memory_space<hbm>> -> memref<512xi32, #tpu.memory_space<hbm>>
      %dma_wait3A_1865 = tpu.memref_slice %arg2[%run_scoped3A, %mul3A_2] : memref<2x16384xi32, #tpu.memory_space<hbm>> -> memref<1x512xi32, #tpu.memory_space<hbm>>
      %dma_wait3A_1866 = tpu.memref_squeeze %dma_wait3A_1865 : memref<1x512xi32, #tpu.memory_space<hbm>> -> memref<512xi32, #tpu.memory_space<hbm>>
      tpu.wait_dma2 semaphore(%run_scoped3A_1858 : memref<!tpu.dma_semaphore, #tpu.memory_space<semaphore_mem>>) src(%dma_wait3A_1866 : memref<512xi32, #tpu.memory_space<hbm>>) dst(%arg8 : memref<512xi32, #tpu.memory_space<vmem>>)
      tpu.yield
    }) : () -> ()
    %mul3A_3 = arith.constant 512 : i32
    %mul3A_4 = arith.muli %add3A, %mul3A_3 : i32
    %run_scoped3A_5 = arith.constant 1 : i32
    "tpu.region"() ({
      %run_scoped3A_1858 = tpu.sem_alloc : memref<!tpu.dma_semaphore, #tpu.memory_space<semaphore_mem>>
      %dma_start3A_1859 = tpu.memref_slice %arg2[%run_scoped3A_5, %mul3A_4] : memref<2x16384xi32, #tpu.memory_space<hbm>> -> memref<1x512xi32, #tpu.memory_space<hbm>>
      %dma_start3A_1860 = tpu.memref_squeeze %dma_start3A_1859 : memref<1x512xi32, #tpu.memory_space<hbm>> -> memref<512xi32, #tpu.memory_space<hbm>>
      %dma_start3A_1861 = tpu.memref_slice %arg2[%run_scoped3A_5, %mul3A_4] : memref<2x16384xi32, #tpu.memory_space<hbm>> -> memref<1x512xi32, #tpu.memory_space<hbm>>
      %dma_start3A_1862 = tpu.memref_squeeze %dma_start3A_1861 : memref<1x512xi32, #tpu.memory_space<hbm>> -> memref<512xi32, #tpu.memory_space<hbm>>
      tpu.enqueue_dma source(%dma_start3A_1862 : memref<512xi32, #tpu.memory_space<hbm>>) target(%arg9 : memref<512xi32, #tpu.memory_space<vmem>>) target_semaphore(%run_scoped3A_1858 : memref<!tpu.dma_semaphore, #tpu.memory_space<semaphore_mem>>)
      %dma_wait3A_1863 = tpu.memref_slice %arg2[%run_scoped3A_5, %mul3A_4] : memref<2x16384xi32, #tpu.memory_space<hbm>> -> memref<1x512xi32, #tpu.memory_space<hbm>>
      %dma_wait3A_1864 = tpu.memref_squeeze %dma_wait3A_1863 : memref<1x512xi32, #tpu.memory_space<hbm>> -> memref<512xi32, #tpu.memory_space<hbm>>
      %dma_wait3A_1865 = tpu.memref_slice %arg2[%run_scoped3A_5, %mul3A_4] : memref<2x16384xi32, #tpu.memory_space<hbm>> -> memref<1x512xi32, #tpu.memory_space<hbm>>
      %dma_wait3A_1866 = tpu.memref_squeeze %dma_wait3A_1865 : memref<1x512xi32, #tpu.memory_space<hbm>> -> memref<512xi32, #tpu.memory_space<hbm>>
      tpu.wait_dma2 semaphore(%run_scoped3A_1858 : memref<!tpu.dma_semaphore, #tpu.memory_space<semaphore_mem>>) src(%dma_wait3A_1866 : memref<512xi32, #tpu.memory_space<hbm>>) dst(%arg9 : memref<512xi32, #tpu.memory_space<vmem>>)
      tpu.yield
    }) : () -> ()
    "tpu.region"() ({
      %run_scoped3A_1858 = tpu.sem_alloc : memref<!tpu.dma_semaphore, #tpu.memory_space<semaphore_mem>>
      tpu.enqueue_dma source(%arg6 : memref<16xf32, #tpu.memory_space<hbm>>) target(%arg14 : memref<16xf32, #tpu.memory_space<vmem>>) target_semaphore(%run_scoped3A_1858 : memref<!tpu.dma_semaphore, #tpu.memory_space<semaphore_mem>>)
      tpu.wait_dma2 semaphore(%run_scoped3A_1858 : memref<!tpu.dma_semaphore, #tpu.memory_space<semaphore_mem>>) src(%arg6 : memref<16xf32, #tpu.memory_space<hbm>>) dst(%arg14 : memref<16xf32, #tpu.memory_space<vmem>>)
      tpu.yield
    }) : () -> ()
    %dma_start3A = arith.constant 0 : i32
    %dma_start3A_6 = tpu.memref_slice %arg10[%dma_start3A] : memref<512xf32, #tpu.memory_space<vmem>> -> memref<128xf32, #tpu.memory_space<vmem>>
    %dma_start3A_7 = arith.constant 0 : i32
    %dma_start3A_8 = tpu.memref_slice %arg8[%dma_start3A_7] : memref<512xi32, #tpu.memory_space<vmem>> -> memref<128xi32, #tpu.memory_space<vmem>>
    %dma_start3A_9 = arith.constant 0 : i32
    %dma_start3A_10 = tpu.memref_slice %arg3[%dma_start3A_9] : memref<1000001xf32, #tpu.memory_space<hbm>> -> memref<1000001xf32, #tpu.memory_space<hbm>>
    tpu.enqueue_indirect_dma source(%dma_start3A_10 : memref<1000001xf32, #tpu.memory_space<hbm>>) target(%dma_start3A_6 : memref<128xf32, #tpu.memory_space<vmem>>) offsets(%dma_start3A_8 : memref<128xi32, #tpu.memory_space<vmem>>) semaphore(%arg16 : memref<!tpu.dma_semaphore, #tpu.memory_space<semaphore_mem>>)
    %dma_start3A_11 = arith.constant 0 : i32
    %dma_start3A_12 = tpu.memref_slice %arg11[%dma_start3A_11] : memref<512xf32, #tpu.memory_space<vmem>> -> memref<128xf32, #tpu.memory_space<vmem>>
    %dma_start3A_13 = arith.constant 0 : i32
    %dma_start3A_14 = tpu.memref_slice %arg9[%dma_start3A_13] : memref<512xi32, #tpu.memory_space<vmem>> -> memref<128xi32, #tpu.memory_space<vmem>>
    %dma_start3A_15 = arith.constant 0 : i32
    %dma_start3A_16 = tpu.memref_slice %arg4[%dma_start3A_15] : memref<1000001xf32, #tpu.memory_space<hbm>> -> memref<1000001xf32, #tpu.memory_space<hbm>>
    tpu.enqueue_indirect_dma source(%dma_start3A_16 : memref<1000001xf32, #tpu.memory_space<hbm>>) target(%dma_start3A_12 : memref<128xf32, #tpu.memory_space<vmem>>) offsets(%dma_start3A_14 : memref<128xi32, #tpu.memory_space<vmem>>) semaphore(%arg16 : memref<!tpu.dma_semaphore, #tpu.memory_space<semaphore_mem>>)
    %dma_start3A_17 = arith.constant 0 : i32
    %dma_start3A_18 = tpu.memref_slice %arg12[%dma_start3A_17] : memref<512xf32, #tpu.memory_space<vmem>> -> memref<128xf32, #tpu.memory_space<vmem>>
    %dma_start3A_19 = arith.constant 0 : i32
    %dma_start3A_20 = tpu.memref_slice %arg8[%dma_start3A_19] : memref<512xi32, #tpu.memory_space<vmem>> -> memref<128xi32, #tpu.memory_space<vmem>>
    %dma_start3A_21 = arith.constant 0 : i32
    %dma_start3A_22 = tpu.memref_slice %arg5[%dma_start3A_21] : memref<1000001xf32, #tpu.memory_space<hbm>> -> memref<1000001xf32, #tpu.memory_space<hbm>>
    tpu.enqueue_indirect_dma source(%dma_start3A_22 : memref<1000001xf32, #tpu.memory_space<hbm>>) target(%dma_start3A_18 : memref<128xf32, #tpu.memory_space<vmem>>) offsets(%dma_start3A_20 : memref<128xi32, #tpu.memory_space<vmem>>) semaphore(%arg16 : memref<!tpu.dma_semaphore, #tpu.memory_space<semaphore_mem>>)
    %dma_start3A_23 = arith.constant 0 : i32
    %dma_start3A_24 = tpu.memref_slice %arg13[%dma_start3A_23] : memref<512xf32, #tpu.memory_space<vmem>> -> memref<128xf32, #tpu.memory_space<vmem>>
    %dma_start3A_25 = arith.constant 0 : i32
    %dma_start3A_26 = tpu.memref_slice %arg9[%dma_start3A_25] : memref<512xi32, #tpu.memory_space<vmem>> -> memref<128xi32, #tpu.memory_space<vmem>>
    %dma_start3A_27 = arith.constant 0 : i32
    %dma_start3A_28 = tpu.memref_slice %arg5[%dma_start3A_27] : memref<1000001xf32, #tpu.memory_space<hbm>> -> memref<1000001xf32, #tpu.memory_space<hbm>>
    tpu.enqueue_indirect_dma source(%dma_start3A_28 : memref<1000001xf32, #tpu.memory_space<hbm>>) target(%dma_start3A_24 : memref<128xf32, #tpu.memory_space<vmem>>) offsets(%dma_start3A_26 : memref<128xi32, #tpu.memory_space<vmem>>) semaphore(%arg16 : memref<!tpu.dma_semaphore, #tpu.memory_space<semaphore_mem>>)
    %dma_start3A_29 = arith.constant 128 : i32
    %dma_start3A_30 = tpu.memref_slice %arg10[%dma_start3A_29] : memref<512xf32, #tpu.memory_space<vmem>> -> memref<128xf32, #tpu.memory_space<vmem>>
    %dma_start3A_31 = arith.constant 128 : i32
    %dma_start3A_32 = tpu.memref_slice %arg8[%dma_start3A_31] : memref<512xi32, #tpu.memory_space<vmem>> -> memref<128xi32, #tpu.memory_space<vmem>>
    %dma_start3A_33 = arith.constant 0 : i32
    %dma_start3A_34 = tpu.memref_slice %arg3[%dma_start3A_33] : memref<1000001xf32, #tpu.memory_space<hbm>> -> memref<1000001xf32, #tpu.memory_space<hbm>>
    tpu.enqueue_indirect_dma source(%dma_start3A_34 : memref<1000001xf32, #tpu.memory_space<hbm>>) target(%dma_start3A_30 : memref<128xf32, #tpu.memory_space<vmem>>) offsets(%dma_start3A_32 : memref<128xi32, #tpu.memory_space<vmem>>) semaphore(%arg16 : memref<!tpu.dma_semaphore, #tpu.memory_space<semaphore_mem>>)
    %dma_start3A_35 = arith.constant 128 : i32
    %dma_start3A_36 = tpu.memref_slice %arg11[%dma_start3A_35] : memref<512xf32, #tpu.memory_space<vmem>> -> memref<128xf32, #tpu.memory_space<vmem>>
    %dma_start3A_37 = arith.constant 128 : i32
    %dma_start3A_38 = tpu.memref_slice %arg9[%dma_start3A_37] : memref<512xi32, #tpu.memory_space<vmem>> -> memref<128xi32, #tpu.memory_space<vmem>>
    %dma_start3A_39 = arith.constant 0 : i32
    %dma_start3A_40 = tpu.memref_slice %arg4[%dma_start3A_39] : memref<1000001xf32, #tpu.memory_space<hbm>> -> memref<1000001xf32, #tpu.memory_space<hbm>>
    tpu.enqueue_indirect_dma source(%dma_start3A_40 : memref<1000001xf32, #tpu.memory_space<hbm>>) target(%dma_start3A_36 : memref<128xf32, #tpu.memory_space<vmem>>) offsets(%dma_start3A_38 : memref<128xi32, #tpu.memory_space<vmem>>) semaphore(%arg16 : memref<!tpu.dma_semaphore, #tpu.memory_space<semaphore_mem>>)
    %dma_start3A_41 = arith.constant 128 : i32
    %dma_start3A_42 = tpu.memref_slice %arg12[%dma_start3A_41] : memref<512xf32, #tpu.memory_space<vmem>> -> memref<128xf32, #tpu.memory_space<vmem>>
    %dma_start3A_43 = arith.constant 128 : i32
    %dma_start3A_44 = tpu.memref_slice %arg8[%dma_start3A_43] : memref<512xi32, #tpu.memory_space<vmem>> -> memref<128xi32, #tpu.memory_space<vmem>>
    %dma_start3A_45 = arith.constant 0 : i32
    %dma_start3A_46 = tpu.memref_slice %arg5[%dma_start3A_45] : memref<1000001xf32, #tpu.memory_space<hbm>> -> memref<1000001xf32, #tpu.memory_space<hbm>>
    tpu.enqueue_indirect_dma source(%dma_start3A_46 : memref<1000001xf32, #tpu.memory_space<hbm>>) target(%dma_start3A_42 : memref<128xf32, #tpu.memory_space<vmem>>) offsets(%dma_start3A_44 : memref<128xi32, #tpu.memory_space<vmem>>) semaphore(%arg16 : memref<!tpu.dma_semaphore, #tpu.memory_space<semaphore_mem>>)
    %dma_start3A_47 = arith.constant 128 : i32
    %dma_start3A_48 = tpu.memref_slice %arg13[%dma_start3A_47] : memref<512xf32, #tpu.memory_space<vmem>> -> memref<128xf32, #tpu.memory_space<vmem>>
    %dma_start3A_49 = arith.constant 128 : i32
    %dma_start3A_50 = tpu.memref_slice %arg9[%dma_start3A_49] : memref<512xi32, #tpu.memory_space<vmem>> -> memref<128xi32, #tpu.memory_space<vmem>>
    %dma_start3A_51 = arith.constant 0 : i32
    %dma_start3A_52 = tpu.memref_slice %arg5[%dma_start3A_51] : memref<1000001xf32, #tpu.memory_space<hbm>> -> memref<1000001xf32, #tpu.memory_space<hbm>>
    tpu.enqueue_indirect_dma source(%dma_start3A_52 : memref<1000001xf32, #tpu.memory_space<hbm>>) target(%dma_start3A_48 : memref<128xf32, #tpu.memory_space<vmem>>) offsets(%dma_start3A_50 : memref<128xi32, #tpu.memory_space<vmem>>) semaphore(%arg16 : memref<!tpu.dma_semaphore, #tpu.memory_space<semaphore_mem>>)
    %dma_start3A_53 = arith.constant 256 : i32
    %dma_start3A_54 = tpu.memref_slice %arg10[%dma_start3A_53] : memref<512xf32, #tpu.memory_space<vmem>> -> memref<128xf32, #tpu.memory_space<vmem>>
    %dma_start3A_55 = arith.constant 256 : i32
    %dma_start3A_56 = tpu.memref_slice %arg8[%dma_start3A_55] : memref<512xi32, #tpu.memory_space<vmem>> -> memref<128xi32, #tpu.memory_space<vmem>>
    %dma_start3A_57 = arith.constant 0 : i32
    %dma_start3A_58 = tpu.memref_slice %arg3[%dma_start3A_57] : memref<1000001xf32, #tpu.memory_space<hbm>> -> memref<1000001xf32, #tpu.memory_space<hbm>>
    tpu.enqueue_indirect_dma source(%dma_start3A_58 : memref<1000001xf32, #tpu.memory_space<hbm>>) target(%dma_start3A_54 : memref<128xf32, #tpu.memory_space<vmem>>) offsets(%dma_start3A_56 : memref<128xi32, #tpu.memory_space<vmem>>) semaphore(%arg16 : memref<!tpu.dma_semaphore, #tpu.memory_space<semaphore_mem>>)
    %dma_start3A_59 = arith.constant 256 : i32
    %dma_start3A_60 = tpu.memref_slice %arg11[%dma_start3A_59] : memref<512xf32, #tpu.memory_space<vmem>> -> memref<128xf32, #tpu.memory_space<vmem>>
    %dma_start3A_61 = arith.constant 256 : i32
    %dma_start3A_62 = tpu.memref_slice %arg9[%dma_start3A_61] : memref<512xi32, #tpu.memory_space<vmem>> -> memref<128xi32, #tpu.memory_space<vmem>>
    %dma_start3A_63 = arith.constant 0 : i32
    %dma_start3A_64 = tpu.memref_slice %arg4[%dma_start3A_63] : memref<1000001xf32, #tpu.memory_space<hbm>> -> memref<1000001xf32, #tpu.memory_space<hbm>>
    tpu.enqueue_indirect_dma source(%dma_start3A_64 : memref<1000001xf32, #tpu.memory_space<hbm>>) target(%dma_start3A_60 : memref<128xf32, #tpu.memory_space<vmem>>) offsets(%dma_start3A_62 : memref<128xi32, #tpu.memory_space<vmem>>) semaphore(%arg16 : memref<!tpu.dma_semaphore, #tpu.memory_space<semaphore_mem>>)
    %dma_start3A_65 = arith.constant 256 : i32
    %dma_start3A_66 = tpu.memref_slice %arg12[%dma_start3A_65] : memref<512xf32, #tpu.memory_space<vmem>> -> memref<128xf32, #tpu.memory_space<vmem>>
    %dma_start3A_67 = arith.constant 256 : i32
    %dma_start3A_68 = tpu.memref_slice %arg8[%dma_start3A_67] : memref<512xi32, #tpu.memory_space<vmem>> -> memref<128xi32, #tpu.memory_space<vmem>>
    %dma_start3A_69 = arith.constant 0 : i32
    %dma_start3A_70 = tpu.memref_slice %arg5[%dma_start3A_69] : memref<1000001xf32, #tpu.memory_space<hbm>> -> memref<1000001xf32, #tpu.memory_space<hbm>>
    tpu.enqueue_indirect_dma source(%dma_start3A_70 : memref<1000001xf32, #tpu.memory_space<hbm>>) target(%dma_start3A_66 : memref<128xf32, #tpu.memory_space<vmem>>) offsets(%dma_start3A_68 : memref<128xi32, #tpu.memory_space<vmem>>) semaphore(%arg16 : memref<!tpu.dma_semaphore, #tpu.memory_space<semaphore_mem>>)
    %dma_start3A_71 = arith.constant 256 : i32
    %dma_start3A_72 = tpu.memref_slice %arg13[%dma_start3A_71] : memref<512xf32, #tpu.memory_space<vmem>> -> memref<128xf32, #tpu.memory_space<vmem>>
    %dma_start3A_73 = arith.constant 256 : i32
    %dma_start3A_74 = tpu.memref_slice %arg9[%dma_start3A_73] : memref<512xi32, #tpu.memory_space<vmem>> -> memref<128xi32, #tpu.memory_space<vmem>>
    %dma_start3A_75 = arith.constant 0 : i32
    %dma_start3A_76 = tpu.memref_slice %arg5[%dma_start3A_75] : memref<1000001xf32, #tpu.memory_space<hbm>> -> memref<1000001xf32, #tpu.memory_space<hbm>>
    tpu.enqueue_indirect_dma source(%dma_start3A_76 : memref<1000001xf32, #tpu.memory_space<hbm>>) target(%dma_start3A_72 : memref<128xf32, #tpu.memory_space<vmem>>) offsets(%dma_start3A_74 : memref<128xi32, #tpu.memory_space<vmem>>) semaphore(%arg16 : memref<!tpu.dma_semaphore, #tpu.memory_space<semaphore_mem>>)
    %dma_start3A_77 = arith.constant 384 : i32
    %dma_start3A_78 = tpu.memref_slice %arg10[%dma_start3A_77] : memref<512xf32, #tpu.memory_space<vmem>> -> memref<128xf32, #tpu.memory_space<vmem>>
    %dma_start3A_79 = arith.constant 384 : i32
    %dma_start3A_80 = tpu.memref_slice %arg8[%dma_start3A_79] : memref<512xi32, #tpu.memory_space<vmem>> -> memref<128xi32, #tpu.memory_space<vmem>>
    %dma_start3A_81 = arith.constant 0 : i32
    %dma_start3A_82 = tpu.memref_slice %arg3[%dma_start3A_81] : memref<1000001xf32, #tpu.memory_space<hbm>> -> memref<1000001xf32, #tpu.memory_space<hbm>>
    tpu.enqueue_indirect_dma source(%dma_start3A_82 : memref<1000001xf32, #tpu.memory_space<hbm>>) target(%dma_start3A_78 : memref<128xf32, #tpu.memory_space<vmem>>) offsets(%dma_start3A_80 : memref<128xi32, #tpu.memory_space<vmem>>) semaphore(%arg16 : memref<!tpu.dma_semaphore, #tpu.memory_space<semaphore_mem>>)
    %dma_start3A_83 = arith.constant 384 : i32
    %dma_start3A_84 = tpu.memref_slice %arg11[%dma_start3A_83] : memref<512xf32, #tpu.memory_space<vmem>> -> memref<128xf32, #tpu.memory_space<vmem>>
    %dma_start3A_85 = arith.constant 384 : i32
    %dma_start3A_86 = tpu.memref_slice %arg9[%dma_start3A_85] : memref<512xi32, #tpu.memory_space<vmem>> -> memref<128xi32, #tpu.memory_space<vmem>>
    %dma_start3A_87 = arith.constant 0 : i32
    %dma_start3A_88 = tpu.memref_slice %arg4[%dma_start3A_87] : memref<1000001xf32, #tpu.memory_space<hbm>> -> memref<1000001xf32, #tpu.memory_space<hbm>>
    tpu.enqueue_indirect_dma source(%dma_start3A_88 : memref<1000001xf32, #tpu.memory_space<hbm>>) target(%dma_start3A_84 : memref<128xf32, #tpu.memory_space<vmem>>) offsets(%dma_start3A_86 : memref<128xi32, #tpu.memory_space<vmem>>) semaphore(%arg16 : memref<!tpu.dma_semaphore, #tpu.memory_space<semaphore_mem>>)
    %dma_start3A_89 = arith.constant 384 : i32
    %dma_start3A_90 = tpu.memref_slice %arg12[%dma_start3A_89] : memref<512xf32, #tpu.memory_space<vmem>> -> memref<128xf32, #tpu.memory_space<vmem>>
    %dma_start3A_91 = arith.constant 384 : i32
    %dma_start3A_92 = tpu.memref_slice %arg8[%dma_start3A_91] : memref<512xi32, #tpu.memory_space<vmem>> -> memref<128xi32, #tpu.memory_space<vmem>>
    %dma_start3A_93 = arith.constant 0 : i32
    %dma_start3A_94 = tpu.memref_slice %arg5[%dma_start3A_93] : memref<1000001xf32, #tpu.memory_space<hbm>> -> memref<1000001xf32, #tpu.memory_space<hbm>>
    tpu.enqueue_indirect_dma source(%dma_start3A_94 : memref<1000001xf32, #tpu.memory_space<hbm>>) target(%dma_start3A_90 : memref<128xf32, #tpu.memory_space<vmem>>) offsets(%dma_start3A_92 : memref<128xi32, #tpu.memory_space<vmem>>) semaphore(%arg16 : memref<!tpu.dma_semaphore, #tpu.memory_space<semaphore_mem>>)
    %dma_start3A_95 = arith.constant 384 : i32
    %dma_start3A_96 = tpu.memref_slice %arg13[%dma_start3A_95] : memref<512xf32, #tpu.memory_space<vmem>> -> memref<128xf32, #tpu.memory_space<vmem>>
    %dma_start3A_97 = arith.constant 384 : i32
    %dma_start3A_98 = tpu.memref_slice %arg9[%dma_start3A_97] : memref<512xi32, #tpu.memory_space<vmem>> -> memref<128xi32, #tpu.memory_space<vmem>>
    %dma_start3A_99 = arith.constant 0 : i32
    %dma_start3A_100 = tpu.memref_slice %arg5[%dma_start3A_99] : memref<1000001xf32, #tpu.memory_space<hbm>> -> memref<1000001xf32, #tpu.memory_space<hbm>>
    tpu.enqueue_indirect_dma source(%dma_start3A_100 : memref<1000001xf32, #tpu.memory_space<hbm>>) target(%dma_start3A_96 : memref<128xf32, #tpu.memory_space<vmem>>) offsets(%dma_start3A_98 : memref<128xi32, #tpu.memory_space<vmem>>) semaphore(%arg16 : memref<!tpu.dma_semaphore, #tpu.memory_space<semaphore_mem>>)
    %dma_wait3A = arith.constant 0 : i32
    %dma_wait3A_101 = tpu.memref_slice %arg10[%dma_wait3A] : memref<512xf32, #tpu.memory_space<vmem>> -> memref<128xf32, #tpu.memory_space<vmem>>
    %dma_wait3A_102 = arith.constant 0 : i32
    %dma_wait3A_103 = tpu.memref_slice %arg8[%dma_wait3A_102] : memref<512xi32, #tpu.memory_space<vmem>> -> memref<128xi32, #tpu.memory_space<vmem>>
    %dma_wait3A_104 = arith.constant 0 : i32
    %dma_wait3A_105 = tpu.memref_slice %arg3[%dma_wait3A_104] : memref<1000001xf32, #tpu.memory_space<hbm>> -> memref<1000001xf32, #tpu.memory_space<hbm>>
    tpu.wait_indirect_dma semaphore(%arg16 : memref<!tpu.dma_semaphore, #tpu.memory_space<semaphore_mem>>) src(%dma_wait3A_105 : memref<1000001xf32, #tpu.memory_space<hbm>>) dst(%dma_wait3A_101 : memref<128xf32, #tpu.memory_space<vmem>>)
    %dma_wait3A_106 = arith.constant 0 : i32
    %dma_wait3A_107 = tpu.memref_slice %arg11[%dma_wait3A_106] : memref<512xf32, #tpu.memory_space<vmem>> -> memref<128xf32, #tpu.memory_space<vmem>>
    %dma_wait3A_108 = arith.constant 0 : i32
    %dma_wait3A_109 = tpu.memref_slice %arg9[%dma_wait3A_108] : memref<512xi32, #tpu.memory_space<vmem>> -> memref<128xi32, #tpu.memory_space<vmem>>
    %dma_wait3A_110 = arith.constant 0 : i32
    %dma_wait3A_111 = tpu.memref_slice %arg4[%dma_wait3A_110] : memref<1000001xf32, #tpu.memory_space<hbm>> -> memref<1000001xf32, #tpu.memory_space<hbm>>
    tpu.wait_indirect_dma semaphore(%arg16 : memref<!tpu.dma_semaphore, #tpu.memory_space<semaphore_mem>>) src(%dma_wait3A_111 : memref<1000001xf32, #tpu.memory_space<hbm>>) dst(%dma_wait3A_107 : memref<128xf32, #tpu.memory_space<vmem>>)
    %dma_wait3A_112 = arith.constant 0 : i32
    %dma_wait3A_113 = tpu.memref_slice %arg12[%dma_wait3A_112] : memref<512xf32, #tpu.memory_space<vmem>> -> memref<128xf32, #tpu.memory_space<vmem>>
    %dma_wait3A_114 = arith.constant 0 : i32
    %dma_wait3A_115 = tpu.memref_slice %arg8[%dma_wait3A_114] : memref<512xi32, #tpu.memory_space<vmem>> -> memref<128xi32, #tpu.memory_space<vmem>>
    %dma_wait3A_116 = arith.constant 0 : i32
    %dma_wait3A_117 = tpu.memref_slice %arg5[%dma_wait3A_116] : memref<1000001xf32, #tpu.memory_space<hbm>> -> memref<1000001xf32, #tpu.memory_space<hbm>>
    tpu.wait_indirect_dma semaphore(%arg16 : memref<!tpu.dma_semaphore, #tpu.memory_space<semaphore_mem>>) src(%dma_wait3A_117 : memref<1000001xf32, #tpu.memory_space<hbm>>) dst(%dma_wait3A_113 : memref<128xf32, #tpu.memory_space<vmem>>)
    %dma_wait3A_118 = arith.constant 0 : i32
    %dma_wait3A_119 = tpu.memref_slice %arg13[%dma_wait3A_118] : memref<512xf32, #tpu.memory_space<vmem>> -> memref<128xf32, #tpu.memory_space<vmem>>
    %dma_wait3A_120 = arith.constant 0 : i32
    %dma_wait3A_121 = tpu.memref_slice %arg9[%dma_wait3A_120] : memref<512xi32, #tpu.memory_space<vmem>> -> memref<128xi32, #tpu.memory_space<vmem>>
    %dma_wait3A_122 = arith.constant 0 : i32
    %dma_wait3A_123 = tpu.memref_slice %arg5[%dma_wait3A_122] : memref<1000001xf32, #tpu.memory_space<hbm>> -> memref<1000001xf32, #tpu.memory_space<hbm>>
    tpu.wait_indirect_dma semaphore(%arg16 : memref<!tpu.dma_semaphore, #tpu.memory_space<semaphore_mem>>) src(%dma_wait3A_123 : memref<1000001xf32, #tpu.memory_space<hbm>>) dst(%dma_wait3A_119 : memref<128xf32, #tpu.memory_space<vmem>>)
    %dma_wait3A_124 = arith.constant 128 : i32
    %dma_wait3A_125 = tpu.memref_slice %arg10[%dma_wait3A_124] : memref<512xf32, #tpu.memory_space<vmem>> -> memref<128xf32, #tpu.memory_space<vmem>>
    %dma_wait3A_126 = arith.constant 128 : i32
    %dma_wait3A_127 = tpu.memref_slice %arg8[%dma_wait3A_126] : memref<512xi32, #tpu.memory_space<vmem>> -> memref<128xi32, #tpu.memory_space<vmem>>
    %dma_wait3A_128 = arith.constant 0 : i32
    %dma_wait3A_129 = tpu.memref_slice %arg3[%dma_wait3A_128] : memref<1000001xf32, #tpu.memory_space<hbm>> -> memref<1000001xf32, #tpu.memory_space<hbm>>
    tpu.wait_indirect_dma semaphore(%arg16 : memref<!tpu.dma_semaphore, #tpu.memory_space<semaphore_mem>>) src(%dma_wait3A_129 : memref<1000001xf32, #tpu.memory_space<hbm>>) dst(%dma_wait3A_125 : memref<128xf32, #tpu.memory_space<vmem>>)
    %dma_wait3A_130 = arith.constant 128 : i32
    %dma_wait3A_131 = tpu.memref_slice %arg11[%dma_wait3A_130] : memref<512xf32, #tpu.memory_space<vmem>> -> memref<128xf32, #tpu.memory_space<vmem>>
    %dma_wait3A_132 = arith.constant 128 : i32
    %dma_wait3A_133 = tpu.memref_slice %arg9[%dma_wait3A_132] : memref<512xi32, #tpu.memory_space<vmem>> -> memref<128xi32, #tpu.memory_space<vmem>>
    %dma_wait3A_134 = arith.constant 0 : i32
    %dma_wait3A_135 = tpu.memref_slice %arg4[%dma_wait3A_134] : memref<1000001xf32, #tpu.memory_space<hbm>> -> memref<1000001xf32, #tpu.memory_space<hbm>>
    tpu.wait_indirect_dma semaphore(%arg16 : memref<!tpu.dma_semaphore, #tpu.memory_space<semaphore_mem>>) src(%dma_wait3A_135 : memref<1000001xf32, #tpu.memory_space<hbm>>) dst(%dma_wait3A_131 : memref<128xf32, #tpu.memory_space<vmem>>)
    %dma_wait3A_136 = arith.constant 128 : i32
    %dma_wait3A_137 = tpu.memref_slice %arg12[%dma_wait3A_136] : memref<512xf32, #tpu.memory_space<vmem>> -> memref<128xf32, #tpu.memory_space<vmem>>
    %dma_wait3A_138 = arith.constant 128 : i32
    %dma_wait3A_139 = tpu.memref_slice %arg8[%dma_wait3A_138] : memref<512xi32, #tpu.memory_space<vmem>> -> memref<128xi32, #tpu.memory_space<vmem>>
    %dma_wait3A_140 = arith.constant 0 : i32
    %dma_wait3A_141 = tpu.memref_slice %arg5[%dma_wait3A_140] : memref<1000001xf32, #tpu.memory_space<hbm>> -> memref<1000001xf32, #tpu.memory_space<hbm>>
    tpu.wait_indirect_dma semaphore(%arg16 : memref<!tpu.dma_semaphore, #tpu.memory_space<semaphore_mem>>) src(%dma_wait3A_141 : memref<1000001xf32, #tpu.memory_space<hbm>>) dst(%dma_wait3A_137 : memref<128xf32, #tpu.memory_space<vmem>>)
    %dma_wait3A_142 = arith.constant 128 : i32
    %dma_wait3A_143 = tpu.memref_slice %arg13[%dma_wait3A_142] : memref<512xf32, #tpu.memory_space<vmem>> -> memref<128xf32, #tpu.memory_space<vmem>>
    %dma_wait3A_144 = arith.constant 128 : i32
    %dma_wait3A_145 = tpu.memref_slice %arg9[%dma_wait3A_144] : memref<512xi32, #tpu.memory_space<vmem>> -> memref<128xi32, #tpu.memory_space<vmem>>
    %dma_wait3A_146 = arith.constant 0 : i32
    %dma_wait3A_147 = tpu.memref_slice %arg5[%dma_wait3A_146] : memref<1000001xf32, #tpu.memory_space<hbm>> -> memref<1000001xf32, #tpu.memory_space<hbm>>
    tpu.wait_indirect_dma semaphore(%arg16 : memref<!tpu.dma_semaphore, #tpu.memory_space<semaphore_mem>>) src(%dma_wait3A_147 : memref<1000001xf32, #tpu.memory_space<hbm>>) dst(%dma_wait3A_143 : memref<128xf32, #tpu.memory_space<vmem>>)
    %dma_wait3A_148 = arith.constant 256 : i32
    %dma_wait3A_149 = tpu.memref_slice %arg10[%dma_wait3A_148] : memref<512xf32, #tpu.memory_space<vmem>> -> memref<128xf32, #tpu.memory_space<vmem>>
    %dma_wait3A_150 = arith.constant 256 : i32
    %dma_wait3A_151 = tpu.memref_slice %arg8[%dma_wait3A_150] : memref<512xi32, #tpu.memory_space<vmem>> -> memref<128xi32, #tpu.memory_space<vmem>>
    %dma_wait3A_152 = arith.constant 0 : i32
    %dma_wait3A_153 = tpu.memref_slice %arg3[%dma_wait3A_152] : memref<1000001xf32, #tpu.memory_space<hbm>> -> memref<1000001xf32, #tpu.memory_space<hbm>>
    tpu.wait_indirect_dma semaphore(%arg16 : memref<!tpu.dma_semaphore, #tpu.memory_space<semaphore_mem>>) src(%dma_wait3A_153 : memref<1000001xf32, #tpu.memory_space<hbm>>) dst(%dma_wait3A_149 : memref<128xf32, #tpu.memory_space<vmem>>)
    %dma_wait3A_154 = arith.constant 256 : i32
    %dma_wait3A_155 = tpu.memref_slice %arg11[%dma_wait3A_154] : memref<512xf32, #tpu.memory_space<vmem>> -> memref<128xf32, #tpu.memory_space<vmem>>
    %dma_wait3A_156 = arith.constant 256 : i32
    %dma_wait3A_157 = tpu.memref_slice %arg9[%dma_wait3A_156] : memref<512xi32, #tpu.memory_space<vmem>> -> memref<128xi32, #tpu.memory_space<vmem>>
    %dma_wait3A_158 = arith.constant 0 : i32
    %dma_wait3A_159 = tpu.memref_slice %arg4[%dma_wait3A_158] : memref<1000001xf32, #tpu.memory_space<hbm>> -> memref<1000001xf32, #tpu.memory_space<hbm>>
    tpu.wait_indirect_dma semaphore(%arg16 : memref<!tpu.dma_semaphore, #tpu.memory_space<semaphore_mem>>) src(%dma_wait3A_159 : memref<1000001xf32, #tpu.memory_space<hbm>>) dst(%dma_wait3A_155 : memref<128xf32, #tpu.memory_space<vmem>>)
    %dma_wait3A_160 = arith.constant 256 : i32
    %dma_wait3A_161 = tpu.memref_slice %arg12[%dma_wait3A_160] : memref<512xf32, #tpu.memory_space<vmem>> -> memref<128xf32, #tpu.memory_space<vmem>>
    %dma_wait3A_162 = arith.constant 256 : i32
    %dma_wait3A_163 = tpu.memref_slice %arg8[%dma_wait3A_162] : memref<512xi32, #tpu.memory_space<vmem>> -> memref<128xi32, #tpu.memory_space<vmem>>
    %dma_wait3A_164 = arith.constant 0 : i32
    %dma_wait3A_165 = tpu.memref_slice %arg5[%dma_wait3A_164] : memref<1000001xf32, #tpu.memory_space<hbm>> -> memref<1000001xf32, #tpu.memory_space<hbm>>
    tpu.wait_indirect_dma semaphore(%arg16 : memref<!tpu.dma_semaphore, #tpu.memory_space<semaphore_mem>>) src(%dma_wait3A_165 : memref<1000001xf32, #tpu.memory_space<hbm>>) dst(%dma_wait3A_161 : memref<128xf32, #tpu.memory_space<vmem>>)
    %dma_wait3A_166 = arith.constant 256 : i32
    %dma_wait3A_167 = tpu.memref_slice %arg13[%dma_wait3A_166] : memref<512xf32, #tpu.memory_space<vmem>> -> memref<128xf32, #tpu.memory_space<vmem>>
    %dma_wait3A_168 = arith.constant 256 : i32
    %dma_wait3A_169 = tpu.memref_slice %arg9[%dma_wait3A_168] : memref<512xi32, #tpu.memory_space<vmem>> -> memref<128xi32, #tpu.memory_space<vmem>>
    %dma_wait3A_170 = arith.constant 0 : i32
    %dma_wait3A_171 = tpu.memref_slice %arg5[%dma_wait3A_170] : memref<1000001xf32, #tpu.memory_space<hbm>> -> memref<1000001xf32, #tpu.memory_space<hbm>>
    tpu.wait_indirect_dma semaphore(%arg16 : memref<!tpu.dma_semaphore, #tpu.memory_space<semaphore_mem>>) src(%dma_wait3A_171 : memref<1000001xf32, #tpu.memory_space<hbm>>) dst(%dma_wait3A_167 : memref<128xf32, #tpu.memory_space<vmem>>)
    %dma_wait3A_172 = arith.constant 384 : i32
    %dma_wait3A_173 = tpu.memref_slice %arg10[%dma_wait3A_172] : memref<512xf32, #tpu.memory_space<vmem>> -> memref<128xf32, #tpu.memory_space<vmem>>
    %dma_wait3A_174 = arith.constant 384 : i32
    %dma_wait3A_175 = tpu.memref_slice %arg8[%dma_wait3A_174] : memref<512xi32, #tpu.memory_space<vmem>> -> memref<128xi32, #tpu.memory_space<vmem>>
    %dma_wait3A_176 = arith.constant 0 : i32
    %dma_wait3A_177 = tpu.memref_slice %arg3[%dma_wait3A_176] : memref<1000001xf32, #tpu.memory_space<hbm>> -> memref<1000001xf32, #tpu.memory_space<hbm>>
    tpu.wait_indirect_dma semaphore(%arg16 : memref<!tpu.dma_semaphore, #tpu.memory_space<semaphore_mem>>) src(%dma_wait3A_177 : memref<1000001xf32, #tpu.memory_space<hbm>>) dst(%dma_wait3A_173 : memref<128xf32, #tpu.memory_space<vmem>>)
    %dma_wait3A_178 = arith.constant 384 : i32
    %dma_wait3A_179 = tpu.memref_slice %arg11[%dma_wait3A_178] : memref<512xf32, #tpu.memory_space<vmem>> -> memref<128xf32, #tpu.memory_space<vmem>>
    %dma_wait3A_180 = arith.constant 384 : i32
    %dma_wait3A_181 = tpu.memref_slice %arg9[%dma_wait3A_180] : memref<512xi32, #tpu.memory_space<vmem>> -> memref<128xi32, #tpu.memory_space<vmem>>
    %dma_wait3A_182 = arith.constant 0 : i32
    %dma_wait3A_183 = tpu.memref_slice %arg4[%dma_wait3A_182] : memref<1000001xf32, #tpu.memory_space<hbm>> -> memref<1000001xf32, #tpu.memory_space<hbm>>
    tpu.wait_indirect_dma semaphore(%arg16 : memref<!tpu.dma_semaphore, #tpu.memory_space<semaphore_mem>>) src(%dma_wait3A_183 : memref<1000001xf32, #tpu.memory_space<hbm>>) dst(%dma_wait3A_179 : memref<128xf32, #tpu.memory_space<vmem>>)
    %dma_wait3A_184 = arith.constant 384 : i32
    %dma_wait3A_185 = tpu.memref_slice %arg12[%dma_wait3A_184] : memref<512xf32, #tpu.memory_space<vmem>> -> memref<128xf32, #tpu.memory_space<vmem>>
    %dma_wait3A_186 = arith.constant 384 : i32
    %dma_wait3A_187 = tpu.memref_slice %arg8[%dma_wait3A_186] : memref<512xi32, #tpu.memory_space<vmem>> -> memref<128xi32, #tpu.memory_space<vmem>>
    %dma_wait3A_188 = arith.constant 0 : i32
    %dma_wait3A_189 = tpu.memref_slice %arg5[%dma_wait3A_188] : memref<1000001xf32, #tpu.memory_space<hbm>> -> memref<1000001xf32, #tpu.memory_space<hbm>>
    tpu.wait_indirect_dma semaphore(%arg16 : memref<!tpu.dma_semaphore, #tpu.memory_space<semaphore_mem>>) src(%dma_wait3A_189 : memref<1000001xf32, #tpu.memory_space<hbm>>) dst(%dma_wait3A_185 : memref<128xf32, #tpu.memory_space<vmem>>)
    %dma_wait3A_190 = arith.constant 384 : i32
    %dma_wait3A_191 = tpu.memref_slice %arg13[%dma_wait3A_190] : memref<512xf32, #tpu.memory_space<vmem>> -> memref<128xf32, #tpu.memory_space<vmem>>
    %dma_wait3A_192 = arith.constant 384 : i32
    %dma_wait3A_193 = tpu.memref_slice %arg9[%dma_wait3A_192] : memref<512xi32, #tpu.memory_space<vmem>> -> memref<128xi32, #tpu.memory_space<vmem>>
    %dma_wait3A_194 = arith.constant 0 : i32
    %dma_wait3A_195 = tpu.memref_slice %arg5[%dma_wait3A_194] : memref<1000001xf32, #tpu.memory_space<hbm>> -> memref<1000001xf32, #tpu.memory_space<hbm>>
    tpu.wait_indirect_dma semaphore(%arg16 : memref<!tpu.dma_semaphore, #tpu.memory_space<semaphore_mem>>) src(%dma_wait3A_195 : memref<1000001xf32, #tpu.memory_space<hbm>>) dst(%dma_wait3A_191 : memref<128xf32, #tpu.memory_space<vmem>>)
    %get3A = arith.constant 0 : index
    %get3A_196 = tpu.vector_load %arg14[%get3A] {strides = array<i32>} : memref<16xf32, #tpu.memory_space<vmem>>, vector<16xf32>,
    %get3A_197 = arith.constant 0 : index
    %get3A_198 = tpu.vector_load %arg12[%get3A_197] {strides = array<i32>} : memref<512xf32, #tpu.memory_space<vmem>>, vector<16xf32>,
    %get3A_199 = arith.constant 0 : index
    %get3A_200 = tpu.vector_load %arg13[%get3A_199] {strides = array<i32>} : memref<512xf32, #tpu.memory_space<vmem>>, vector<16xf32>,
    %add3A_201 = arith.addf %get3A_198, %get3A_200 : vector<16xf32>
    %max3A = arith.constant 1.000000e-16 : f32
    %max3A_202 = vector.broadcast %max3A : f32 to vector<16xf32>
    %max3A_203 = arith.maximumf %add3A_201, %max3A_202 : vector<16xf32>
    %bitcast_convert_type3A = tpu.bitcast %max3A_203 : vector<16xf32> -> vector<16xi32>
    %shift_right_arithmetic3A = arith.constant 1 : i32
    %shift_right_arithmetic3A_204 = vector.broadcast %shift_right_arithmetic3A : i32 to vector<16xi32>
    %shift_right_arithmetic3A_205 = arith.shrsi %bitcast_convert_type3A, %shift_right_arithmetic3A_204 : vector<16xi32>
    %sub3A = arith.constant 1597463007 : i32
    %sub3A_206 = vector.broadcast %sub3A : i32 to vector<16xi32>
    %sub3A_207 = arith.subi %sub3A_206, %shift_right_arithmetic3A_205 : vector<16xi32>
    %bitcast_convert_type3A_208 = tpu.bitcast %sub3A_207 : vector<16xi32> -> vector<16xf32>
    %mul3A_209 = arith.constant 5.000000e-01 : f32
    %mul3A_210 = vector.broadcast %mul3A_209 : f32 to vector<16xf32>
    %mul3A_211 = arith.mulf %mul3A_210, %max3A_203 : vector<16xf32>
    %mul3A_212 = arith.mulf %mul3A_211, %bitcast_convert_type3A_208 : vector<16xf32>
    %mul3A_213 = arith.mulf %mul3A_212, %bitcast_convert_type3A_208 : vector<16xf32>
    %sub3A_214 = arith.constant 1.500000e+00 : f32
    %sub3A_215 = vector.broadcast %sub3A_214 : f32 to vector<16xf32>
    %sub3A_216 = arith.subf %sub3A_215, %mul3A_213 : vector<16xf32>
    %mul3A_217 = arith.mulf %bitcast_convert_type3A_208, %sub3A_216 : vector<16xf32>
    %mul3A_218 = arith.constant 5.000000e-01 : f32
    %mul3A_219 = vector.broadcast %mul3A_218 : f32 to vector<16xf32>
    %mul3A_220 = arith.mulf %mul3A_219, %max3A_203 : vector<16xf32>
    %mul3A_221 = arith.mulf %mul3A_220, %mul3A_217 : vector<16xf32>
    %mul3A_222 = arith.mulf %mul3A_221, %mul3A_217 : vector<16xf32>
    %sub3A_223 = arith.constant 1.500000e+00 : f32
    %sub3A_224 = vector.broadcast %sub3A_223 : f32 to vector<16xf32>
    %sub3A_225 = arith.subf %sub3A_224, %mul3A_222 : vector<16xf32>
    %mul3A_226 = arith.mulf %mul3A_217, %sub3A_225 : vector<16xf32>
    %mul3A_227 = arith.constant 5.000000e-01 : f32
    %mul3A_228 = vector.broadcast %mul3A_227 : f32 to vector<16xf32>
    %mul3A_229 = arith.mulf %mul3A_228, %max3A_203 : vector<16xf32>
    %mul3A_230 = arith.mulf %mul3A_229, %mul3A_226 : vector<16xf32>
    %mul3A_231 = arith.mulf %mul3A_230, %mul3A_226 : vector<16xf32>
    %sub3A_232 = arith.constant 1.500000e+00 : f32
    %sub3A_233 = vector.broadcast %sub3A_232 : f32 to vector<16xf32>
    %sub3A_234 = arith.subf %sub3A_233, %mul3A_231 : vector<16xf32>
    %mul3A_235 = arith.mulf %mul3A_226, %sub3A_234 : vector<16xf32>
    %get3A_236 = arith.constant 0 : index
    %get3A_237 = tpu.vector_load %arg10[%get3A_236] {strides = array<i32>} : memref<512xf32, #tpu.memory_space<vmem>>, vector<16xf32>,
    %get3A_238 = arith.constant 0 : index
    %get3A_239 = tpu.vector_load %arg11[%get3A_238] {strides = array<i32>} : memref<512xf32, #tpu.memory_space<vmem>>, vector<16xf32>,
    %add3A_240 = arith.addf %get3A_237, %get3A_239 : vector<16xf32>
    %mul3A_241 = arith.mulf %add3A_240, %mul3A_235 : vector<16xf32>
    %mul3A_242 = arith.mulf %mul3A_241, %get3A_196 : vector<16xf32>
    %swap3A = arith.constant 0 : index
    %swap3A_243 = tpu.vector_load %arg15[%swap3A] {strides = array<i32>} : memref<512xf32, #tpu.memory_space<vmem>>, vector<16xf32>,
    tpu.vector_store %arg15[%swap3A], %mul3A_242 {strides = array<i32>} : memref<512xf32, #tpu.memory_space<vmem>>, vector<16xf32>,
    %get3A_244 = arith.constant 16 : index
    %get3A_245 = tpu.vector_load %arg12[%get3A_244] {strides = array<i32>} : memref<512xf32, #tpu.memory_space<vmem>>, vector<16xf32>,
    %get3A_246 = arith.constant 16 : index
    %get3A_247 = tpu.vector_load %arg13[%get3A_246] {strides = array<i32>} : memref<512xf32, #tpu.memory_space<vmem>>, vector<16xf32>,
    %add3A_248 = arith.addf %get3A_245, %get3A_247 : vector<16xf32>
    %max3A_249 = arith.constant 1.000000e-16 : f32
    %max3A_250 = vector.broadcast %max3A_249 : f32 to vector<16xf32>
    %max3A_251 = arith.maximumf %add3A_248, %max3A_250 : vector<16xf32>
    %bitcast_convert_type3A_252 = tpu.bitcast %max3A_251 : vector<16xf32> -> vector<16xi32>
    %shift_right_arithmetic3A_253 = arith.constant 1 : i32
    %shift_right_arithmetic3A_254 = vector.broadcast %shift_right_arithmetic3A_253 : i32 to vector<16xi32>
    %shift_right_arithmetic3A_255 = arith.shrsi %bitcast_convert_type3A_252, %shift_right_arithmetic3A_254 : vector<16xi32>
    %sub3A_256 = arith.constant 1597463007 : i32
    %sub3A_257 = vector.broadcast %sub3A_256 : i32 to vector<16xi32>
    %sub3A_258 = arith.subi %sub3A_257, %shift_right_arithmetic3A_255 : vector<16xi32>
    %bitcast_convert_type3A_259 = tpu.bitcast %sub3A_258 : vector<16xi32> -> vector<16xf32>
    %mul3A_260 = arith.constant 5.000000e-01 : f32
    %mul3A_261 = vector.broadcast %mul3A_260 : f32 to vector<16xf32>
    %mul3A_262 = arith.mulf %mul3A_261, %max3A_251 : vector<16xf32>
    %mul3A_263 = arith.mulf %mul3A_262, %bitcast_convert_type3A_259 : vector<16xf32>
    %mul3A_264 = arith.mulf %mul3A_263, %bitcast_convert_type3A_259 : vector<16xf32>
    %sub3A_265 = arith.constant 1.500000e+00 : f32
    %sub3A_266 = vector.broadcast %sub3A_265 : f32 to vector<16xf32>
    %sub3A_267 = arith.subf %sub3A_266, %mul3A_264 : vector<16xf32>
    %mul3A_268 = arith.mulf %bitcast_convert_type3A_259, %sub3A_267 : vector<16xf32>
    %mul3A_269 = arith.constant 5.000000e-01 : f32
    %mul3A_270 = vector.broadcast %mul3A_269 : f32 to vector<16xf32>
    %mul3A_271 = arith.mulf %mul3A_270, %max3A_251 : vector<16xf32>
    %mul3A_272 = arith.mulf %mul3A_271, %mul3A_268 : vector<16xf32>
    %mul3A_273 = arith.mulf %mul3A_272, %mul3A_268 : vector<16xf32>
    %sub3A_274 = arith.constant 1.500000e+00 : f32
    %sub3A_275 = vector.broadcast %sub3A_274 : f32 to vector<16xf32>
    %sub3A_276 = arith.subf %sub3A_275, %mul3A_273 : vector<16xf32>
    %mul3A_277 = arith.mulf %mul3A_268, %sub3A_276 : vector<16xf32>
    %mul3A_278 = arith.constant 5.000000e-01 : f32
    %mul3A_279 = vector.broadcast %mul3A_278 : f32 to vector<16xf32>
    %mul3A_280 = arith.mulf %mul3A_279, %max3A_251 : vector<16xf32>
    %mul3A_281 = arith.mulf %mul3A_280, %mul3A_277 : vector<16xf32>
    %mul3A_282 = arith.mulf %mul3A_281, %mul3A_277 : vector<16xf32>
    %sub3A_283 = arith.constant 1.500000e+00 : f32
    %sub3A_284 = vector.broadcast %sub3A_283 : f32 to vector<16xf32>
    %sub3A_285 = arith.subf %sub3A_284, %mul3A_282 : vector<16xf32>
    %mul3A_286 = arith.mulf %mul3A_277, %sub3A_285 : vector<16xf32>
    %get3A_287 = arith.constant 16 : index
    %get3A_288 = tpu.vector_load %arg10[%get3A_287] {strides = array<i32>} : memref<512xf32, #tpu.memory_space<vmem>>, vector<16xf32>,
    %get3A_289 = arith.constant 16 : index
    %get3A_290 = tpu.vector_load %arg11[%get3A_289] {strides = array<i32>} : memref<512xf32, #tpu.memory_space<vmem>>, vector<16xf32>,
    %add3A_291 = arith.addf %get3A_288, %get3A_290 : vector<16xf32>
    %mul3A_292 = arith.mulf %add3A_291, %mul3A_286 : vector<16xf32>
    %mul3A_293 = arith.mulf %mul3A_292, %get3A_196 : vector<16xf32>
    %swap3A_294 = arith.constant 16 : index
    %swap3A_295 = tpu.vector_load %arg15[%swap3A_294] {strides = array<i32>} : memref<512xf32, #tpu.memory_space<vmem>>, vector<16xf32>,
    tpu.vector_store %arg15[%swap3A_294], %mul3A_293 {strides = array<i32>} : memref<512xf32, #tpu.memory_space<vmem>>, vector<16xf32>,
    %get3A_296 = arith.constant 32 : index
    %get3A_297 = tpu.vector_load %arg12[%get3A_296] {strides = array<i32>} : memref<512xf32, #tpu.memory_space<vmem>>, vector<16xf32>,
    %get3A_298 = arith.constant 32 : index
    %get3A_299 = tpu.vector_load %arg13[%get3A_298] {strides = array<i32>} : memref<512xf32, #tpu.memory_space<vmem>>, vector<16xf32>,
    %add3A_300 = arith.addf %get3A_297, %get3A_299 : vector<16xf32>
    %max3A_301 = arith.constant 1.000000e-16 : f32
    %max3A_302 = vector.broadcast %max3A_301 : f32 to vector<16xf32>
    %max3A_303 = arith.maximumf %add3A_300, %max3A_302 : vector<16xf32>
    %bitcast_convert_type3A_304 = tpu.bitcast %max3A_303 : vector<16xf32> -> vector<16xi32>
    %shift_right_arithmetic3A_305 = arith.constant 1 : i32
    %shift_right_arithmetic3A_306 = vector.broadcast %shift_right_arithmetic3A_305 : i32 to vector<16xi32>
    %shift_right_arithmetic3A_307 = arith.shrsi %bitcast_convert_type3A_304, %shift_right_arithmetic3A_306 : vector<16xi32>
    %sub3A_308 = arith.constant 1597463007 : i32
    %sub3A_309 = vector.broadcast %sub3A_308 : i32 to vector<16xi32>
    %sub3A_310 = arith.subi %sub3A_309, %shift_right_arithmetic3A_307 : vector<16xi32>
    %bitcast_convert_type3A_311 = tpu.bitcast %sub3A_310 : vector<16xi32> -> vector<16xf32>
    %mul3A_312 = arith.constant 5.000000e-01 : f32
    %mul3A_313 = vector.broadcast %mul3A_312 : f32 to vector<16xf32>
    %mul3A_314 = arith.mulf %mul3A_313, %max3A_303 : vector<16xf32>
    %mul3A_315 = arith.mulf %mul3A_314, %bitcast_convert_type3A_311 : vector<16xf32>
    %mul3A_316 = arith.mulf %mul3A_315, %bitcast_convert_type3A_311 : vector<16xf32>
    %sub3A_317 = arith.constant 1.500000e+00 : f32
    %sub3A_318 = vector.broadcast %sub3A_317 : f32 to vector<16xf32>
    %sub3A_319 = arith.subf %sub3A_318, %mul3A_316 : vector<16xf32>
    %mul3A_320 = arith.mulf %bitcast_convert_type3A_311, %sub3A_319 : vector<16xf32>
    %mul3A_321 = arith.constant 5.000000e-01 : f32
    %mul3A_322 = vector.broadcast %mul3A_321 : f32 to vector<16xf32>
    %mul3A_323 = arith.mulf %mul3A_322, %max3A_303 : vector<16xf32>
    %mul3A_324 = arith.mulf %mul3A_323, %mul3A_320 : vector<16xf32>
    %mul3A_325 = arith.mulf %mul3A_324, %mul3A_320 : vector<16xf32>
    %sub3A_326 = arith.constant 1.500000e+00 : f32
    %sub3A_327 = vector.broadcast %sub3A_326 : f32 to vector<16xf32>
    %sub3A_328 = arith.subf %sub3A_327, %mul3A_325 : vector<16xf32>
    %mul3A_329 = arith.mulf %mul3A_320, %sub3A_328 : vector<16xf32>
    %mul3A_330 = arith.constant 5.000000e-01 : f32
    %mul3A_331 = vector.broadcast %mul3A_330 : f32 to vector<16xf32>
    %mul3A_332 = arith.mulf %mul3A_331, %max3A_303 : vector<16xf32>
    %mul3A_333 = arith.mulf %mul3A_332, %mul3A_329 : vector<16xf32>
    %mul3A_334 = arith.mulf %mul3A_333, %mul3A_329 : vector<16xf32>
    %sub3A_335 = arith.constant 1.500000e+00 : f32
    %sub3A_336 = vector.broadcast %sub3A_335 : f32 to vector<16xf32>
    %sub3A_337 = arith.subf %sub3A_336, %mul3A_334 : vector<16xf32>
    %mul3A_338 = arith.mulf %mul3A_329, %sub3A_337 : vector<16xf32>
    %get3A_339 = arith.constant 32 : index
    %get3A_340 = tpu.vector_load %arg10[%get3A_339] {strides = array<i32>} : memref<512xf32, #tpu.memory_space<vmem>>, vector<16xf32>,
    %get3A_341 = arith.constant 32 : index
    %get3A_342 = tpu.vector_load %arg11[%get3A_341] {strides = array<i32>} : memref<512xf32, #tpu.memory_space<vmem>>, vector<16xf32>,
    %add3A_343 = arith.addf %get3A_340, %get3A_342 : vector<16xf32>
    %mul3A_344 = arith.mulf %add3A_343, %mul3A_338 : vector<16xf32>
    %mul3A_345 = arith.mulf %mul3A_344, %get3A_196 : vector<16xf32>
    %swap3A_346 = arith.constant 32 : index
    %swap3A_347 = tpu.vector_load %arg15[%swap3A_346] {strides = array<i32>} : memref<512xf32, #tpu.memory_space<vmem>>, vector<16xf32>,
    tpu.vector_store %arg15[%swap3A_346], %mul3A_345 {strides = array<i32>} : memref<512xf32, #tpu.memory_space<vmem>>, vector<16xf32>,
    %get3A_348 = arith.constant 48 : index
    %get3A_349 = tpu.vector_load %arg12[%get3A_348] {strides = array<i32>} : memref<512xf32, #tpu.memory_space<vmem>>, vector<16xf32>,
    %get3A_350 = arith.constant 48 : index
    %get3A_351 = tpu.vector_load %arg13[%get3A_350] {strides = array<i32>} : memref<512xf32, #tpu.memory_space<vmem>>, vector<16xf32>,
    %add3A_352 = arith.addf %get3A_349, %get3A_351 : vector<16xf32>
    %max3A_353 = arith.constant 1.000000e-16 : f32
    %max3A_354 = vector.broadcast %max3A_353 : f32 to vector<16xf32>
    %max3A_355 = arith.maximumf %add3A_352, %max3A_354 : vector<16xf32>
    %bitcast_convert_type3A_356 = tpu.bitcast %max3A_355 : vector<16xf32> -> vector<16xi32>
    %shift_right_arithmetic3A_357 = arith.constant 1 : i32
    %shift_right_arithmetic3A_358 = vector.broadcast %shift_right_arithmetic3A_357 : i32 to vector<16xi32>
    %shift_right_arithmetic3A_359 = arith.shrsi %bitcast_convert_type3A_356, %shift_right_arithmetic3A_358 : vector<16xi32>
    %sub3A_360 = arith.constant 1597463007 : i32
    %sub3A_361 = vector.broadcast %sub3A_360 : i32 to vector<16xi32>
    %sub3A_362 = arith.subi %sub3A_361, %shift_right_arithmetic3A_359 : vector<16xi32>
    %bitcast_convert_type3A_363 = tpu.bitcast %sub3A_362 : vector<16xi32> -> vector<16xf32>
    %mul3A_364 = arith.constant 5.000000e-01 : f32
    %mul3A_365 = vector.broadcast %mul3A_364 : f32 to vector<16xf32>
    %mul3A_366 = arith.mulf %mul3A_365, %max3A_355 : vector<16xf32>
    %mul3A_367 = arith.mulf %mul3A_366, %bitcast_convert_type3A_363 : vector<16xf32>
    %mul3A_368 = arith.mulf %mul3A_367, %bitcast_convert_type3A_363 : vector<16xf32>
    %sub3A_369 = arith.constant 1.500000e+00 : f32
    %sub3A_370 = vector.broadcast %sub3A_369 : f32 to vector<16xf32>
    %sub3A_371 = arith.subf %sub3A_370, %mul3A_368 : vector<16xf32>
    %mul3A_372 = arith.mulf %bitcast_convert_type3A_363, %sub3A_371 : vector<16xf32>
    %mul3A_373 = arith.constant 5.000000e-01 : f32
    %mul3A_374 = vector.broadcast %mul3A_373 : f32 to vector<16xf32>
    %mul3A_375 = arith.mulf %mul3A_374, %max3A_355 : vector<16xf32>
    %mul3A_376 = arith.mulf %mul3A_375, %mul3A_372 : vector<16xf32>
    %mul3A_377 = arith.mulf %mul3A_376, %mul3A_372 : vector<16xf32>
    %sub3A_378 = arith.constant 1.500000e+00 : f32
    %sub3A_379 = vector.broadcast %sub3A_378 : f32 to vector<16xf32>
    %sub3A_380 = arith.subf %sub3A_379, %mul3A_377 : vector<16xf32>
    %mul3A_381 = arith.mulf %mul3A_372, %sub3A_380 : vector<16xf32>
    %mul3A_382 = arith.constant 5.000000e-01 : f32
    %mul3A_383 = vector.broadcast %mul3A_382 : f32 to vector<16xf32>
    %mul3A_384 = arith.mulf %mul3A_383, %max3A_355 : vector<16xf32>
    %mul3A_385 = arith.mulf %mul3A_384, %mul3A_381 : vector<16xf32>
    %mul3A_386 = arith.mulf %mul3A_385, %mul3A_381 : vector<16xf32>
    %sub3A_387 = arith.constant 1.500000e+00 : f32
    %sub3A_388 = vector.broadcast %sub3A_387 : f32 to vector<16xf32>
    %sub3A_389 = arith.subf %sub3A_388, %mul3A_386 : vector<16xf32>
    %mul3A_390 = arith.mulf %mul3A_381, %sub3A_389 : vector<16xf32>
    %get3A_391 = arith.constant 48 : index
    %get3A_392 = tpu.vector_load %arg10[%get3A_391] {strides = array<i32>} : memref<512xf32, #tpu.memory_space<vmem>>, vector<16xf32>,
    %get3A_393 = arith.constant 48 : index
    %get3A_394 = tpu.vector_load %arg11[%get3A_393] {strides = array<i32>} : memref<512xf32, #tpu.memory_space<vmem>>, vector<16xf32>,
    %add3A_395 = arith.addf %get3A_392, %get3A_394 : vector<16xf32>
    %mul3A_396 = arith.mulf %add3A_395, %mul3A_390 : vector<16xf32>
    %mul3A_397 = arith.mulf %mul3A_396, %get3A_196 : vector<16xf32>
    %swap3A_398 = arith.constant 48 : index
    %swap3A_399 = tpu.vector_load %arg15[%swap3A_398] {strides = array<i32>} : memref<512xf32, #tpu.memory_space<vmem>>, vector<16xf32>,
    tpu.vector_store %arg15[%swap3A_398], %mul3A_397 {strides = array<i32>} : memref<512xf32, #tpu.memory_space<vmem>>, vector<16xf32>,
    %get3A_400 = arith.constant 64 : index
    %get3A_401 = tpu.vector_load %arg12[%get3A_400] {strides = array<i32>} : memref<512xf32, #tpu.memory_space<vmem>>, vector<16xf32>,
    %get3A_402 = arith.constant 64 : index
    %get3A_403 = tpu.vector_load %arg13[%get3A_402] {strides = array<i32>} : memref<512xf32, #tpu.memory_space<vmem>>, vector<16xf32>,
    %add3A_404 = arith.addf %get3A_401, %get3A_403 : vector<16xf32>
    %max3A_405 = arith.constant 1.000000e-16 : f32
    %max3A_406 = vector.broadcast %max3A_405 : f32 to vector<16xf32>
    %max3A_407 = arith.maximumf %add3A_404, %max3A_406 : vector<16xf32>
    %bitcast_convert_type3A_408 = tpu.bitcast %max3A_407 : vector<16xf32> -> vector<16xi32>
    %shift_right_arithmetic3A_409 = arith.constant 1 : i32
    %shift_right_arithmetic3A_410 = vector.broadcast %shift_right_arithmetic3A_409 : i32 to vector<16xi32>
    %shift_right_arithmetic3A_411 = arith.shrsi %bitcast_convert_type3A_408, %shift_right_arithmetic3A_410 : vector<16xi32>
    %sub3A_412 = arith.constant 1597463007 : i32
    %sub3A_413 = vector.broadcast %sub3A_412 : i32 to vector<16xi32>
    %sub3A_414 = arith.subi %sub3A_413, %shift_right_arithmetic3A_411 : vector<16xi32>
    %bitcast_convert_type3A_415 = tpu.bitcast %sub3A_414 : vector<16xi32> -> vector<16xf32>
    %mul3A_416 = arith.constant 5.000000e-01 : f32
    %mul3A_417 = vector.broadcast %mul3A_416 : f32 to vector<16xf32>
    %mul3A_418 = arith.mulf %mul3A_417, %max3A_407 : vector<16xf32>
    %mul3A_419 = arith.mulf %mul3A_418, %bitcast_convert_type3A_415 : vector<16xf32>
    %mul3A_420 = arith.mulf %mul3A_419, %bitcast_convert_type3A_415 : vector<16xf32>
    %sub3A_421 = arith.constant 1.500000e+00 : f32
    %sub3A_422 = vector.broadcast %sub3A_421 : f32 to vector<16xf32>
    %sub3A_423 = arith.subf %sub3A_422, %mul3A_420 : vector<16xf32>
    %mul3A_424 = arith.mulf %bitcast_convert_type3A_415, %sub3A_423 : vector<16xf32>
    %mul3A_425 = arith.constant 5.000000e-01 : f32
    %mul3A_426 = vector.broadcast %mul3A_425 : f32 to vector<16xf32>
    %mul3A_427 = arith.mulf %mul3A_426, %max3A_407 : vector<16xf32>
    %mul3A_428 = arith.mulf %mul3A_427, %mul3A_424 : vector<16xf32>
    %mul3A_429 = arith.mulf %mul3A_428, %mul3A_424 : vector<16xf32>
    %sub3A_430 = arith.constant 1.500000e+00 : f32
    %sub3A_431 = vector.broadcast %sub3A_430 : f32 to vector<16xf32>
    %sub3A_432 = arith.subf %sub3A_431, %mul3A_429 : vector<16xf32>
    %mul3A_433 = arith.mulf %mul3A_424, %sub3A_432 : vector<16xf32>
    %mul3A_434 = arith.constant 5.000000e-01 : f32
    %mul3A_435 = vector.broadcast %mul3A_434 : f32 to vector<16xf32>
    %mul3A_436 = arith.mulf %mul3A_435, %max3A_407 : vector<16xf32>
    %mul3A_437 = arith.mulf %mul3A_436, %mul3A_433 : vector<16xf32>
    %mul3A_438 = arith.mulf %mul3A_437, %mul3A_433 : vector<16xf32>
    %sub3A_439 = arith.constant 1.500000e+00 : f32
    %sub3A_440 = vector.broadcast %sub3A_439 : f32 to vector<16xf32>
    %sub3A_441 = arith.subf %sub3A_440, %mul3A_438 : vector<16xf32>
    %mul3A_442 = arith.mulf %mul3A_433, %sub3A_441 : vector<16xf32>
    %get3A_443 = arith.constant 64 : index
    %get3A_444 = tpu.vector_load %arg10[%get3A_443] {strides = array<i32>} : memref<512xf32, #tpu.memory_space<vmem>>, vector<16xf32>,
    %get3A_445 = arith.constant 64 : index
    %get3A_446 = tpu.vector_load %arg11[%get3A_445] {strides = array<i32>} : memref<512xf32, #tpu.memory_space<vmem>>, vector<16xf32>,
    %add3A_447 = arith.addf %get3A_444, %get3A_446 : vector<16xf32>
    %mul3A_448 = arith.mulf %add3A_447, %mul3A_442 : vector<16xf32>
    %mul3A_449 = arith.mulf %mul3A_448, %get3A_196 : vector<16xf32>
    %swap3A_450 = arith.constant 64 : index
    %swap3A_451 = tpu.vector_load %arg15[%swap3A_450] {strides = array<i32>} : memref<512xf32, #tpu.memory_space<vmem>>, vector<16xf32>,
    tpu.vector_store %arg15[%swap3A_450], %mul3A_449 {strides = array<i32>} : memref<512xf32, #tpu.memory_space<vmem>>, vector<16xf32>,
    %get3A_452 = arith.constant 80 : index
    %get3A_453 = tpu.vector_load %arg12[%get3A_452] {strides = array<i32>} : memref<512xf32, #tpu.memory_space<vmem>>, vector<16xf32>,
    %get3A_454 = arith.constant 80 : index
    %get3A_455 = tpu.vector_load %arg13[%get3A_454] {strides = array<i32>} : memref<512xf32, #tpu.memory_space<vmem>>, vector<16xf32>,
    %add3A_456 = arith.addf %get3A_453, %get3A_455 : vector<16xf32>
    %max3A_457 = arith.constant 1.000000e-16 : f32
    %max3A_458 = vector.broadcast %max3A_457 : f32 to vector<16xf32>
    %max3A_459 = arith.maximumf %add3A_456, %max3A_458 : vector<16xf32>
    %bitcast_convert_type3A_460 = tpu.bitcast %max3A_459 : vector<16xf32> -> vector<16xi32>
    %shift_right_arithmetic3A_461 = arith.constant 1 : i32
    %shift_right_arithmetic3A_462 = vector.broadcast %shift_right_arithmetic3A_461 : i32 to vector<16xi32>
    %shift_right_arithmetic3A_463 = arith.shrsi %bitcast_convert_type3A_460, %shift_right_arithmetic3A_462 : vector<16xi32>
    %sub3A_464 = arith.constant 1597463007 : i32
    %sub3A_465 = vector.broadcast %sub3A_464 : i32 to vector<16xi32>
    %sub3A_466 = arith.subi %sub3A_465, %shift_right_arithmetic3A_463 : vector<16xi32>
    %bitcast_convert_type3A_467 = tpu.bitcast %sub3A_466 : vector<16xi32> -> vector<16xf32>
    %mul3A_468 = arith.constant 5.000000e-01 : f32
    %mul3A_469 = vector.broadcast %mul3A_468 : f32 to vector<16xf32>
    %mul3A_470 = arith.mulf %mul3A_469, %max3A_459 : vector<16xf32>
    %mul3A_471 = arith.mulf %mul3A_470, %bitcast_convert_type3A_467 : vector<16xf32>
    %mul3A_472 = arith.mulf %mul3A_471, %bitcast_convert_type3A_467 : vector<16xf32>
    %sub3A_473 = arith.constant 1.500000e+00 : f32
    %sub3A_474 = vector.broadcast %sub3A_473 : f32 to vector<16xf32>
    %sub3A_475 = arith.subf %sub3A_474, %mul3A_472 : vector<16xf32>
    %mul3A_476 = arith.mulf %bitcast_convert_type3A_467, %sub3A_475 : vector<16xf32>
    %mul3A_477 = arith.constant 5.000000e-01 : f32
    %mul3A_478 = vector.broadcast %mul3A_477 : f32 to vector<16xf32>
    %mul3A_479 = arith.mulf %mul3A_478, %max3A_459 : vector<16xf32>
    %mul3A_480 = arith.mulf %mul3A_479, %mul3A_476 : vector<16xf32>
    %mul3A_481 = arith.mulf %mul3A_480, %mul3A_476 : vector<16xf32>
    %sub3A_482 = arith.constant 1.500000e+00 : f32
    %sub3A_483 = vector.broadcast %sub3A_482 : f32 to vector<16xf32>
    %sub3A_484 = arith.subf %sub3A_483, %mul3A_481 : vector<16xf32>
    %mul3A_485 = arith.mulf %mul3A_476, %sub3A_484 : vector<16xf32>
    %mul3A_486 = arith.constant 5.000000e-01 : f32
    %mul3A_487 = vector.broadcast %mul3A_486 : f32 to vector<16xf32>
    %mul3A_488 = arith.mulf %mul3A_487, %max3A_459 : vector<16xf32>
    %mul3A_489 = arith.mulf %mul3A_488, %mul3A_485 : vector<16xf32>
    %mul3A_490 = arith.mulf %mul3A_489, %mul3A_485 : vector<16xf32>
    %sub3A_491 = arith.constant 1.500000e+00 : f32
    %sub3A_492 = vector.broadcast %sub3A_491 : f32 to vector<16xf32>
    %sub3A_493 = arith.subf %sub3A_492, %mul3A_490 : vector<16xf32>
    %mul3A_494 = arith.mulf %mul3A_485, %sub3A_493 : vector<16xf32>
    %get3A_495 = arith.constant 80 : index
    %get3A_496 = tpu.vector_load %arg10[%get3A_495] {strides = array<i32>} : memref<512xf32, #tpu.memory_space<vmem>>, vector<16xf32>,
    %get3A_497 = arith.constant 80 : index
    %get3A_498 = tpu.vector_load %arg11[%get3A_497] {strides = array<i32>} : memref<512xf32, #tpu.memory_space<vmem>>, vector<16xf32>,
    %add3A_499 = arith.addf %get3A_496, %get3A_498 : vector<16xf32>
    %mul3A_500 = arith.mulf %add3A_499, %mul3A_494 : vector<16xf32>
    %mul3A_501 = arith.mulf %mul3A_500, %get3A_196 : vector<16xf32>
    %swap3A_502 = arith.constant 80 : index
    %swap3A_503 = tpu.vector_load %arg15[%swap3A_502] {strides = array<i32>} : memref<512xf32, #tpu.memory_space<vmem>>, vector<16xf32>,
    tpu.vector_store %arg15[%swap3A_502], %mul3A_501 {strides = array<i32>} : memref<512xf32, #tpu.memory_space<vmem>>, vector<16xf32>,
    %get3A_504 = arith.constant 96 : index
    %get3A_505 = tpu.vector_load %arg12[%get3A_504] {strides = array<i32>} : memref<512xf32, #tpu.memory_space<vmem>>, vector<16xf32>,
    %get3A_506 = arith.constant 96 : index
    %get3A_507 = tpu.vector_load %arg13[%get3A_506] {strides = array<i32>} : memref<512xf32, #tpu.memory_space<vmem>>, vector<16xf32>,
    %add3A_508 = arith.addf %get3A_505, %get3A_507 : vector<16xf32>
    %max3A_509 = arith.constant 1.000000e-16 : f32
    %max3A_510 = vector.broadcast %max3A_509 : f32 to vector<16xf32>
    %max3A_511 = arith.maximumf %add3A_508, %max3A_510 : vector<16xf32>
    %bitcast_convert_type3A_512 = tpu.bitcast %max3A_511 : vector<16xf32> -> vector<16xi32>
    %shift_right_arithmetic3A_513 = arith.constant 1 : i32
    %shift_right_arithmetic3A_514 = vector.broadcast %shift_right_arithmetic3A_513 : i32 to vector<16xi32>
    %shift_right_arithmetic3A_515 = arith.shrsi %bitcast_convert_type3A_512, %shift_right_arithmetic3A_514 : vector<16xi32>
    %sub3A_516 = arith.constant 1597463007 : i32
    %sub3A_517 = vector.broadcast %sub3A_516 : i32 to vector<16xi32>
    %sub3A_518 = arith.subi %sub3A_517, %shift_right_arithmetic3A_515 : vector<16xi32>
    %bitcast_convert_type3A_519 = tpu.bitcast %sub3A_518 : vector<16xi32> -> vector<16xf32>
    %mul3A_520 = arith.constant 5.000000e-01 : f32
    %mul3A_521 = vector.broadcast %mul3A_520 : f32 to vector<16xf32>
    %mul3A_522 = arith.mulf %mul3A_521, %max3A_511 : vector<16xf32>
    %mul3A_523 = arith.mulf %mul3A_522, %bitcast_convert_type3A_519 : vector<16xf32>
    %mul3A_524 = arith.mulf %mul3A_523, %bitcast_convert_type3A_519 : vector<16xf32>
    %sub3A_525 = arith.constant 1.500000e+00 : f32
    %sub3A_526 = vector.broadcast %sub3A_525 : f32 to vector<16xf32>
    %sub3A_527 = arith.subf %sub3A_526, %mul3A_524 : vector<16xf32>
    %mul3A_528 = arith.mulf %bitcast_convert_type3A_519, %sub3A_527 : vector<16xf32>
    %mul3A_529 = arith.constant 5.000000e-01 : f32
    %mul3A_530 = vector.broadcast %mul3A_529 : f32 to vector<16xf32>
    %mul3A_531 = arith.mulf %mul3A_530, %max3A_511 : vector<16xf32>
    %mul3A_532 = arith.mulf %mul3A_531, %mul3A_528 : vector<16xf32>
    %mul3A_533 = arith.mulf %mul3A_532, %mul3A_528 : vector<16xf32>
    %sub3A_534 = arith.constant 1.500000e+00 : f32
    %sub3A_535 = vector.broadcast %sub3A_534 : f32 to vector<16xf32>
    %sub3A_536 = arith.subf %sub3A_535, %mul3A_533 : vector<16xf32>
    %mul3A_537 = arith.mulf %mul3A_528, %sub3A_536 : vector<16xf32>
    %mul3A_538 = arith.constant 5.000000e-01 : f32
    %mul3A_539 = vector.broadcast %mul3A_538 : f32 to vector<16xf32>
    %mul3A_540 = arith.mulf %mul3A_539, %max3A_511 : vector<16xf32>
    %mul3A_541 = arith.mulf %mul3A_540, %mul3A_537 : vector<16xf32>
    %mul3A_542 = arith.mulf %mul3A_541, %mul3A_537 : vector<16xf32>
    %sub3A_543 = arith.constant 1.500000e+00 : f32
    %sub3A_544 = vector.broadcast %sub3A_543 : f32 to vector<16xf32>
    %sub3A_545 = arith.subf %sub3A_544, %mul3A_542 : vector<16xf32>
    %mul3A_546 = arith.mulf %mul3A_537, %sub3A_545 : vector<16xf32>
    %get3A_547 = arith.constant 96 : index
    %get3A_548 = tpu.vector_load %arg10[%get3A_547] {strides = array<i32>} : memref<512xf32, #tpu.memory_space<vmem>>, vector<16xf32>,
    %get3A_549 = arith.constant 96 : index
    %get3A_550 = tpu.vector_load %arg11[%get3A_549] {strides = array<i32>} : memref<512xf32, #tpu.memory_space<vmem>>, vector<16xf32>,
    %add3A_551 = arith.addf %get3A_548, %get3A_550 : vector<16xf32>
    %mul3A_552 = arith.mulf %add3A_551, %mul3A_546 : vector<16xf32>
    %mul3A_553 = arith.mulf %mul3A_552, %get3A_196 : vector<16xf32>
    %swap3A_554 = arith.constant 96 : index
    %swap3A_555 = tpu.vector_load %arg15[%swap3A_554] {strides = array<i32>} : memref<512xf32, #tpu.memory_space<vmem>>, vector<16xf32>,
    tpu.vector_store %arg15[%swap3A_554], %mul3A_553 {strides = array<i32>} : memref<512xf32, #tpu.memory_space<vmem>>, vector<16xf32>,
    %get3A_556 = arith.constant 112 : index
    %get3A_557 = tpu.vector_load %arg12[%get3A_556] {strides = array<i32>} : memref<512xf32, #tpu.memory_space<vmem>>, vector<16xf32>,
    %get3A_558 = arith.constant 112 : index
    %get3A_559 = tpu.vector_load %arg13[%get3A_558] {strides = array<i32>} : memref<512xf32, #tpu.memory_space<vmem>>, vector<16xf32>,
    %add3A_560 = arith.addf %get3A_557, %get3A_559 : vector<16xf32>
    %max3A_561 = arith.constant 1.000000e-16 : f32
    %max3A_562 = vector.broadcast %max3A_561 : f32 to vector<16xf32>
    %max3A_563 = arith.maximumf %add3A_560, %max3A_562 : vector<16xf32>
    %bitcast_convert_type3A_564 = tpu.bitcast %max3A_563 : vector<16xf32> -> vector<16xi32>
    %shift_right_arithmetic3A_565 = arith.constant 1 : i32
    %shift_right_arithmetic3A_566 = vector.broadcast %shift_right_arithmetic3A_565 : i32 to vector<16xi32>
    %shift_right_arithmetic3A_567 = arith.shrsi %bitcast_convert_type3A_564, %shift_right_arithmetic3A_566 : vector<16xi32>
    %sub3A_568 = arith.constant 1597463007 : i32
    %sub3A_569 = vector.broadcast %sub3A_568 : i32 to vector<16xi32>
    %sub3A_570 = arith.subi %sub3A_569, %shift_right_arithmetic3A_567 : vector<16xi32>
    %bitcast_convert_type3A_571 = tpu.bitcast %sub3A_570 : vector<16xi32> -> vector<16xf32>
    %mul3A_572 = arith.constant 5.000000e-01 : f32
    %mul3A_573 = vector.broadcast %mul3A_572 : f32 to vector<16xf32>
    %mul3A_574 = arith.mulf %mul3A_573, %max3A_563 : vector<16xf32>
    %mul3A_575 = arith.mulf %mul3A_574, %bitcast_convert_type3A_571 : vector<16xf32>
    %mul3A_576 = arith.mulf %mul3A_575, %bitcast_convert_type3A_571 : vector<16xf32>
    %sub3A_577 = arith.constant 1.500000e+00 : f32
    %sub3A_578 = vector.broadcast %sub3A_577 : f32 to vector<16xf32>
    %sub3A_579 = arith.subf %sub3A_578, %mul3A_576 : vector<16xf32>
    %mul3A_580 = arith.mulf %bitcast_convert_type3A_571, %sub3A_579 : vector<16xf32>
    %mul3A_581 = arith.constant 5.000000e-01 : f32
    %mul3A_582 = vector.broadcast %mul3A_581 : f32 to vector<16xf32>
    %mul3A_583 = arith.mulf %mul3A_582, %max3A_563 : vector<16xf32>
    %mul3A_584 = arith.mulf %mul3A_583, %mul3A_580 : vector<16xf32>
    %mul3A_585 = arith.mulf %mul3A_584, %mul3A_580 : vector<16xf32>
    %sub3A_586 = arith.constant 1.500000e+00 : f32
    %sub3A_587 = vector.broadcast %sub3A_586 : f32 to vector<16xf32>
    %sub3A_588 = arith.subf %sub3A_587, %mul3A_585 : vector<16xf32>
    %mul3A_589 = arith.mulf %mul3A_580, %sub3A_588 : vector<16xf32>
    %mul3A_590 = arith.constant 5.000000e-01 : f32
    %mul3A_591 = vector.broadcast %mul3A_590 : f32 to vector<16xf32>
    %mul3A_592 = arith.mulf %mul3A_591, %max3A_563 : vector<16xf32>
    %mul3A_593 = arith.mulf %mul3A_592, %mul3A_589 : vector<16xf32>
    %mul3A_594 = arith.mulf %mul3A_593, %mul3A_589 : vector<16xf32>
    %sub3A_595 = arith.constant 1.500000e+00 : f32
    %sub3A_596 = vector.broadcast %sub3A_595 : f32 to vector<16xf32>
    %sub3A_597 = arith.subf %sub3A_596, %mul3A_594 : vector<16xf32>
    %mul3A_598 = arith.mulf %mul3A_589, %sub3A_597 : vector<16xf32>
    %get3A_599 = arith.constant 112 : index
    %get3A_600 = tpu.vector_load %arg10[%get3A_599] {strides = array<i32>} : memref<512xf32, #tpu.memory_space<vmem>>, vector<16xf32>,
    %get3A_601 = arith.constant 112 : index
    %get3A_602 = tpu.vector_load %arg11[%get3A_601] {strides = array<i32>} : memref<512xf32, #tpu.memory_space<vmem>>, vector<16xf32>,
    %add3A_603 = arith.addf %get3A_600, %get3A_602 : vector<16xf32>
    %mul3A_604 = arith.mulf %add3A_603, %mul3A_598 : vector<16xf32>
    %mul3A_605 = arith.mulf %mul3A_604, %get3A_196 : vector<16xf32>
    %swap3A_606 = arith.constant 112 : index
    %swap3A_607 = tpu.vector_load %arg15[%swap3A_606] {strides = array<i32>} : memref<512xf32, #tpu.memory_space<vmem>>, vector<16xf32>,
    tpu.vector_store %arg15[%swap3A_606], %mul3A_605 {strides = array<i32>} : memref<512xf32, #tpu.memory_space<vmem>>, vector<16xf32>,
    %get3A_608 = arith.constant 128 : index
    %get3A_609 = tpu.vector_load %arg12[%get3A_608] {strides = array<i32>} : memref<512xf32, #tpu.memory_space<vmem>>, vector<16xf32>,
    %get3A_610 = arith.constant 128 : index
    %get3A_611 = tpu.vector_load %arg13[%get3A_610] {strides = array<i32>} : memref<512xf32, #tpu.memory_space<vmem>>, vector<16xf32>,
    %add3A_612 = arith.addf %get3A_609, %get3A_611 : vector<16xf32>
    %max3A_613 = arith.constant 1.000000e-16 : f32
    %max3A_614 = vector.broadcast %max3A_613 : f32 to vector<16xf32>
    %max3A_615 = arith.maximumf %add3A_612, %max3A_614 : vector<16xf32>
    %bitcast_convert_type3A_616 = tpu.bitcast %max3A_615 : vector<16xf32> -> vector<16xi32>
    %shift_right_arithmetic3A_617 = arith.constant 1 : i32
    %shift_right_arithmetic3A_618 = vector.broadcast %shift_right_arithmetic3A_617 : i32 to vector<16xi32>
    %shift_right_arithmetic3A_619 = arith.shrsi %bitcast_convert_type3A_616, %shift_right_arithmetic3A_618 : vector<16xi32>
    %sub3A_620 = arith.constant 1597463007 : i32
    %sub3A_621 = vector.broadcast %sub3A_620 : i32 to vector<16xi32>
    %sub3A_622 = arith.subi %sub3A_621, %shift_right_arithmetic3A_619 : vector<16xi32>
    %bitcast_convert_type3A_623 = tpu.bitcast %sub3A_622 : vector<16xi32> -> vector<16xf32>
    %mul3A_624 = arith.constant 5.000000e-01 : f32
    %mul3A_625 = vector.broadcast %mul3A_624 : f32 to vector<16xf32>
    %mul3A_626 = arith.mulf %mul3A_625, %max3A_615 : vector<16xf32>
    %mul3A_627 = arith.mulf %mul3A_626, %bitcast_convert_type3A_623 : vector<16xf32>
    %mul3A_628 = arith.mulf %mul3A_627, %bitcast_convert_type3A_623 : vector<16xf32>
    %sub3A_629 = arith.constant 1.500000e+00 : f32
    %sub3A_630 = vector.broadcast %sub3A_629 : f32 to vector<16xf32>
    %sub3A_631 = arith.subf %sub3A_630, %mul3A_628 : vector<16xf32>
    %mul3A_632 = arith.mulf %bitcast_convert_type3A_623, %sub3A_631 : vector<16xf32>
    %mul3A_633 = arith.constant 5.000000e-01 : f32
    %mul3A_634 = vector.broadcast %mul3A_633 : f32 to vector<16xf32>
    %mul3A_635 = arith.mulf %mul3A_634, %max3A_615 : vector<16xf32>
    %mul3A_636 = arith.mulf %mul3A_635, %mul3A_632 : vector<16xf32>
    %mul3A_637 = arith.mulf %mul3A_636, %mul3A_632 : vector<16xf32>
    %sub3A_638 = arith.constant 1.500000e+00 : f32
    %sub3A_639 = vector.broadcast %sub3A_638 : f32 to vector<16xf32>
    %sub3A_640 = arith.subf %sub3A_639, %mul3A_637 : vector<16xf32>
    %mul3A_641 = arith.mulf %mul3A_632, %sub3A_640 : vector<16xf32>
    %mul3A_642 = arith.constant 5.000000e-01 : f32
    %mul3A_643 = vector.broadcast %mul3A_642 : f32 to vector<16xf32>
    %mul3A_644 = arith.mulf %mul3A_643, %max3A_615 : vector<16xf32>
    %mul3A_645 = arith.mulf %mul3A_644, %mul3A_641 : vector<16xf32>
    %mul3A_646 = arith.mulf %mul3A_645, %mul3A_641 : vector<16xf32>
    %sub3A_647 = arith.constant 1.500000e+00 : f32
    %sub3A_648 = vector.broadcast %sub3A_647 : f32 to vector<16xf32>
    %sub3A_649 = arith.subf %sub3A_648, %mul3A_646 : vector<16xf32>
    %mul3A_650 = arith.mulf %mul3A_641, %sub3A_649 : vector<16xf32>
    %get3A_651 = arith.constant 128 : index
    %get3A_652 = tpu.vector_load %arg10[%get3A_651] {strides = array<i32>} : memref<512xf32, #tpu.memory_space<vmem>>, vector<16xf32>,
    %get3A_653 = arith.constant 128 : index
    %get3A_654 = tpu.vector_load %arg11[%get3A_653] {strides = array<i32>} : memref<512xf32, #tpu.memory_space<vmem>>, vector<16xf32>,
    %add3A_655 = arith.addf %get3A_652, %get3A_654 : vector<16xf32>
    %mul3A_656 = arith.mulf %add3A_655, %mul3A_650 : vector<16xf32>
    %mul3A_657 = arith.mulf %mul3A_656, %get3A_196 : vector<16xf32>
    %swap3A_658 = arith.constant 128 : index
    %swap3A_659 = tpu.vector_load %arg15[%swap3A_658] {strides = array<i32>} : memref<512xf32, #tpu.memory_space<vmem>>, vector<16xf32>,
    tpu.vector_store %arg15[%swap3A_658], %mul3A_657 {strides = array<i32>} : memref<512xf32, #tpu.memory_space<vmem>>, vector<16xf32>,
    %get3A_660 = arith.constant 144 : index
    %get3A_661 = tpu.vector_load %arg12[%get3A_660] {strides = array<i32>} : memref<512xf32, #tpu.memory_space<vmem>>, vector<16xf32>,
    %get3A_662 = arith.constant 144 : index
    %get3A_663 = tpu.vector_load %arg13[%get3A_662] {strides = array<i32>} : memref<512xf32, #tpu.memory_space<vmem>>, vector<16xf32>,
    %add3A_664 = arith.addf %get3A_661, %get3A_663 : vector<16xf32>
    %max3A_665 = arith.constant 1.000000e-16 : f32
    %max3A_666 = vector.broadcast %max3A_665 : f32 to vector<16xf32>
    %max3A_667 = arith.maximumf %add3A_664, %max3A_666 : vector<16xf32>
    %bitcast_convert_type3A_668 = tpu.bitcast %max3A_667 : vector<16xf32> -> vector<16xi32>
    %shift_right_arithmetic3A_669 = arith.constant 1 : i32
    %shift_right_arithmetic3A_670 = vector.broadcast %shift_right_arithmetic3A_669 : i32 to vector<16xi32>
    %shift_right_arithmetic3A_671 = arith.shrsi %bitcast_convert_type3A_668, %shift_right_arithmetic3A_670 : vector<16xi32>
    %sub3A_672 = arith.constant 1597463007 : i32
    %sub3A_673 = vector.broadcast %sub3A_672 : i32 to vector<16xi32>
    %sub3A_674 = arith.subi %sub3A_673, %shift_right_arithmetic3A_671 : vector<16xi32>
    %bitcast_convert_type3A_675 = tpu.bitcast %sub3A_674 : vector<16xi32> -> vector<16xf32>
    %mul3A_676 = arith.constant 5.000000e-01 : f32
    %mul3A_677 = vector.broadcast %mul3A_676 : f32 to vector<16xf32>
    %mul3A_678 = arith.mulf %mul3A_677, %max3A_667 : vector<16xf32>
    %mul3A_679 = arith.mulf %mul3A_678, %bitcast_convert_type3A_675 : vector<16xf32>
    %mul3A_680 = arith.mulf %mul3A_679, %bitcast_convert_type3A_675 : vector<16xf32>
    %sub3A_681 = arith.constant 1.500000e+00 : f32
    %sub3A_682 = vector.broadcast %sub3A_681 : f32 to vector<16xf32>
    %sub3A_683 = arith.subf %sub3A_682, %mul3A_680 : vector<16xf32>
    %mul3A_684 = arith.mulf %bitcast_convert_type3A_675, %sub3A_683 : vector<16xf32>
    %mul3A_685 = arith.constant 5.000000e-01 : f32
    %mul3A_686 = vector.broadcast %mul3A_685 : f32 to vector<16xf32>
    %mul3A_687 = arith.mulf %mul3A_686, %max3A_667 : vector<16xf32>
    %mul3A_688 = arith.mulf %mul3A_687, %mul3A_684 : vector<16xf32>
    %mul3A_689 = arith.mulf %mul3A_688, %mul3A_684 : vector<16xf32>
    %sub3A_690 = arith.constant 1.500000e+00 : f32
    %sub3A_691 = vector.broadcast %sub3A_690 : f32 to vector<16xf32>
    %sub3A_692 = arith.subf %sub3A_691, %mul3A_689 : vector<16xf32>
    %mul3A_693 = arith.mulf %mul3A_684, %sub3A_692 : vector<16xf32>
    %mul3A_694 = arith.constant 5.000000e-01 : f32
    %mul3A_695 = vector.broadcast %mul3A_694 : f32 to vector<16xf32>
    %mul3A_696 = arith.mulf %mul3A_695, %max3A_667 : vector<16xf32>
    %mul3A_697 = arith.mulf %mul3A_696, %mul3A_693 : vector<16xf32>
    %mul3A_698 = arith.mulf %mul3A_697, %mul3A_693 : vector<16xf32>
    %sub3A_699 = arith.constant 1.500000e+00 : f32
    %sub3A_700 = vector.broadcast %sub3A_699 : f32 to vector<16xf32>
    %sub3A_701 = arith.subf %sub3A_700, %mul3A_698 : vector<16xf32>
    %mul3A_702 = arith.mulf %mul3A_693, %sub3A_701 : vector<16xf32>
    %get3A_703 = arith.constant 144 : index
    %get3A_704 = tpu.vector_load %arg10[%get3A_703] {strides = array<i32>} : memref<512xf32, #tpu.memory_space<vmem>>, vector<16xf32>,
    %get3A_705 = arith.constant 144 : index
    %get3A_706 = tpu.vector_load %arg11[%get3A_705] {strides = array<i32>} : memref<512xf32, #tpu.memory_space<vmem>>, vector<16xf32>,
    %add3A_707 = arith.addf %get3A_704, %get3A_706 : vector<16xf32>
    %mul3A_708 = arith.mulf %add3A_707, %mul3A_702 : vector<16xf32>
    %mul3A_709 = arith.mulf %mul3A_708, %get3A_196 : vector<16xf32>
    %swap3A_710 = arith.constant 144 : index
    %swap3A_711 = tpu.vector_load %arg15[%swap3A_710] {strides = array<i32>} : memref<512xf32, #tpu.memory_space<vmem>>, vector<16xf32>,
    tpu.vector_store %arg15[%swap3A_710], %mul3A_709 {strides = array<i32>} : memref<512xf32, #tpu.memory_space<vmem>>, vector<16xf32>,
    %get3A_712 = arith.constant 160 : index
    %get3A_713 = tpu.vector_load %arg12[%get3A_712] {strides = array<i32>} : memref<512xf32, #tpu.memory_space<vmem>>, vector<16xf32>,
    %get3A_714 = arith.constant 160 : index
    %get3A_715 = tpu.vector_load %arg13[%get3A_714] {strides = array<i32>} : memref<512xf32, #tpu.memory_space<vmem>>, vector<16xf32>,
    %add3A_716 = arith.addf %get3A_713, %get3A_715 : vector<16xf32>
    %max3A_717 = arith.constant 1.000000e-16 : f32
    %max3A_718 = vector.broadcast %max3A_717 : f32 to vector<16xf32>
    %max3A_719 = arith.maximumf %add3A_716, %max3A_718 : vector<16xf32>
    %bitcast_convert_type3A_720 = tpu.bitcast %max3A_719 : vector<16xf32> -> vector<16xi32>
    %shift_right_arithmetic3A_721 = arith.constant 1 : i32
    %shift_right_arithmetic3A_722 = vector.broadcast %shift_right_arithmetic3A_721 : i32 to vector<16xi32>
    %shift_right_arithmetic3A_723 = arith.shrsi %bitcast_convert_type3A_720, %shift_right_arithmetic3A_722 : vector<16xi32>
    %sub3A_724 = arith.constant 1597463007 : i32
    %sub3A_725 = vector.broadcast %sub3A_724 : i32 to vector<16xi32>
    %sub3A_726 = arith.subi %sub3A_725, %shift_right_arithmetic3A_723 : vector<16xi32>
    %bitcast_convert_type3A_727 = tpu.bitcast %sub3A_726 : vector<16xi32> -> vector<16xf32>
    %mul3A_728 = arith.constant 5.000000e-01 : f32
    %mul3A_729 = vector.broadcast %mul3A_728 : f32 to vector<16xf32>
    %mul3A_730 = arith.mulf %mul3A_729, %max3A_719 : vector<16xf32>
    %mul3A_731 = arith.mulf %mul3A_730, %bitcast_convert_type3A_727 : vector<16xf32>
    %mul3A_732 = arith.mulf %mul3A_731, %bitcast_convert_type3A_727 : vector<16xf32>
    %sub3A_733 = arith.constant 1.500000e+00 : f32
    %sub3A_734 = vector.broadcast %sub3A_733 : f32 to vector<16xf32>
    %sub3A_735 = arith.subf %sub3A_734, %mul3A_732 : vector<16xf32>
    %mul3A_736 = arith.mulf %bitcast_convert_type3A_727, %sub3A_735 : vector<16xf32>
    %mul3A_737 = arith.constant 5.000000e-01 : f32
    %mul3A_738 = vector.broadcast %mul3A_737 : f32 to vector<16xf32>
    %mul3A_739 = arith.mulf %mul3A_738, %max3A_719 : vector<16xf32>
    %mul3A_740 = arith.mulf %mul3A_739, %mul3A_736 : vector<16xf32>
    %mul3A_741 = arith.mulf %mul3A_740, %mul3A_736 : vector<16xf32>
    %sub3A_742 = arith.constant 1.500000e+00 : f32
    %sub3A_743 = vector.broadcast %sub3A_742 : f32 to vector<16xf32>
    %sub3A_744 = arith.subf %sub3A_743, %mul3A_741 : vector<16xf32>
    %mul3A_745 = arith.mulf %mul3A_736, %sub3A_744 : vector<16xf32>
    %mul3A_746 = arith.constant 5.000000e-01 : f32
    %mul3A_747 = vector.broadcast %mul3A_746 : f32 to vector<16xf32>
    %mul3A_748 = arith.mulf %mul3A_747, %max3A_719 : vector<16xf32>
    %mul3A_749 = arith.mulf %mul3A_748, %mul3A_745 : vector<16xf32>
    %mul3A_750 = arith.mulf %mul3A_749, %mul3A_745 : vector<16xf32>
    %sub3A_751 = arith.constant 1.500000e+00 : f32
    %sub3A_752 = vector.broadcast %sub3A_751 : f32 to vector<16xf32>
    %sub3A_753 = arith.subf %sub3A_752, %mul3A_750 : vector<16xf32>
    %mul3A_754 = arith.mulf %mul3A_745, %sub3A_753 : vector<16xf32>
    %get3A_755 = arith.constant 160 : index
    %get3A_756 = tpu.vector_load %arg10[%get3A_755] {strides = array<i32>} : memref<512xf32, #tpu.memory_space<vmem>>, vector<16xf32>,
    %get3A_757 = arith.constant 160 : index
    %get3A_758 = tpu.vector_load %arg11[%get3A_757] {strides = array<i32>} : memref<512xf32, #tpu.memory_space<vmem>>, vector<16xf32>,
    %add3A_759 = arith.addf %get3A_756, %get3A_758 : vector<16xf32>
    %mul3A_760 = arith.mulf %add3A_759, %mul3A_754 : vector<16xf32>
    %mul3A_761 = arith.mulf %mul3A_760, %get3A_196 : vector<16xf32>
    %swap3A_762 = arith.constant 160 : index
    %swap3A_763 = tpu.vector_load %arg15[%swap3A_762] {strides = array<i32>} : memref<512xf32, #tpu.memory_space<vmem>>, vector<16xf32>,
    tpu.vector_store %arg15[%swap3A_762], %mul3A_761 {strides = array<i32>} : memref<512xf32, #tpu.memory_space<vmem>>, vector<16xf32>,
    %get3A_764 = arith.constant 176 : index
    %get3A_765 = tpu.vector_load %arg12[%get3A_764] {strides = array<i32>} : memref<512xf32, #tpu.memory_space<vmem>>, vector<16xf32>,
    %get3A_766 = arith.constant 176 : index
    %get3A_767 = tpu.vector_load %arg13[%get3A_766] {strides = array<i32>} : memref<512xf32, #tpu.memory_space<vmem>>, vector<16xf32>,
    %add3A_768 = arith.addf %get3A_765, %get3A_767 : vector<16xf32>
    %max3A_769 = arith.constant 1.000000e-16 : f32
    %max3A_770 = vector.broadcast %max3A_769 : f32 to vector<16xf32>
    %max3A_771 = arith.maximumf %add3A_768, %max3A_770 : vector<16xf32>
    %bitcast_convert_type3A_772 = tpu.bitcast %max3A_771 : vector<16xf32> -> vector<16xi32>
    %shift_right_arithmetic3A_773 = arith.constant 1 : i32
    %shift_right_arithmetic3A_774 = vector.broadcast %shift_right_arithmetic3A_773 : i32 to vector<16xi32>
    %shift_right_arithmetic3A_775 = arith.shrsi %bitcast_convert_type3A_772, %shift_right_arithmetic3A_774 : vector<16xi32>
    %sub3A_776 = arith.constant 1597463007 : i32
    %sub3A_777 = vector.broadcast %sub3A_776 : i32 to vector<16xi32>
    %sub3A_778 = arith.subi %sub3A_777, %shift_right_arithmetic3A_775 : vector<16xi32>
    %bitcast_convert_type3A_779 = tpu.bitcast %sub3A_778 : vector<16xi32> -> vector<16xf32>
    %mul3A_780 = arith.constant 5.000000e-01 : f32
    %mul3A_781 = vector.broadcast %mul3A_780 : f32 to vector<16xf32>
    %mul3A_782 = arith.mulf %mul3A_781, %max3A_771 : vector<16xf32>
    %mul3A_783 = arith.mulf %mul3A_782, %bitcast_convert_type3A_779 : vector<16xf32>
    %mul3A_784 = arith.mulf %mul3A_783, %bitcast_convert_type3A_779 : vector<16xf32>
    %sub3A_785 = arith.constant 1.500000e+00 : f32
    %sub3A_786 = vector.broadcast %sub3A_785 : f32 to vector<16xf32>
    %sub3A_787 = arith.subf %sub3A_786, %mul3A_784 : vector<16xf32>
    %mul3A_788 = arith.mulf %bitcast_convert_type3A_779, %sub3A_787 : vector<16xf32>
    %mul3A_789 = arith.constant 5.000000e-01 : f32
    %mul3A_790 = vector.broadcast %mul3A_789 : f32 to vector<16xf32>
    %mul3A_791 = arith.mulf %mul3A_790, %max3A_771 : vector<16xf32>
    %mul3A_792 = arith.mulf %mul3A_791, %mul3A_788 : vector<16xf32>
    %mul3A_793 = arith.mulf %mul3A_792, %mul3A_788 : vector<16xf32>
    %sub3A_794 = arith.constant 1.500000e+00 : f32
    %sub3A_795 = vector.broadcast %sub3A_794 : f32 to vector<16xf32>
    %sub3A_796 = arith.subf %sub3A_795, %mul3A_793 : vector<16xf32>
    %mul3A_797 = arith.mulf %mul3A_788, %sub3A_796 : vector<16xf32>
    %mul3A_798 = arith.constant 5.000000e-01 : f32
    %mul3A_799 = vector.broadcast %mul3A_798 : f32 to vector<16xf32>
    %mul3A_800 = arith.mulf %mul3A_799, %max3A_771 : vector<16xf32>
    %mul3A_801 = arith.mulf %mul3A_800, %mul3A_797 : vector<16xf32>
    %mul3A_802 = arith.mulf %mul3A_801, %mul3A_797 : vector<16xf32>
    %sub3A_803 = arith.constant 1.500000e+00 : f32
    %sub3A_804 = vector.broadcast %sub3A_803 : f32 to vector<16xf32>
    %sub3A_805 = arith.subf %sub3A_804, %mul3A_802 : vector<16xf32>
    %mul3A_806 = arith.mulf %mul3A_797, %sub3A_805 : vector<16xf32>
    %get3A_807 = arith.constant 176 : index
    %get3A_808 = tpu.vector_load %arg10[%get3A_807] {strides = array<i32>} : memref<512xf32, #tpu.memory_space<vmem>>, vector<16xf32>,
    %get3A_809 = arith.constant 176 : index
    %get3A_810 = tpu.vector_load %arg11[%get3A_809] {strides = array<i32>} : memref<512xf32, #tpu.memory_space<vmem>>, vector<16xf32>,
    %add3A_811 = arith.addf %get3A_808, %get3A_810 : vector<16xf32>
    %mul3A_812 = arith.mulf %add3A_811, %mul3A_806 : vector<16xf32>
    %mul3A_813 = arith.mulf %mul3A_812, %get3A_196 : vector<16xf32>
    %swap3A_814 = arith.constant 176 : index
    %swap3A_815 = tpu.vector_load %arg15[%swap3A_814] {strides = array<i32>} : memref<512xf32, #tpu.memory_space<vmem>>, vector<16xf32>,
    tpu.vector_store %arg15[%swap3A_814], %mul3A_813 {strides = array<i32>} : memref<512xf32, #tpu.memory_space<vmem>>, vector<16xf32>,
    %get3A_816 = arith.constant 192 : index
    %get3A_817 = tpu.vector_load %arg12[%get3A_816] {strides = array<i32>} : memref<512xf32, #tpu.memory_space<vmem>>, vector<16xf32>,
    %get3A_818 = arith.constant 192 : index
    %get3A_819 = tpu.vector_load %arg13[%get3A_818] {strides = array<i32>} : memref<512xf32, #tpu.memory_space<vmem>>, vector<16xf32>,
    %add3A_820 = arith.addf %get3A_817, %get3A_819 : vector<16xf32>
    %max3A_821 = arith.constant 1.000000e-16 : f32
    %max3A_822 = vector.broadcast %max3A_821 : f32 to vector<16xf32>
    %max3A_823 = arith.maximumf %add3A_820, %max3A_822 : vector<16xf32>
    %bitcast_convert_type3A_824 = tpu.bitcast %max3A_823 : vector<16xf32> -> vector<16xi32>
    %shift_right_arithmetic3A_825 = arith.constant 1 : i32
    %shift_right_arithmetic3A_826 = vector.broadcast %shift_right_arithmetic3A_825 : i32 to vector<16xi32>
    %shift_right_arithmetic3A_827 = arith.shrsi %bitcast_convert_type3A_824, %shift_right_arithmetic3A_826 : vector<16xi32>
    %sub3A_828 = arith.constant 1597463007 : i32
    %sub3A_829 = vector.broadcast %sub3A_828 : i32 to vector<16xi32>
    %sub3A_830 = arith.subi %sub3A_829, %shift_right_arithmetic3A_827 : vector<16xi32>
    %bitcast_convert_type3A_831 = tpu.bitcast %sub3A_830 : vector<16xi32> -> vector<16xf32>
    %mul3A_832 = arith.constant 5.000000e-01 : f32
    %mul3A_833 = vector.broadcast %mul3A_832 : f32 to vector<16xf32>
    %mul3A_834 = arith.mulf %mul3A_833, %max3A_823 : vector<16xf32>
    %mul3A_835 = arith.mulf %mul3A_834, %bitcast_convert_type3A_831 : vector<16xf32>
    %mul3A_836 = arith.mulf %mul3A_835, %bitcast_convert_type3A_831 : vector<16xf32>
    %sub3A_837 = arith.constant 1.500000e+00 : f32
    %sub3A_838 = vector.broadcast %sub3A_837 : f32 to vector<16xf32>
    %sub3A_839 = arith.subf %sub3A_838, %mul3A_836 : vector<16xf32>
    %mul3A_840 = arith.mulf %bitcast_convert_type3A_831, %sub3A_839 : vector<16xf32>
    %mul3A_841 = arith.constant 5.000000e-01 : f32
    %mul3A_842 = vector.broadcast %mul3A_841 : f32 to vector<16xf32>
    %mul3A_843 = arith.mulf %mul3A_842, %max3A_823 : vector<16xf32>
    %mul3A_844 = arith.mulf %mul3A_843, %mul3A_840 : vector<16xf32>
    %mul3A_845 = arith.mulf %mul3A_844, %mul3A_840 : vector<16xf32>
    %sub3A_846 = arith.constant 1.500000e+00 : f32
    %sub3A_847 = vector.broadcast %sub3A_846 : f32 to vector<16xf32>
    %sub3A_848 = arith.subf %sub3A_847, %mul3A_845 : vector<16xf32>
    %mul3A_849 = arith.mulf %mul3A_840, %sub3A_848 : vector<16xf32>
    %mul3A_850 = arith.constant 5.000000e-01 : f32
    %mul3A_851 = vector.broadcast %mul3A_850 : f32 to vector<16xf32>
    %mul3A_852 = arith.mulf %mul3A_851, %max3A_823 : vector<16xf32>
    %mul3A_853 = arith.mulf %mul3A_852, %mul3A_849 : vector<16xf32>
    %mul3A_854 = arith.mulf %mul3A_853, %mul3A_849 : vector<16xf32>
    %sub3A_855 = arith.constant 1.500000e+00 : f32
    %sub3A_856 = vector.broadcast %sub3A_855 : f32 to vector<16xf32>
    %sub3A_857 = arith.subf %sub3A_856, %mul3A_854 : vector<16xf32>
    %mul3A_858 = arith.mulf %mul3A_849, %sub3A_857 : vector<16xf32>
    %get3A_859 = arith.constant 192 : index
    %get3A_860 = tpu.vector_load %arg10[%get3A_859] {strides = array<i32>} : memref<512xf32, #tpu.memory_space<vmem>>, vector<16xf32>,
    %get3A_861 = arith.constant 192 : index
    %get3A_862 = tpu.vector_load %arg11[%get3A_861] {strides = array<i32>} : memref<512xf32, #tpu.memory_space<vmem>>, vector<16xf32>,
    %add3A_863 = arith.addf %get3A_860, %get3A_862 : vector<16xf32>
    %mul3A_864 = arith.mulf %add3A_863, %mul3A_858 : vector<16xf32>
    %mul3A_865 = arith.mulf %mul3A_864, %get3A_196 : vector<16xf32>
    %swap3A_866 = arith.constant 192 : index
    %swap3A_867 = tpu.vector_load %arg15[%swap3A_866] {strides = array<i32>} : memref<512xf32, #tpu.memory_space<vmem>>, vector<16xf32>,
    tpu.vector_store %arg15[%swap3A_866], %mul3A_865 {strides = array<i32>} : memref<512xf32, #tpu.memory_space<vmem>>, vector<16xf32>,
    %get3A_868 = arith.constant 208 : index
    %get3A_869 = tpu.vector_load %arg12[%get3A_868] {strides = array<i32>} : memref<512xf32, #tpu.memory_space<vmem>>, vector<16xf32>,
    %get3A_870 = arith.constant 208 : index
    %get3A_871 = tpu.vector_load %arg13[%get3A_870] {strides = array<i32>} : memref<512xf32, #tpu.memory_space<vmem>>, vector<16xf32>,
    %add3A_872 = arith.addf %get3A_869, %get3A_871 : vector<16xf32>
    %max3A_873 = arith.constant 1.000000e-16 : f32
    %max3A_874 = vector.broadcast %max3A_873 : f32 to vector<16xf32>
    %max3A_875 = arith.maximumf %add3A_872, %max3A_874 : vector<16xf32>
    %bitcast_convert_type3A_876 = tpu.bitcast %max3A_875 : vector<16xf32> -> vector<16xi32>
    %shift_right_arithmetic3A_877 = arith.constant 1 : i32
    %shift_right_arithmetic3A_878 = vector.broadcast %shift_right_arithmetic3A_877 : i32 to vector<16xi32>
    %shift_right_arithmetic3A_879 = arith.shrsi %bitcast_convert_type3A_876, %shift_right_arithmetic3A_878 : vector<16xi32>
    %sub3A_880 = arith.constant 1597463007 : i32
    %sub3A_881 = vector.broadcast %sub3A_880 : i32 to vector<16xi32>
    %sub3A_882 = arith.subi %sub3A_881, %shift_right_arithmetic3A_879 : vector<16xi32>
    %bitcast_convert_type3A_883 = tpu.bitcast %sub3A_882 : vector<16xi32> -> vector<16xf32>
    %mul3A_884 = arith.constant 5.000000e-01 : f32
    %mul3A_885 = vector.broadcast %mul3A_884 : f32 to vector<16xf32>
    %mul3A_886 = arith.mulf %mul3A_885, %max3A_875 : vector<16xf32>
    %mul3A_887 = arith.mulf %mul3A_886, %bitcast_convert_type3A_883 : vector<16xf32>
    %mul3A_888 = arith.mulf %mul3A_887, %bitcast_convert_type3A_883 : vector<16xf32>
    %sub3A_889 = arith.constant 1.500000e+00 : f32
    %sub3A_890 = vector.broadcast %sub3A_889 : f32 to vector<16xf32>
    %sub3A_891 = arith.subf %sub3A_890, %mul3A_888 : vector<16xf32>
    %mul3A_892 = arith.mulf %bitcast_convert_type3A_883, %sub3A_891 : vector<16xf32>
    %mul3A_893 = arith.constant 5.000000e-01 : f32
    %mul3A_894 = vector.broadcast %mul3A_893 : f32 to vector<16xf32>
    %mul3A_895 = arith.mulf %mul3A_894, %max3A_875 : vector<16xf32>
    %mul3A_896 = arith.mulf %mul3A_895, %mul3A_892 : vector<16xf32>
    %mul3A_897 = arith.mulf %mul3A_896, %mul3A_892 : vector<16xf32>
    %sub3A_898 = arith.constant 1.500000e+00 : f32
    %sub3A_899 = vector.broadcast %sub3A_898 : f32 to vector<16xf32>
    %sub3A_900 = arith.subf %sub3A_899, %mul3A_897 : vector<16xf32>
    %mul3A_901 = arith.mulf %mul3A_892, %sub3A_900 : vector<16xf32>
    %mul3A_902 = arith.constant 5.000000e-01 : f32
    %mul3A_903 = vector.broadcast %mul3A_902 : f32 to vector<16xf32>
    %mul3A_904 = arith.mulf %mul3A_903, %max3A_875 : vector<16xf32>
    %mul3A_905 = arith.mulf %mul3A_904, %mul3A_901 : vector<16xf32>
    %mul3A_906 = arith.mulf %mul3A_905, %mul3A_901 : vector<16xf32>
    %sub3A_907 = arith.constant 1.500000e+00 : f32
    %sub3A_908 = vector.broadcast %sub3A_907 : f32 to vector<16xf32>
    %sub3A_909 = arith.subf %sub3A_908, %mul3A_906 : vector<16xf32>
    %mul3A_910 = arith.mulf %mul3A_901, %sub3A_909 : vector<16xf32>
    %get3A_911 = arith.constant 208 : index
    %get3A_912 = tpu.vector_load %arg10[%get3A_911] {strides = array<i32>} : memref<512xf32, #tpu.memory_space<vmem>>, vector<16xf32>,
    %get3A_913 = arith.constant 208 : index
    %get3A_914 = tpu.vector_load %arg11[%get3A_913] {strides = array<i32>} : memref<512xf32, #tpu.memory_space<vmem>>, vector<16xf32>,
    %add3A_915 = arith.addf %get3A_912, %get3A_914 : vector<16xf32>
    %mul3A_916 = arith.mulf %add3A_915, %mul3A_910 : vector<16xf32>
    %mul3A_917 = arith.mulf %mul3A_916, %get3A_196 : vector<16xf32>
    %swap3A_918 = arith.constant 208 : index
    %swap3A_919 = tpu.vector_load %arg15[%swap3A_918] {strides = array<i32>} : memref<512xf32, #tpu.memory_space<vmem>>, vector<16xf32>,
    tpu.vector_store %arg15[%swap3A_918], %mul3A_917 {strides = array<i32>} : memref<512xf32, #tpu.memory_space<vmem>>, vector<16xf32>,
    %get3A_920 = arith.constant 224 : index
    %get3A_921 = tpu.vector_load %arg12[%get3A_920] {strides = array<i32>} : memref<512xf32, #tpu.memory_space<vmem>>, vector<16xf32>,
    %get3A_922 = arith.constant 224 : index
    %get3A_923 = tpu.vector_load %arg13[%get3A_922] {strides = array<i32>} : memref<512xf32, #tpu.memory_space<vmem>>, vector<16xf32>,
    %add3A_924 = arith.addf %get3A_921, %get3A_923 : vector<16xf32>
    %max3A_925 = arith.constant 1.000000e-16 : f32
    %max3A_926 = vector.broadcast %max3A_925 : f32 to vector<16xf32>
    %max3A_927 = arith.maximumf %add3A_924, %max3A_926 : vector<16xf32>
    %bitcast_convert_type3A_928 = tpu.bitcast %max3A_927 : vector<16xf32> -> vector<16xi32>
    %shift_right_arithmetic3A_929 = arith.constant 1 : i32
    %shift_right_arithmetic3A_930 = vector.broadcast %shift_right_arithmetic3A_929 : i32 to vector<16xi32>
    %shift_right_arithmetic3A_931 = arith.shrsi %bitcast_convert_type3A_928, %shift_right_arithmetic3A_930 : vector<16xi32>
    %sub3A_932 = arith.constant 1597463007 : i32
    %sub3A_933 = vector.broadcast %sub3A_932 : i32 to vector<16xi32>
    %sub3A_934 = arith.subi %sub3A_933, %shift_right_arithmetic3A_931 : vector<16xi32>
    %bitcast_convert_type3A_935 = tpu.bitcast %sub3A_934 : vector<16xi32> -> vector<16xf32>
    %mul3A_936 = arith.constant 5.000000e-01 : f32
    %mul3A_937 = vector.broadcast %mul3A_936 : f32 to vector<16xf32>
    %mul3A_938 = arith.mulf %mul3A_937, %max3A_927 : vector<16xf32>
    %mul3A_939 = arith.mulf %mul3A_938, %bitcast_convert_type3A_935 : vector<16xf32>
    %mul3A_940 = arith.mulf %mul3A_939, %bitcast_convert_type3A_935 : vector<16xf32>
    %sub3A_941 = arith.constant 1.500000e+00 : f32
    %sub3A_942 = vector.broadcast %sub3A_941 : f32 to vector<16xf32>
    %sub3A_943 = arith.subf %sub3A_942, %mul3A_940 : vector<16xf32>
    %mul3A_944 = arith.mulf %bitcast_convert_type3A_935, %sub3A_943 : vector<16xf32>
    %mul3A_945 = arith.constant 5.000000e-01 : f32
    %mul3A_946 = vector.broadcast %mul3A_945 : f32 to vector<16xf32>
    %mul3A_947 = arith.mulf %mul3A_946, %max3A_927 : vector<16xf32>
    %mul3A_948 = arith.mulf %mul3A_947, %mul3A_944 : vector<16xf32>
    %mul3A_949 = arith.mulf %mul3A_948, %mul3A_944 : vector<16xf32>
    %sub3A_950 = arith.constant 1.500000e+00 : f32
    %sub3A_951 = vector.broadcast %sub3A_950 : f32 to vector<16xf32>
    %sub3A_952 = arith.subf %sub3A_951, %mul3A_949 : vector<16xf32>
    %mul3A_953 = arith.mulf %mul3A_944, %sub3A_952 : vector<16xf32>
    %mul3A_954 = arith.constant 5.000000e-01 : f32
    %mul3A_955 = vector.broadcast %mul3A_954 : f32 to vector<16xf32>
    %mul3A_956 = arith.mulf %mul3A_955, %max3A_927 : vector<16xf32>
    %mul3A_957 = arith.mulf %mul3A_956, %mul3A_953 : vector<16xf32>
    %mul3A_958 = arith.mulf %mul3A_957, %mul3A_953 : vector<16xf32>
    %sub3A_959 = arith.constant 1.500000e+00 : f32
    %sub3A_960 = vector.broadcast %sub3A_959 : f32 to vector<16xf32>
    %sub3A_961 = arith.subf %sub3A_960, %mul3A_958 : vector<16xf32>
    %mul3A_962 = arith.mulf %mul3A_953, %sub3A_961 : vector<16xf32>
    %get3A_963 = arith.constant 224 : index
    %get3A_964 = tpu.vector_load %arg10[%get3A_963] {strides = array<i32>} : memref<512xf32, #tpu.memory_space<vmem>>, vector<16xf32>,
    %get3A_965 = arith.constant 224 : index
    %get3A_966 = tpu.vector_load %arg11[%get3A_965] {strides = array<i32>} : memref<512xf32, #tpu.memory_space<vmem>>, vector<16xf32>,
    %add3A_967 = arith.addf %get3A_964, %get3A_966 : vector<16xf32>
    %mul3A_968 = arith.mulf %add3A_967, %mul3A_962 : vector<16xf32>
    %mul3A_969 = arith.mulf %mul3A_968, %get3A_196 : vector<16xf32>
    %swap3A_970 = arith.constant 224 : index
    %swap3A_971 = tpu.vector_load %arg15[%swap3A_970] {strides = array<i32>} : memref<512xf32, #tpu.memory_space<vmem>>, vector<16xf32>,
    tpu.vector_store %arg15[%swap3A_970], %mul3A_969 {strides = array<i32>} : memref<512xf32, #tpu.memory_space<vmem>>, vector<16xf32>,
    %get3A_972 = arith.constant 240 : index
    %get3A_973 = tpu.vector_load %arg12[%get3A_972] {strides = array<i32>} : memref<512xf32, #tpu.memory_space<vmem>>, vector<16xf32>,
    %get3A_974 = arith.constant 240 : index
    %get3A_975 = tpu.vector_load %arg13[%get3A_974] {strides = array<i32>} : memref<512xf32, #tpu.memory_space<vmem>>, vector<16xf32>,
    %add3A_976 = arith.addf %get3A_973, %get3A_975 : vector<16xf32>
    %max3A_977 = arith.constant 1.000000e-16 : f32
    %max3A_978 = vector.broadcast %max3A_977 : f32 to vector<16xf32>
    %max3A_979 = arith.maximumf %add3A_976, %max3A_978 : vector<16xf32>
    %bitcast_convert_type3A_980 = tpu.bitcast %max3A_979 : vector<16xf32> -> vector<16xi32>
    %shift_right_arithmetic3A_981 = arith.constant 1 : i32
    %shift_right_arithmetic3A_982 = vector.broadcast %shift_right_arithmetic3A_981 : i32 to vector<16xi32>
    %shift_right_arithmetic3A_983 = arith.shrsi %bitcast_convert_type3A_980, %shift_right_arithmetic3A_982 : vector<16xi32>
    %sub3A_984 = arith.constant 1597463007 : i32
    %sub3A_985 = vector.broadcast %sub3A_984 : i32 to vector<16xi32>
    %sub3A_986 = arith.subi %sub3A_985, %shift_right_arithmetic3A_983 : vector<16xi32>
    %bitcast_convert_type3A_987 = tpu.bitcast %sub3A_986 : vector<16xi32> -> vector<16xf32>
    %mul3A_988 = arith.constant 5.000000e-01 : f32
    %mul3A_989 = vector.broadcast %mul3A_988 : f32 to vector<16xf32>
    %mul3A_990 = arith.mulf %mul3A_989, %max3A_979 : vector<16xf32>
    %mul3A_991 = arith.mulf %mul3A_990, %bitcast_convert_type3A_987 : vector<16xf32>
    %mul3A_992 = arith.mulf %mul3A_991, %bitcast_convert_type3A_987 : vector<16xf32>
    %sub3A_993 = arith.constant 1.500000e+00 : f32
    %sub3A_994 = vector.broadcast %sub3A_993 : f32 to vector<16xf32>
    %sub3A_995 = arith.subf %sub3A_994, %mul3A_992 : vector<16xf32>
    %mul3A_996 = arith.mulf %bitcast_convert_type3A_987, %sub3A_995 : vector<16xf32>
    %mul3A_997 = arith.constant 5.000000e-01 : f32
    %mul3A_998 = vector.broadcast %mul3A_997 : f32 to vector<16xf32>
    %mul3A_999 = arith.mulf %mul3A_998, %max3A_979 : vector<16xf32>
    %mul3A_1000 = arith.mulf %mul3A_999, %mul3A_996 : vector<16xf32>
    %mul3A_1001 = arith.mulf %mul3A_1000, %mul3A_996 : vector<16xf32>
    %sub3A_1002 = arith.constant 1.500000e+00 : f32
    %sub3A_1003 = vector.broadcast %sub3A_1002 : f32 to vector<16xf32>
    %sub3A_1004 = arith.subf %sub3A_1003, %mul3A_1001 : vector<16xf32>
    %mul3A_1005 = arith.mulf %mul3A_996, %sub3A_1004 : vector<16xf32>
    %mul3A_1006 = arith.constant 5.000000e-01 : f32
    %mul3A_1007 = vector.broadcast %mul3A_1006 : f32 to vector<16xf32>
    %mul3A_1008 = arith.mulf %mul3A_1007, %max3A_979 : vector<16xf32>
    %mul3A_1009 = arith.mulf %mul3A_1008, %mul3A_1005 : vector<16xf32>
    %mul3A_1010 = arith.mulf %mul3A_1009, %mul3A_1005 : vector<16xf32>
    %sub3A_1011 = arith.constant 1.500000e+00 : f32
    %sub3A_1012 = vector.broadcast %sub3A_1011 : f32 to vector<16xf32>
    %sub3A_1013 = arith.subf %sub3A_1012, %mul3A_1010 : vector<16xf32>
    %mul3A_1014 = arith.mulf %mul3A_1005, %sub3A_1013 : vector<16xf32>
    %get3A_1015 = arith.constant 240 : index
    %get3A_1016 = tpu.vector_load %arg10[%get3A_1015] {strides = array<i32>} : memref<512xf32, #tpu.memory_space<vmem>>, vector<16xf32>,
    %get3A_1017 = arith.constant 240 : index
    %get3A_1018 = tpu.vector_load %arg11[%get3A_1017] {strides = array<i32>} : memref<512xf32, #tpu.memory_space<vmem>>, vector<16xf32>,
    %add3A_1019 = arith.addf %get3A_1016, %get3A_1018 : vector<16xf32>
    %mul3A_1020 = arith.mulf %add3A_1019, %mul3A_1014 : vector<16xf32>
    %mul3A_1021 = arith.mulf %mul3A_1020, %get3A_196 : vector<16xf32>
    %swap3A_1022 = arith.constant 240 : index
    %swap3A_1023 = tpu.vector_load %arg15[%swap3A_1022] {strides = array<i32>} : memref<512xf32, #tpu.memory_space<vmem>>, vector<16xf32>,
    tpu.vector_store %arg15[%swap3A_1022], %mul3A_1021 {strides = array<i32>} : memref<512xf32, #tpu.memory_space<vmem>>, vector<16xf32>,
    %get3A_1024 = arith.constant 256 : index
    %get3A_1025 = tpu.vector_load %arg12[%get3A_1024] {strides = array<i32>} : memref<512xf32, #tpu.memory_space<vmem>>, vector<16xf32>,
    %get3A_1026 = arith.constant 256 : index
    %get3A_1027 = tpu.vector_load %arg13[%get3A_1026] {strides = array<i32>} : memref<512xf32, #tpu.memory_space<vmem>>, vector<16xf32>,
    %add3A_1028 = arith.addf %get3A_1025, %get3A_1027 : vector<16xf32>
    %max3A_1029 = arith.constant 1.000000e-16 : f32
    %max3A_1030 = vector.broadcast %max3A_1029 : f32 to vector<16xf32>
    %max3A_1031 = arith.maximumf %add3A_1028, %max3A_1030 : vector<16xf32>
    %bitcast_convert_type3A_1032 = tpu.bitcast %max3A_1031 : vector<16xf32> -> vector<16xi32>
    %shift_right_arithmetic3A_1033 = arith.constant 1 : i32
    %shift_right_arithmetic3A_1034 = vector.broadcast %shift_right_arithmetic3A_1033 : i32 to vector<16xi32>
    %shift_right_arithmetic3A_1035 = arith.shrsi %bitcast_convert_type3A_1032, %shift_right_arithmetic3A_1034 : vector<16xi32>
    %sub3A_1036 = arith.constant 1597463007 : i32
    %sub3A_1037 = vector.broadcast %sub3A_1036 : i32 to vector<16xi32>
    %sub3A_1038 = arith.subi %sub3A_1037, %shift_right_arithmetic3A_1035 : vector<16xi32>
    %bitcast_convert_type3A_1039 = tpu.bitcast %sub3A_1038 : vector<16xi32> -> vector<16xf32>
    %mul3A_1040 = arith.constant 5.000000e-01 : f32
    %mul3A_1041 = vector.broadcast %mul3A_1040 : f32 to vector<16xf32>
    %mul3A_1042 = arith.mulf %mul3A_1041, %max3A_1031 : vector<16xf32>
    %mul3A_1043 = arith.mulf %mul3A_1042, %bitcast_convert_type3A_1039 : vector<16xf32>
    %mul3A_1044 = arith.mulf %mul3A_1043, %bitcast_convert_type3A_1039 : vector<16xf32>
    %sub3A_1045 = arith.constant 1.500000e+00 : f32
    %sub3A_1046 = vector.broadcast %sub3A_1045 : f32 to vector<16xf32>
    %sub3A_1047 = arith.subf %sub3A_1046, %mul3A_1044 : vector<16xf32>
    %mul3A_1048 = arith.mulf %bitcast_convert_type3A_1039, %sub3A_1047 : vector<16xf32>
    %mul3A_1049 = arith.constant 5.000000e-01 : f32
    %mul3A_1050 = vector.broadcast %mul3A_1049 : f32 to vector<16xf32>
    %mul3A_1051 = arith.mulf %mul3A_1050, %max3A_1031 : vector<16xf32>
    %mul3A_1052 = arith.mulf %mul3A_1051, %mul3A_1048 : vector<16xf32>
    %mul3A_1053 = arith.mulf %mul3A_1052, %mul3A_1048 : vector<16xf32>
    %sub3A_1054 = arith.constant 1.500000e+00 : f32
    %sub3A_1055 = vector.broadcast %sub3A_1054 : f32 to vector<16xf32>
    %sub3A_1056 = arith.subf %sub3A_1055, %mul3A_1053 : vector<16xf32>
    %mul3A_1057 = arith.mulf %mul3A_1048, %sub3A_1056 : vector<16xf32>
    %mul3A_1058 = arith.constant 5.000000e-01 : f32
    %mul3A_1059 = vector.broadcast %mul3A_1058 : f32 to vector<16xf32>
    %mul3A_1060 = arith.mulf %mul3A_1059, %max3A_1031 : vector<16xf32>
    %mul3A_1061 = arith.mulf %mul3A_1060, %mul3A_1057 : vector<16xf32>
    %mul3A_1062 = arith.mulf %mul3A_1061, %mul3A_1057 : vector<16xf32>
    %sub3A_1063 = arith.constant 1.500000e+00 : f32
    %sub3A_1064 = vector.broadcast %sub3A_1063 : f32 to vector<16xf32>
    %sub3A_1065 = arith.subf %sub3A_1064, %mul3A_1062 : vector<16xf32>
    %mul3A_1066 = arith.mulf %mul3A_1057, %sub3A_1065 : vector<16xf32>
    %get3A_1067 = arith.constant 256 : index
    %get3A_1068 = tpu.vector_load %arg10[%get3A_1067] {strides = array<i32>} : memref<512xf32, #tpu.memory_space<vmem>>, vector<16xf32>,
    %get3A_1069 = arith.constant 256 : index
    %get3A_1070 = tpu.vector_load %arg11[%get3A_1069] {strides = array<i32>} : memref<512xf32, #tpu.memory_space<vmem>>, vector<16xf32>,
    %add3A_1071 = arith.addf %get3A_1068, %get3A_1070 : vector<16xf32>
    %mul3A_1072 = arith.mulf %add3A_1071, %mul3A_1066 : vector<16xf32>
    %mul3A_1073 = arith.mulf %mul3A_1072, %get3A_196 : vector<16xf32>
    %swap3A_1074 = arith.constant 256 : index
    %swap3A_1075 = tpu.vector_load %arg15[%swap3A_1074] {strides = array<i32>} : memref<512xf32, #tpu.memory_space<vmem>>, vector<16xf32>,
    tpu.vector_store %arg15[%swap3A_1074], %mul3A_1073 {strides = array<i32>} : memref<512xf32, #tpu.memory_space<vmem>>, vector<16xf32>,
    %get3A_1076 = arith.constant 272 : index
    %get3A_1077 = tpu.vector_load %arg12[%get3A_1076] {strides = array<i32>} : memref<512xf32, #tpu.memory_space<vmem>>, vector<16xf32>,
    %get3A_1078 = arith.constant 272 : index
    %get3A_1079 = tpu.vector_load %arg13[%get3A_1078] {strides = array<i32>} : memref<512xf32, #tpu.memory_space<vmem>>, vector<16xf32>,
    %add3A_1080 = arith.addf %get3A_1077, %get3A_1079 : vector<16xf32>
    %max3A_1081 = arith.constant 1.000000e-16 : f32
    %max3A_1082 = vector.broadcast %max3A_1081 : f32 to vector<16xf32>
    %max3A_1083 = arith.maximumf %add3A_1080, %max3A_1082 : vector<16xf32>
    %bitcast_convert_type3A_1084 = tpu.bitcast %max3A_1083 : vector<16xf32> -> vector<16xi32>
    %shift_right_arithmetic3A_1085 = arith.constant 1 : i32
    %shift_right_arithmetic3A_1086 = vector.broadcast %shift_right_arithmetic3A_1085 : i32 to vector<16xi32>
    %shift_right_arithmetic3A_1087 = arith.shrsi %bitcast_convert_type3A_1084, %shift_right_arithmetic3A_1086 : vector<16xi32>
    %sub3A_1088 = arith.constant 1597463007 : i32
    %sub3A_1089 = vector.broadcast %sub3A_1088 : i32 to vector<16xi32>
    %sub3A_1090 = arith.subi %sub3A_1089, %shift_right_arithmetic3A_1087 : vector<16xi32>
    %bitcast_convert_type3A_1091 = tpu.bitcast %sub3A_1090 : vector<16xi32> -> vector<16xf32>
    %mul3A_1092 = arith.constant 5.000000e-01 : f32
    %mul3A_1093 = vector.broadcast %mul3A_1092 : f32 to vector<16xf32>
    %mul3A_1094 = arith.mulf %mul3A_1093, %max3A_1083 : vector<16xf32>
    %mul3A_1095 = arith.mulf %mul3A_1094, %bitcast_convert_type3A_1091 : vector<16xf32>
    %mul3A_1096 = arith.mulf %mul3A_1095, %bitcast_convert_type3A_1091 : vector<16xf32>
    %sub3A_1097 = arith.constant 1.500000e+00 : f32
    %sub3A_1098 = vector.broadcast %sub3A_1097 : f32 to vector<16xf32>
    %sub3A_1099 = arith.subf %sub3A_1098, %mul3A_1096 : vector<16xf32>
    %mul3A_1100 = arith.mulf %bitcast_convert_type3A_1091, %sub3A_1099 : vector<16xf32>
    %mul3A_1101 = arith.constant 5.000000e-01 : f32
    %mul3A_1102 = vector.broadcast %mul3A_1101 : f32 to vector<16xf32>
    %mul3A_1103 = arith.mulf %mul3A_1102, %max3A_1083 : vector<16xf32>
    %mul3A_1104 = arith.mulf %mul3A_1103, %mul3A_1100 : vector<16xf32>
    %mul3A_1105 = arith.mulf %mul3A_1104, %mul3A_1100 : vector<16xf32>
    %sub3A_1106 = arith.constant 1.500000e+00 : f32
    %sub3A_1107 = vector.broadcast %sub3A_1106 : f32 to vector<16xf32>
    %sub3A_1108 = arith.subf %sub3A_1107, %mul3A_1105 : vector<16xf32>
    %mul3A_1109 = arith.mulf %mul3A_1100, %sub3A_1108 : vector<16xf32>
    %mul3A_1110 = arith.constant 5.000000e-01 : f32
    %mul3A_1111 = vector.broadcast %mul3A_1110 : f32 to vector<16xf32>
    %mul3A_1112 = arith.mulf %mul3A_1111, %max3A_1083 : vector<16xf32>
    %mul3A_1113 = arith.mulf %mul3A_1112, %mul3A_1109 : vector<16xf32>
    %mul3A_1114 = arith.mulf %mul3A_1113, %mul3A_1109 : vector<16xf32>
    %sub3A_1115 = arith.constant 1.500000e+00 : f32
    %sub3A_1116 = vector.broadcast %sub3A_1115 : f32 to vector<16xf32>
    %sub3A_1117 = arith.subf %sub3A_1116, %mul3A_1114 : vector<16xf32>
    %mul3A_1118 = arith.mulf %mul3A_1109, %sub3A_1117 : vector<16xf32>
    %get3A_1119 = arith.constant 272 : index
    %get3A_1120 = tpu.vector_load %arg10[%get3A_1119] {strides = array<i32>} : memref<512xf32, #tpu.memory_space<vmem>>, vector<16xf32>,
    %get3A_1121 = arith.constant 272 : index
    %get3A_1122 = tpu.vector_load %arg11[%get3A_1121] {strides = array<i32>} : memref<512xf32, #tpu.memory_space<vmem>>, vector<16xf32>,
    %add3A_1123 = arith.addf %get3A_1120, %get3A_1122 : vector<16xf32>
    %mul3A_1124 = arith.mulf %add3A_1123, %mul3A_1118 : vector<16xf32>
    %mul3A_1125 = arith.mulf %mul3A_1124, %get3A_196 : vector<16xf32>
    %swap3A_1126 = arith.constant 272 : index
    %swap3A_1127 = tpu.vector_load %arg15[%swap3A_1126] {strides = array<i32>} : memref<512xf32, #tpu.memory_space<vmem>>, vector<16xf32>,
    tpu.vector_store %arg15[%swap3A_1126], %mul3A_1125 {strides = array<i32>} : memref<512xf32, #tpu.memory_space<vmem>>, vector<16xf32>,
    %get3A_1128 = arith.constant 288 : index
    %get3A_1129 = tpu.vector_load %arg12[%get3A_1128] {strides = array<i32>} : memref<512xf32, #tpu.memory_space<vmem>>, vector<16xf32>,
    %get3A_1130 = arith.constant 288 : index
    %get3A_1131 = tpu.vector_load %arg13[%get3A_1130] {strides = array<i32>} : memref<512xf32, #tpu.memory_space<vmem>>, vector<16xf32>,
    %add3A_1132 = arith.addf %get3A_1129, %get3A_1131 : vector<16xf32>
    %max3A_1133 = arith.constant 1.000000e-16 : f32
    %max3A_1134 = vector.broadcast %max3A_1133 : f32 to vector<16xf32>
    %max3A_1135 = arith.maximumf %add3A_1132, %max3A_1134 : vector<16xf32>
    %bitcast_convert_type3A_1136 = tpu.bitcast %max3A_1135 : vector<16xf32> -> vector<16xi32>
    %shift_right_arithmetic3A_1137 = arith.constant 1 : i32
    %shift_right_arithmetic3A_1138 = vector.broadcast %shift_right_arithmetic3A_1137 : i32 to vector<16xi32>
    %shift_right_arithmetic3A_1139 = arith.shrsi %bitcast_convert_type3A_1136, %shift_right_arithmetic3A_1138 : vector<16xi32>
    %sub3A_1140 = arith.constant 1597463007 : i32
    %sub3A_1141 = vector.broadcast %sub3A_1140 : i32 to vector<16xi32>
    %sub3A_1142 = arith.subi %sub3A_1141, %shift_right_arithmetic3A_1139 : vector<16xi32>
    %bitcast_convert_type3A_1143 = tpu.bitcast %sub3A_1142 : vector<16xi32> -> vector<16xf32>
    %mul3A_1144 = arith.constant 5.000000e-01 : f32
    %mul3A_1145 = vector.broadcast %mul3A_1144 : f32 to vector<16xf32>
    %mul3A_1146 = arith.mulf %mul3A_1145, %max3A_1135 : vector<16xf32>
    %mul3A_1147 = arith.mulf %mul3A_1146, %bitcast_convert_type3A_1143 : vector<16xf32>
    %mul3A_1148 = arith.mulf %mul3A_1147, %bitcast_convert_type3A_1143 : vector<16xf32>
    %sub3A_1149 = arith.constant 1.500000e+00 : f32
    %sub3A_1150 = vector.broadcast %sub3A_1149 : f32 to vector<16xf32>
    %sub3A_1151 = arith.subf %sub3A_1150, %mul3A_1148 : vector<16xf32>
    %mul3A_1152 = arith.mulf %bitcast_convert_type3A_1143, %sub3A_1151 : vector<16xf32>
    %mul3A_1153 = arith.constant 5.000000e-01 : f32
    %mul3A_1154 = vector.broadcast %mul3A_1153 : f32 to vector<16xf32>
    %mul3A_1155 = arith.mulf %mul3A_1154, %max3A_1135 : vector<16xf32>
    %mul3A_1156 = arith.mulf %mul3A_1155, %mul3A_1152 : vector<16xf32>
    %mul3A_1157 = arith.mulf %mul3A_1156, %mul3A_1152 : vector<16xf32>
    %sub3A_1158 = arith.constant 1.500000e+00 : f32
    %sub3A_1159 = vector.broadcast %sub3A_1158 : f32 to vector<16xf32>
    %sub3A_1160 = arith.subf %sub3A_1159, %mul3A_1157 : vector<16xf32>
    %mul3A_1161 = arith.mulf %mul3A_1152, %sub3A_1160 : vector<16xf32>
    %mul3A_1162 = arith.constant 5.000000e-01 : f32
    %mul3A_1163 = vector.broadcast %mul3A_1162 : f32 to vector<16xf32>
    %mul3A_1164 = arith.mulf %mul3A_1163, %max3A_1135 : vector<16xf32>
    %mul3A_1165 = arith.mulf %mul3A_1164, %mul3A_1161 : vector<16xf32>
    %mul3A_1166 = arith.mulf %mul3A_1165, %mul3A_1161 : vector<16xf32>
    %sub3A_1167 = arith.constant 1.500000e+00 : f32
    %sub3A_1168 = vector.broadcast %sub3A_1167 : f32 to vector<16xf32>
    %sub3A_1169 = arith.subf %sub3A_1168, %mul3A_1166 : vector<16xf32>
    %mul3A_1170 = arith.mulf %mul3A_1161, %sub3A_1169 : vector<16xf32>
    %get3A_1171 = arith.constant 288 : index
    %get3A_1172 = tpu.vector_load %arg10[%get3A_1171] {strides = array<i32>} : memref<512xf32, #tpu.memory_space<vmem>>, vector<16xf32>,
    %get3A_1173 = arith.constant 288 : index
    %get3A_1174 = tpu.vector_load %arg11[%get3A_1173] {strides = array<i32>} : memref<512xf32, #tpu.memory_space<vmem>>, vector<16xf32>,
    %add3A_1175 = arith.addf %get3A_1172, %get3A_1174 : vector<16xf32>
    %mul3A_1176 = arith.mulf %add3A_1175, %mul3A_1170 : vector<16xf32>
    %mul3A_1177 = arith.mulf %mul3A_1176, %get3A_196 : vector<16xf32>
    %swap3A_1178 = arith.constant 288 : index
    %swap3A_1179 = tpu.vector_load %arg15[%swap3A_1178] {strides = array<i32>} : memref<512xf32, #tpu.memory_space<vmem>>, vector<16xf32>,
    tpu.vector_store %arg15[%swap3A_1178], %mul3A_1177 {strides = array<i32>} : memref<512xf32, #tpu.memory_space<vmem>>, vector<16xf32>,
    %get3A_1180 = arith.constant 304 : index
    %get3A_1181 = tpu.vector_load %arg12[%get3A_1180] {strides = array<i32>} : memref<512xf32, #tpu.memory_space<vmem>>, vector<16xf32>,
    %get3A_1182 = arith.constant 304 : index
    %get3A_1183 = tpu.vector_load %arg13[%get3A_1182] {strides = array<i32>} : memref<512xf32, #tpu.memory_space<vmem>>, vector<16xf32>,
    %add3A_1184 = arith.addf %get3A_1181, %get3A_1183 : vector<16xf32>
    %max3A_1185 = arith.constant 1.000000e-16 : f32
    %max3A_1186 = vector.broadcast %max3A_1185 : f32 to vector<16xf32>
    %max3A_1187 = arith.maximumf %add3A_1184, %max3A_1186 : vector<16xf32>
    %bitcast_convert_type3A_1188 = tpu.bitcast %max3A_1187 : vector<16xf32> -> vector<16xi32>
    %shift_right_arithmetic3A_1189 = arith.constant 1 : i32
    %shift_right_arithmetic3A_1190 = vector.broadcast %shift_right_arithmetic3A_1189 : i32 to vector<16xi32>
    %shift_right_arithmetic3A_1191 = arith.shrsi %bitcast_convert_type3A_1188, %shift_right_arithmetic3A_1190 : vector<16xi32>
    %sub3A_1192 = arith.constant 1597463007 : i32
    %sub3A_1193 = vector.broadcast %sub3A_1192 : i32 to vector<16xi32>
    %sub3A_1194 = arith.subi %sub3A_1193, %shift_right_arithmetic3A_1191 : vector<16xi32>
    %bitcast_convert_type3A_1195 = tpu.bitcast %sub3A_1194 : vector<16xi32> -> vector<16xf32>
    %mul3A_1196 = arith.constant 5.000000e-01 : f32
    %mul3A_1197 = vector.broadcast %mul3A_1196 : f32 to vector<16xf32>
    %mul3A_1198 = arith.mulf %mul3A_1197, %max3A_1187 : vector<16xf32>
    %mul3A_1199 = arith.mulf %mul3A_1198, %bitcast_convert_type3A_1195 : vector<16xf32>
    %mul3A_1200 = arith.mulf %mul3A_1199, %bitcast_convert_type3A_1195 : vector<16xf32>
    %sub3A_1201 = arith.constant 1.500000e+00 : f32
    %sub3A_1202 = vector.broadcast %sub3A_1201 : f32 to vector<16xf32>
    %sub3A_1203 = arith.subf %sub3A_1202, %mul3A_1200 : vector<16xf32>
    %mul3A_1204 = arith.mulf %bitcast_convert_type3A_1195, %sub3A_1203 : vector<16xf32>
    %mul3A_1205 = arith.constant 5.000000e-01 : f32
    %mul3A_1206 = vector.broadcast %mul3A_1205 : f32 to vector<16xf32>
    %mul3A_1207 = arith.mulf %mul3A_1206, %max3A_1187 : vector<16xf32>
    %mul3A_1208 = arith.mulf %mul3A_1207, %mul3A_1204 : vector<16xf32>
    %mul3A_1209 = arith.mulf %mul3A_1208, %mul3A_1204 : vector<16xf32>
    %sub3A_1210 = arith.constant 1.500000e+00 : f32
    %sub3A_1211 = vector.broadcast %sub3A_1210 : f32 to vector<16xf32>
    %sub3A_1212 = arith.subf %sub3A_1211, %mul3A_1209 : vector<16xf32>
    %mul3A_1213 = arith.mulf %mul3A_1204, %sub3A_1212 : vector<16xf32>
    %mul3A_1214 = arith.constant 5.000000e-01 : f32
    %mul3A_1215 = vector.broadcast %mul3A_1214 : f32 to vector<16xf32>
    %mul3A_1216 = arith.mulf %mul3A_1215, %max3A_1187 : vector<16xf32>
    %mul3A_1217 = arith.mulf %mul3A_1216, %mul3A_1213 : vector<16xf32>
    %mul3A_1218 = arith.mulf %mul3A_1217, %mul3A_1213 : vector<16xf32>
    %sub3A_1219 = arith.constant 1.500000e+00 : f32
    %sub3A_1220 = vector.broadcast %sub3A_1219 : f32 to vector<16xf32>
    %sub3A_1221 = arith.subf %sub3A_1220, %mul3A_1218 : vector<16xf32>
    %mul3A_1222 = arith.mulf %mul3A_1213, %sub3A_1221 : vector<16xf32>
    %get3A_1223 = arith.constant 304 : index
    %get3A_1224 = tpu.vector_load %arg10[%get3A_1223] {strides = array<i32>} : memref<512xf32, #tpu.memory_space<vmem>>, vector<16xf32>,
    %get3A_1225 = arith.constant 304 : index
    %get3A_1226 = tpu.vector_load %arg11[%get3A_1225] {strides = array<i32>} : memref<512xf32, #tpu.memory_space<vmem>>, vector<16xf32>,
    %add3A_1227 = arith.addf %get3A_1224, %get3A_1226 : vector<16xf32>
    %mul3A_1228 = arith.mulf %add3A_1227, %mul3A_1222 : vector<16xf32>
    %mul3A_1229 = arith.mulf %mul3A_1228, %get3A_196 : vector<16xf32>
    %swap3A_1230 = arith.constant 304 : index
    %swap3A_1231 = tpu.vector_load %arg15[%swap3A_1230] {strides = array<i32>} : memref<512xf32, #tpu.memory_space<vmem>>, vector<16xf32>,
    tpu.vector_store %arg15[%swap3A_1230], %mul3A_1229 {strides = array<i32>} : memref<512xf32, #tpu.memory_space<vmem>>, vector<16xf32>,
    %get3A_1232 = arith.constant 320 : index
    %get3A_1233 = tpu.vector_load %arg12[%get3A_1232] {strides = array<i32>} : memref<512xf32, #tpu.memory_space<vmem>>, vector<16xf32>,
    %get3A_1234 = arith.constant 320 : index
    %get3A_1235 = tpu.vector_load %arg13[%get3A_1234] {strides = array<i32>} : memref<512xf32, #tpu.memory_space<vmem>>, vector<16xf32>,
    %add3A_1236 = arith.addf %get3A_1233, %get3A_1235 : vector<16xf32>
    %max3A_1237 = arith.constant 1.000000e-16 : f32
    %max3A_1238 = vector.broadcast %max3A_1237 : f32 to vector<16xf32>
    %max3A_1239 = arith.maximumf %add3A_1236, %max3A_1238 : vector<16xf32>
    %bitcast_convert_type3A_1240 = tpu.bitcast %max3A_1239 : vector<16xf32> -> vector<16xi32>
    %shift_right_arithmetic3A_1241 = arith.constant 1 : i32
    %shift_right_arithmetic3A_1242 = vector.broadcast %shift_right_arithmetic3A_1241 : i32 to vector<16xi32>
    %shift_right_arithmetic3A_1243 = arith.shrsi %bitcast_convert_type3A_1240, %shift_right_arithmetic3A_1242 : vector<16xi32>
    %sub3A_1244 = arith.constant 1597463007 : i32
    %sub3A_1245 = vector.broadcast %sub3A_1244 : i32 to vector<16xi32>
    %sub3A_1246 = arith.subi %sub3A_1245, %shift_right_arithmetic3A_1243 : vector<16xi32>
    %bitcast_convert_type3A_1247 = tpu.bitcast %sub3A_1246 : vector<16xi32> -> vector<16xf32>
    %mul3A_1248 = arith.constant 5.000000e-01 : f32
    %mul3A_1249 = vector.broadcast %mul3A_1248 : f32 to vector<16xf32>
    %mul3A_1250 = arith.mulf %mul3A_1249, %max3A_1239 : vector<16xf32>
    %mul3A_1251 = arith.mulf %mul3A_1250, %bitcast_convert_type3A_1247 : vector<16xf32>
    %mul3A_1252 = arith.mulf %mul3A_1251, %bitcast_convert_type3A_1247 : vector<16xf32>
    %sub3A_1253 = arith.constant 1.500000e+00 : f32
    %sub3A_1254 = vector.broadcast %sub3A_1253 : f32 to vector<16xf32>
    %sub3A_1255 = arith.subf %sub3A_1254, %mul3A_1252 : vector<16xf32>
    %mul3A_1256 = arith.mulf %bitcast_convert_type3A_1247, %sub3A_1255 : vector<16xf32>
    %mul3A_1257 = arith.constant 5.000000e-01 : f32
    %mul3A_1258 = vector.broadcast %mul3A_1257 : f32 to vector<16xf32>
    %mul3A_1259 = arith.mulf %mul3A_1258, %max3A_1239 : vector<16xf32>
    %mul3A_1260 = arith.mulf %mul3A_1259, %mul3A_1256 : vector<16xf32>
    %mul3A_1261 = arith.mulf %mul3A_1260, %mul3A_1256 : vector<16xf32>
    %sub3A_1262 = arith.constant 1.500000e+00 : f32
    %sub3A_1263 = vector.broadcast %sub3A_1262 : f32 to vector<16xf32>
    %sub3A_1264 = arith.subf %sub3A_1263, %mul3A_1261 : vector<16xf32>
    %mul3A_1265 = arith.mulf %mul3A_1256, %sub3A_1264 : vector<16xf32>
    %mul3A_1266 = arith.constant 5.000000e-01 : f32
    %mul3A_1267 = vector.broadcast %mul3A_1266 : f32 to vector<16xf32>
    %mul3A_1268 = arith.mulf %mul3A_1267, %max3A_1239 : vector<16xf32>
    %mul3A_1269 = arith.mulf %mul3A_1268, %mul3A_1265 : vector<16xf32>
    %mul3A_1270 = arith.mulf %mul3A_1269, %mul3A_1265 : vector<16xf32>
    %sub3A_1271 = arith.constant 1.500000e+00 : f32
    %sub3A_1272 = vector.broadcast %sub3A_1271 : f32 to vector<16xf32>
    %sub3A_1273 = arith.subf %sub3A_1272, %mul3A_1270 : vector<16xf32>
    %mul3A_1274 = arith.mulf %mul3A_1265, %sub3A_1273 : vector<16xf32>
    %get3A_1275 = arith.constant 320 : index
    %get3A_1276 = tpu.vector_load %arg10[%get3A_1275] {strides = array<i32>} : memref<512xf32, #tpu.memory_space<vmem>>, vector<16xf32>,
    %get3A_1277 = arith.constant 320 : index
    %get3A_1278 = tpu.vector_load %arg11[%get3A_1277] {strides = array<i32>} : memref<512xf32, #tpu.memory_space<vmem>>, vector<16xf32>,
    %add3A_1279 = arith.addf %get3A_1276, %get3A_1278 : vector<16xf32>
    %mul3A_1280 = arith.mulf %add3A_1279, %mul3A_1274 : vector<16xf32>
    %mul3A_1281 = arith.mulf %mul3A_1280, %get3A_196 : vector<16xf32>
    %swap3A_1282 = arith.constant 320 : index
    %swap3A_1283 = tpu.vector_load %arg15[%swap3A_1282] {strides = array<i32>} : memref<512xf32, #tpu.memory_space<vmem>>, vector<16xf32>,
    tpu.vector_store %arg15[%swap3A_1282], %mul3A_1281 {strides = array<i32>} : memref<512xf32, #tpu.memory_space<vmem>>, vector<16xf32>,
    %get3A_1284 = arith.constant 336 : index
    %get3A_1285 = tpu.vector_load %arg12[%get3A_1284] {strides = array<i32>} : memref<512xf32, #tpu.memory_space<vmem>>, vector<16xf32>,
    %get3A_1286 = arith.constant 336 : index
    %get3A_1287 = tpu.vector_load %arg13[%get3A_1286] {strides = array<i32>} : memref<512xf32, #tpu.memory_space<vmem>>, vector<16xf32>,
    %add3A_1288 = arith.addf %get3A_1285, %get3A_1287 : vector<16xf32>
    %max3A_1289 = arith.constant 1.000000e-16 : f32
    %max3A_1290 = vector.broadcast %max3A_1289 : f32 to vector<16xf32>
    %max3A_1291 = arith.maximumf %add3A_1288, %max3A_1290 : vector<16xf32>
    %bitcast_convert_type3A_1292 = tpu.bitcast %max3A_1291 : vector<16xf32> -> vector<16xi32>
    %shift_right_arithmetic3A_1293 = arith.constant 1 : i32
    %shift_right_arithmetic3A_1294 = vector.broadcast %shift_right_arithmetic3A_1293 : i32 to vector<16xi32>
    %shift_right_arithmetic3A_1295 = arith.shrsi %bitcast_convert_type3A_1292, %shift_right_arithmetic3A_1294 : vector<16xi32>
    %sub3A_1296 = arith.constant 1597463007 : i32
    %sub3A_1297 = vector.broadcast %sub3A_1296 : i32 to vector<16xi32>
    %sub3A_1298 = arith.subi %sub3A_1297, %shift_right_arithmetic3A_1295 : vector<16xi32>
    %bitcast_convert_type3A_1299 = tpu.bitcast %sub3A_1298 : vector<16xi32> -> vector<16xf32>
    %mul3A_1300 = arith.constant 5.000000e-01 : f32
    %mul3A_1301 = vector.broadcast %mul3A_1300 : f32 to vector<16xf32>
    %mul3A_1302 = arith.mulf %mul3A_1301, %max3A_1291 : vector<16xf32>
    %mul3A_1303 = arith.mulf %mul3A_1302, %bitcast_convert_type3A_1299 : vector<16xf32>
    %mul3A_1304 = arith.mulf %mul3A_1303, %bitcast_convert_type3A_1299 : vector<16xf32>
    %sub3A_1305 = arith.constant 1.500000e+00 : f32
    %sub3A_1306 = vector.broadcast %sub3A_1305 : f32 to vector<16xf32>
    %sub3A_1307 = arith.subf %sub3A_1306, %mul3A_1304 : vector<16xf32>
    %mul3A_1308 = arith.mulf %bitcast_convert_type3A_1299, %sub3A_1307 : vector<16xf32>
    %mul3A_1309 = arith.constant 5.000000e-01 : f32
    %mul3A_1310 = vector.broadcast %mul3A_1309 : f32 to vector<16xf32>
    %mul3A_1311 = arith.mulf %mul3A_1310, %max3A_1291 : vector<16xf32>
    %mul3A_1312 = arith.mulf %mul3A_1311, %mul3A_1308 : vector<16xf32>
    %mul3A_1313 = arith.mulf %mul3A_1312, %mul3A_1308 : vector<16xf32>
    %sub3A_1314 = arith.constant 1.500000e+00 : f32
    %sub3A_1315 = vector.broadcast %sub3A_1314 : f32 to vector<16xf32>
    %sub3A_1316 = arith.subf %sub3A_1315, %mul3A_1313 : vector<16xf32>
    %mul3A_1317 = arith.mulf %mul3A_1308, %sub3A_1316 : vector<16xf32>
    %mul3A_1318 = arith.constant 5.000000e-01 : f32
    %mul3A_1319 = vector.broadcast %mul3A_1318 : f32 to vector<16xf32>
    %mul3A_1320 = arith.mulf %mul3A_1319, %max3A_1291 : vector<16xf32>
    %mul3A_1321 = arith.mulf %mul3A_1320, %mul3A_1317 : vector<16xf32>
    %mul3A_1322 = arith.mulf %mul3A_1321, %mul3A_1317 : vector<16xf32>
    %sub3A_1323 = arith.constant 1.500000e+00 : f32
    %sub3A_1324 = vector.broadcast %sub3A_1323 : f32 to vector<16xf32>
    %sub3A_1325 = arith.subf %sub3A_1324, %mul3A_1322 : vector<16xf32>
    %mul3A_1326 = arith.mulf %mul3A_1317, %sub3A_1325 : vector<16xf32>
    %get3A_1327 = arith.constant 336 : index
    %get3A_1328 = tpu.vector_load %arg10[%get3A_1327] {strides = array<i32>} : memref<512xf32, #tpu.memory_space<vmem>>, vector<16xf32>,
    %get3A_1329 = arith.constant 336 : index
    %get3A_1330 = tpu.vector_load %arg11[%get3A_1329] {strides = array<i32>} : memref<512xf32, #tpu.memory_space<vmem>>, vector<16xf32>,
    %add3A_1331 = arith.addf %get3A_1328, %get3A_1330 : vector<16xf32>
    %mul3A_1332 = arith.mulf %add3A_1331, %mul3A_1326 : vector<16xf32>
    %mul3A_1333 = arith.mulf %mul3A_1332, %get3A_196 : vector<16xf32>
    %swap3A_1334 = arith.constant 336 : index
    %swap3A_1335 = tpu.vector_load %arg15[%swap3A_1334] {strides = array<i32>} : memref<512xf32, #tpu.memory_space<vmem>>, vector<16xf32>,
    tpu.vector_store %arg15[%swap3A_1334], %mul3A_1333 {strides = array<i32>} : memref<512xf32, #tpu.memory_space<vmem>>, vector<16xf32>,
    %get3A_1336 = arith.constant 352 : index
    %get3A_1337 = tpu.vector_load %arg12[%get3A_1336] {strides = array<i32>} : memref<512xf32, #tpu.memory_space<vmem>>, vector<16xf32>,
    %get3A_1338 = arith.constant 352 : index
    %get3A_1339 = tpu.vector_load %arg13[%get3A_1338] {strides = array<i32>} : memref<512xf32, #tpu.memory_space<vmem>>, vector<16xf32>,
    %add3A_1340 = arith.addf %get3A_1337, %get3A_1339 : vector<16xf32>
    %max3A_1341 = arith.constant 1.000000e-16 : f32
    %max3A_1342 = vector.broadcast %max3A_1341 : f32 to vector<16xf32>
    %max3A_1343 = arith.maximumf %add3A_1340, %max3A_1342 : vector<16xf32>
    %bitcast_convert_type3A_1344 = tpu.bitcast %max3A_1343 : vector<16xf32> -> vector<16xi32>
    %shift_right_arithmetic3A_1345 = arith.constant 1 : i32
    %shift_right_arithmetic3A_1346 = vector.broadcast %shift_right_arithmetic3A_1345 : i32 to vector<16xi32>
    %shift_right_arithmetic3A_1347 = arith.shrsi %bitcast_convert_type3A_1344, %shift_right_arithmetic3A_1346 : vector<16xi32>
    %sub3A_1348 = arith.constant 1597463007 : i32
    %sub3A_1349 = vector.broadcast %sub3A_1348 : i32 to vector<16xi32>
    %sub3A_1350 = arith.subi %sub3A_1349, %shift_right_arithmetic3A_1347 : vector<16xi32>
    %bitcast_convert_type3A_1351 = tpu.bitcast %sub3A_1350 : vector<16xi32> -> vector<16xf32>
    %mul3A_1352 = arith.constant 5.000000e-01 : f32
    %mul3A_1353 = vector.broadcast %mul3A_1352 : f32 to vector<16xf32>
    %mul3A_1354 = arith.mulf %mul3A_1353, %max3A_1343 : vector<16xf32>
    %mul3A_1355 = arith.mulf %mul3A_1354, %bitcast_convert_type3A_1351 : vector<16xf32>
    %mul3A_1356 = arith.mulf %mul3A_1355, %bitcast_convert_type3A_1351 : vector<16xf32>
    %sub3A_1357 = arith.constant 1.500000e+00 : f32
    %sub3A_1358 = vector.broadcast %sub3A_1357 : f32 to vector<16xf32>
    %sub3A_1359 = arith.subf %sub3A_1358, %mul3A_1356 : vector<16xf32>
    %mul3A_1360 = arith.mulf %bitcast_convert_type3A_1351, %sub3A_1359 : vector<16xf32>
    %mul3A_1361 = arith.constant 5.000000e-01 : f32
    %mul3A_1362 = vector.broadcast %mul3A_1361 : f32 to vector<16xf32>
    %mul3A_1363 = arith.mulf %mul3A_1362, %max3A_1343 : vector<16xf32>
    %mul3A_1364 = arith.mulf %mul3A_1363, %mul3A_1360 : vector<16xf32>
    %mul3A_1365 = arith.mulf %mul3A_1364, %mul3A_1360 : vector<16xf32>
    %sub3A_1366 = arith.constant 1.500000e+00 : f32
    %sub3A_1367 = vector.broadcast %sub3A_1366 : f32 to vector<16xf32>
    %sub3A_1368 = arith.subf %sub3A_1367, %mul3A_1365 : vector<16xf32>
    %mul3A_1369 = arith.mulf %mul3A_1360, %sub3A_1368 : vector<16xf32>
    %mul3A_1370 = arith.constant 5.000000e-01 : f32
    %mul3A_1371 = vector.broadcast %mul3A_1370 : f32 to vector<16xf32>
    %mul3A_1372 = arith.mulf %mul3A_1371, %max3A_1343 : vector<16xf32>
    %mul3A_1373 = arith.mulf %mul3A_1372, %mul3A_1369 : vector<16xf32>
    %mul3A_1374 = arith.mulf %mul3A_1373, %mul3A_1369 : vector<16xf32>
    %sub3A_1375 = arith.constant 1.500000e+00 : f32
    %sub3A_1376 = vector.broadcast %sub3A_1375 : f32 to vector<16xf32>
    %sub3A_1377 = arith.subf %sub3A_1376, %mul3A_1374 : vector<16xf32>
    %mul3A_1378 = arith.mulf %mul3A_1369, %sub3A_1377 : vector<16xf32>
    %get3A_1379 = arith.constant 352 : index
    %get3A_1380 = tpu.vector_load %arg10[%get3A_1379] {strides = array<i32>} : memref<512xf32, #tpu.memory_space<vmem>>, vector<16xf32>,
    %get3A_1381 = arith.constant 352 : index
    %get3A_1382 = tpu.vector_load %arg11[%get3A_1381] {strides = array<i32>} : memref<512xf32, #tpu.memory_space<vmem>>, vector<16xf32>,
    %add3A_1383 = arith.addf %get3A_1380, %get3A_1382 : vector<16xf32>
    %mul3A_1384 = arith.mulf %add3A_1383, %mul3A_1378 : vector<16xf32>
    %mul3A_1385 = arith.mulf %mul3A_1384, %get3A_196 : vector<16xf32>
    %swap3A_1386 = arith.constant 352 : index
    %swap3A_1387 = tpu.vector_load %arg15[%swap3A_1386] {strides = array<i32>} : memref<512xf32, #tpu.memory_space<vmem>>, vector<16xf32>,
    tpu.vector_store %arg15[%swap3A_1386], %mul3A_1385 {strides = array<i32>} : memref<512xf32, #tpu.memory_space<vmem>>, vector<16xf32>,
    %get3A_1388 = arith.constant 368 : index
    %get3A_1389 = tpu.vector_load %arg12[%get3A_1388] {strides = array<i32>} : memref<512xf32, #tpu.memory_space<vmem>>, vector<16xf32>,
    %get3A_1390 = arith.constant 368 : index
    %get3A_1391 = tpu.vector_load %arg13[%get3A_1390] {strides = array<i32>} : memref<512xf32, #tpu.memory_space<vmem>>, vector<16xf32>,
    %add3A_1392 = arith.addf %get3A_1389, %get3A_1391 : vector<16xf32>
    %max3A_1393 = arith.constant 1.000000e-16 : f32
    %max3A_1394 = vector.broadcast %max3A_1393 : f32 to vector<16xf32>
    %max3A_1395 = arith.maximumf %add3A_1392, %max3A_1394 : vector<16xf32>
    %bitcast_convert_type3A_1396 = tpu.bitcast %max3A_1395 : vector<16xf32> -> vector<16xi32>
    %shift_right_arithmetic3A_1397 = arith.constant 1 : i32
    %shift_right_arithmetic3A_1398 = vector.broadcast %shift_right_arithmetic3A_1397 : i32 to vector<16xi32>
    %shift_right_arithmetic3A_1399 = arith.shrsi %bitcast_convert_type3A_1396, %shift_right_arithmetic3A_1398 : vector<16xi32>
    %sub3A_1400 = arith.constant 1597463007 : i32
    %sub3A_1401 = vector.broadcast %sub3A_1400 : i32 to vector<16xi32>
    %sub3A_1402 = arith.subi %sub3A_1401, %shift_right_arithmetic3A_1399 : vector<16xi32>
    %bitcast_convert_type3A_1403 = tpu.bitcast %sub3A_1402 : vector<16xi32> -> vector<16xf32>
    %mul3A_1404 = arith.constant 5.000000e-01 : f32
    %mul3A_1405 = vector.broadcast %mul3A_1404 : f32 to vector<16xf32>
    %mul3A_1406 = arith.mulf %mul3A_1405, %max3A_1395 : vector<16xf32>
    %mul3A_1407 = arith.mulf %mul3A_1406, %bitcast_convert_type3A_1403 : vector<16xf32>
    %mul3A_1408 = arith.mulf %mul3A_1407, %bitcast_convert_type3A_1403 : vector<16xf32>
    %sub3A_1409 = arith.constant 1.500000e+00 : f32
    %sub3A_1410 = vector.broadcast %sub3A_1409 : f32 to vector<16xf32>
    %sub3A_1411 = arith.subf %sub3A_1410, %mul3A_1408 : vector<16xf32>
    %mul3A_1412 = arith.mulf %bitcast_convert_type3A_1403, %sub3A_1411 : vector<16xf32>
    %mul3A_1413 = arith.constant 5.000000e-01 : f32
    %mul3A_1414 = vector.broadcast %mul3A_1413 : f32 to vector<16xf32>
    %mul3A_1415 = arith.mulf %mul3A_1414, %max3A_1395 : vector<16xf32>
    %mul3A_1416 = arith.mulf %mul3A_1415, %mul3A_1412 : vector<16xf32>
    %mul3A_1417 = arith.mulf %mul3A_1416, %mul3A_1412 : vector<16xf32>
    %sub3A_1418 = arith.constant 1.500000e+00 : f32
    %sub3A_1419 = vector.broadcast %sub3A_1418 : f32 to vector<16xf32>
    %sub3A_1420 = arith.subf %sub3A_1419, %mul3A_1417 : vector<16xf32>
    %mul3A_1421 = arith.mulf %mul3A_1412, %sub3A_1420 : vector<16xf32>
    %mul3A_1422 = arith.constant 5.000000e-01 : f32
    %mul3A_1423 = vector.broadcast %mul3A_1422 : f32 to vector<16xf32>
    %mul3A_1424 = arith.mulf %mul3A_1423, %max3A_1395 : vector<16xf32>
    %mul3A_1425 = arith.mulf %mul3A_1424, %mul3A_1421 : vector<16xf32>
    %mul3A_1426 = arith.mulf %mul3A_1425, %mul3A_1421 : vector<16xf32>
    %sub3A_1427 = arith.constant 1.500000e+00 : f32
    %sub3A_1428 = vector.broadcast %sub3A_1427 : f32 to vector<16xf32>
    %sub3A_1429 = arith.subf %sub3A_1428, %mul3A_1426 : vector<16xf32>
    %mul3A_1430 = arith.mulf %mul3A_1421, %sub3A_1429 : vector<16xf32>
    %get3A_1431 = arith.constant 368 : index
    %get3A_1432 = tpu.vector_load %arg10[%get3A_1431] {strides = array<i32>} : memref<512xf32, #tpu.memory_space<vmem>>, vector<16xf32>,
    %get3A_1433 = arith.constant 368 : index
    %get3A_1434 = tpu.vector_load %arg11[%get3A_1433] {strides = array<i32>} : memref<512xf32, #tpu.memory_space<vmem>>, vector<16xf32>,
    %add3A_1435 = arith.addf %get3A_1432, %get3A_1434 : vector<16xf32>
    %mul3A_1436 = arith.mulf %add3A_1435, %mul3A_1430 : vector<16xf32>
    %mul3A_1437 = arith.mulf %mul3A_1436, %get3A_196 : vector<16xf32>
    %swap3A_1438 = arith.constant 368 : index
    %swap3A_1439 = tpu.vector_load %arg15[%swap3A_1438] {strides = array<i32>} : memref<512xf32, #tpu.memory_space<vmem>>, vector<16xf32>,
    tpu.vector_store %arg15[%swap3A_1438], %mul3A_1437 {strides = array<i32>} : memref<512xf32, #tpu.memory_space<vmem>>, vector<16xf32>,
    %get3A_1440 = arith.constant 384 : index
    %get3A_1441 = tpu.vector_load %arg12[%get3A_1440] {strides = array<i32>} : memref<512xf32, #tpu.memory_space<vmem>>, vector<16xf32>,
    %get3A_1442 = arith.constant 384 : index
    %get3A_1443 = tpu.vector_load %arg13[%get3A_1442] {strides = array<i32>} : memref<512xf32, #tpu.memory_space<vmem>>, vector<16xf32>,
    %add3A_1444 = arith.addf %get3A_1441, %get3A_1443 : vector<16xf32>
    %max3A_1445 = arith.constant 1.000000e-16 : f32
    %max3A_1446 = vector.broadcast %max3A_1445 : f32 to vector<16xf32>
    %max3A_1447 = arith.maximumf %add3A_1444, %max3A_1446 : vector<16xf32>
    %bitcast_convert_type3A_1448 = tpu.bitcast %max3A_1447 : vector<16xf32> -> vector<16xi32>
    %shift_right_arithmetic3A_1449 = arith.constant 1 : i32
    %shift_right_arithmetic3A_1450 = vector.broadcast %shift_right_arithmetic3A_1449 : i32 to vector<16xi32>
    %shift_right_arithmetic3A_1451 = arith.shrsi %bitcast_convert_type3A_1448, %shift_right_arithmetic3A_1450 : vector<16xi32>
    %sub3A_1452 = arith.constant 1597463007 : i32
    %sub3A_1453 = vector.broadcast %sub3A_1452 : i32 to vector<16xi32>
    %sub3A_1454 = arith.subi %sub3A_1453, %shift_right_arithmetic3A_1451 : vector<16xi32>
    %bitcast_convert_type3A_1455 = tpu.bitcast %sub3A_1454 : vector<16xi32> -> vector<16xf32>
    %mul3A_1456 = arith.constant 5.000000e-01 : f32
    %mul3A_1457 = vector.broadcast %mul3A_1456 : f32 to vector<16xf32>
    %mul3A_1458 = arith.mulf %mul3A_1457, %max3A_1447 : vector<16xf32>
    %mul3A_1459 = arith.mulf %mul3A_1458, %bitcast_convert_type3A_1455 : vector<16xf32>
    %mul3A_1460 = arith.mulf %mul3A_1459, %bitcast_convert_type3A_1455 : vector<16xf32>
    %sub3A_1461 = arith.constant 1.500000e+00 : f32
    %sub3A_1462 = vector.broadcast %sub3A_1461 : f32 to vector<16xf32>
    %sub3A_1463 = arith.subf %sub3A_1462, %mul3A_1460 : vector<16xf32>
    %mul3A_1464 = arith.mulf %bitcast_convert_type3A_1455, %sub3A_1463 : vector<16xf32>
    %mul3A_1465 = arith.constant 5.000000e-01 : f32
    %mul3A_1466 = vector.broadcast %mul3A_1465 : f32 to vector<16xf32>
    %mul3A_1467 = arith.mulf %mul3A_1466, %max3A_1447 : vector<16xf32>
    %mul3A_1468 = arith.mulf %mul3A_1467, %mul3A_1464 : vector<16xf32>
    %mul3A_1469 = arith.mulf %mul3A_1468, %mul3A_1464 : vector<16xf32>
    %sub3A_1470 = arith.constant 1.500000e+00 : f32
    %sub3A_1471 = vector.broadcast %sub3A_1470 : f32 to vector<16xf32>
    %sub3A_1472 = arith.subf %sub3A_1471, %mul3A_1469 : vector<16xf32>
    %mul3A_1473 = arith.mulf %mul3A_1464, %sub3A_1472 : vector<16xf32>
    %mul3A_1474 = arith.constant 5.000000e-01 : f32
    %mul3A_1475 = vector.broadcast %mul3A_1474 : f32 to vector<16xf32>
    %mul3A_1476 = arith.mulf %mul3A_1475, %max3A_1447 : vector<16xf32>
    %mul3A_1477 = arith.mulf %mul3A_1476, %mul3A_1473 : vector<16xf32>
    %mul3A_1478 = arith.mulf %mul3A_1477, %mul3A_1473 : vector<16xf32>
    %sub3A_1479 = arith.constant 1.500000e+00 : f32
    %sub3A_1480 = vector.broadcast %sub3A_1479 : f32 to vector<16xf32>
    %sub3A_1481 = arith.subf %sub3A_1480, %mul3A_1478 : vector<16xf32>
    %mul3A_1482 = arith.mulf %mul3A_1473, %sub3A_1481 : vector<16xf32>
    %get3A_1483 = arith.constant 384 : index
    %get3A_1484 = tpu.vector_load %arg10[%get3A_1483] {strides = array<i32>} : memref<512xf32, #tpu.memory_space<vmem>>, vector<16xf32>,
    %get3A_1485 = arith.constant 384 : index
    %get3A_1486 = tpu.vector_load %arg11[%get3A_1485] {strides = array<i32>} : memref<512xf32, #tpu.memory_space<vmem>>, vector<16xf32>,
    %add3A_1487 = arith.addf %get3A_1484, %get3A_1486 : vector<16xf32>
    %mul3A_1488 = arith.mulf %add3A_1487, %mul3A_1482 : vector<16xf32>
    %mul3A_1489 = arith.mulf %mul3A_1488, %get3A_196 : vector<16xf32>
    %swap3A_1490 = arith.constant 384 : index
    %swap3A_1491 = tpu.vector_load %arg15[%swap3A_1490] {strides = array<i32>} : memref<512xf32, #tpu.memory_space<vmem>>, vector<16xf32>,
    tpu.vector_store %arg15[%swap3A_1490], %mul3A_1489 {strides = array<i32>} : memref<512xf32, #tpu.memory_space<vmem>>, vector<16xf32>,
    %get3A_1492 = arith.constant 400 : index
    %get3A_1493 = tpu.vector_load %arg12[%get3A_1492] {strides = array<i32>} : memref<512xf32, #tpu.memory_space<vmem>>, vector<16xf32>,
    %get3A_1494 = arith.constant 400 : index
    %get3A_1495 = tpu.vector_load %arg13[%get3A_1494] {strides = array<i32>} : memref<512xf32, #tpu.memory_space<vmem>>, vector<16xf32>,
    %add3A_1496 = arith.addf %get3A_1493, %get3A_1495 : vector<16xf32>
    %max3A_1497 = arith.constant 1.000000e-16 : f32
    %max3A_1498 = vector.broadcast %max3A_1497 : f32 to vector<16xf32>
    %max3A_1499 = arith.maximumf %add3A_1496, %max3A_1498 : vector<16xf32>
    %bitcast_convert_type3A_1500 = tpu.bitcast %max3A_1499 : vector<16xf32> -> vector<16xi32>
    %shift_right_arithmetic3A_1501 = arith.constant 1 : i32
    %shift_right_arithmetic3A_1502 = vector.broadcast %shift_right_arithmetic3A_1501 : i32 to vector<16xi32>
    %shift_right_arithmetic3A_1503 = arith.shrsi %bitcast_convert_type3A_1500, %shift_right_arithmetic3A_1502 : vector<16xi32>
    %sub3A_1504 = arith.constant 1597463007 : i32
    %sub3A_1505 = vector.broadcast %sub3A_1504 : i32 to vector<16xi32>
    %sub3A_1506 = arith.subi %sub3A_1505, %shift_right_arithmetic3A_1503 : vector<16xi32>
    %bitcast_convert_type3A_1507 = tpu.bitcast %sub3A_1506 : vector<16xi32> -> vector<16xf32>
    %mul3A_1508 = arith.constant 5.000000e-01 : f32
    %mul3A_1509 = vector.broadcast %mul3A_1508 : f32 to vector<16xf32>
    %mul3A_1510 = arith.mulf %mul3A_1509, %max3A_1499 : vector<16xf32>
    %mul3A_1511 = arith.mulf %mul3A_1510, %bitcast_convert_type3A_1507 : vector<16xf32>
    %mul3A_1512 = arith.mulf %mul3A_1511, %bitcast_convert_type3A_1507 : vector<16xf32>
    %sub3A_1513 = arith.constant 1.500000e+00 : f32
    %sub3A_1514 = vector.broadcast %sub3A_1513 : f32 to vector<16xf32>
    %sub3A_1515 = arith.subf %sub3A_1514, %mul3A_1512 : vector<16xf32>
    %mul3A_1516 = arith.mulf %bitcast_convert_type3A_1507, %sub3A_1515 : vector<16xf32>
    %mul3A_1517 = arith.constant 5.000000e-01 : f32
    %mul3A_1518 = vector.broadcast %mul3A_1517 : f32 to vector<16xf32>
    %mul3A_1519 = arith.mulf %mul3A_1518, %max3A_1499 : vector<16xf32>
    %mul3A_1520 = arith.mulf %mul3A_1519, %mul3A_1516 : vector<16xf32>
    %mul3A_1521 = arith.mulf %mul3A_1520, %mul3A_1516 : vector<16xf32>
    %sub3A_1522 = arith.constant 1.500000e+00 : f32
    %sub3A_1523 = vector.broadcast %sub3A_1522 : f32 to vector<16xf32>
    %sub3A_1524 = arith.subf %sub3A_1523, %mul3A_1521 : vector<16xf32>
    %mul3A_1525 = arith.mulf %mul3A_1516, %sub3A_1524 : vector<16xf32>
    %mul3A_1526 = arith.constant 5.000000e-01 : f32
    %mul3A_1527 = vector.broadcast %mul3A_1526 : f32 to vector<16xf32>
    %mul3A_1528 = arith.mulf %mul3A_1527, %max3A_1499 : vector<16xf32>
    %mul3A_1529 = arith.mulf %mul3A_1528, %mul3A_1525 : vector<16xf32>
    %mul3A_1530 = arith.mulf %mul3A_1529, %mul3A_1525 : vector<16xf32>
    %sub3A_1531 = arith.constant 1.500000e+00 : f32
    %sub3A_1532 = vector.broadcast %sub3A_1531 : f32 to vector<16xf32>
    %sub3A_1533 = arith.subf %sub3A_1532, %mul3A_1530 : vector<16xf32>
    %mul3A_1534 = arith.mulf %mul3A_1525, %sub3A_1533 : vector<16xf32>
    %get3A_1535 = arith.constant 400 : index
    %get3A_1536 = tpu.vector_load %arg10[%get3A_1535] {strides = array<i32>} : memref<512xf32, #tpu.memory_space<vmem>>, vector<16xf32>,
    %get3A_1537 = arith.constant 400 : index
    %get3A_1538 = tpu.vector_load %arg11[%get3A_1537] {strides = array<i32>} : memref<512xf32, #tpu.memory_space<vmem>>, vector<16xf32>,
    %add3A_1539 = arith.addf %get3A_1536, %get3A_1538 : vector<16xf32>
    %mul3A_1540 = arith.mulf %add3A_1539, %mul3A_1534 : vector<16xf32>
    %mul3A_1541 = arith.mulf %mul3A_1540, %get3A_196 : vector<16xf32>
    %swap3A_1542 = arith.constant 400 : index
    %swap3A_1543 = tpu.vector_load %arg15[%swap3A_1542] {strides = array<i32>} : memref<512xf32, #tpu.memory_space<vmem>>, vector<16xf32>,
    tpu.vector_store %arg15[%swap3A_1542], %mul3A_1541 {strides = array<i32>} : memref<512xf32, #tpu.memory_space<vmem>>, vector<16xf32>,
    %get3A_1544 = arith.constant 416 : index
    %get3A_1545 = tpu.vector_load %arg12[%get3A_1544] {strides = array<i32>} : memref<512xf32, #tpu.memory_space<vmem>>, vector<16xf32>,
    %get3A_1546 = arith.constant 416 : index
    %get3A_1547 = tpu.vector_load %arg13[%get3A_1546] {strides = array<i32>} : memref<512xf32, #tpu.memory_space<vmem>>, vector<16xf32>,
    %add3A_1548 = arith.addf %get3A_1545, %get3A_1547 : vector<16xf32>
    %max3A_1549 = arith.constant 1.000000e-16 : f32
    %max3A_1550 = vector.broadcast %max3A_1549 : f32 to vector<16xf32>
    %max3A_1551 = arith.maximumf %add3A_1548, %max3A_1550 : vector<16xf32>
    %bitcast_convert_type3A_1552 = tpu.bitcast %max3A_1551 : vector<16xf32> -> vector<16xi32>
    %shift_right_arithmetic3A_1553 = arith.constant 1 : i32
    %shift_right_arithmetic3A_1554 = vector.broadcast %shift_right_arithmetic3A_1553 : i32 to vector<16xi32>
    %shift_right_arithmetic3A_1555 = arith.shrsi %bitcast_convert_type3A_1552, %shift_right_arithmetic3A_1554 : vector<16xi32>
    %sub3A_1556 = arith.constant 1597463007 : i32
    %sub3A_1557 = vector.broadcast %sub3A_1556 : i32 to vector<16xi32>
    %sub3A_1558 = arith.subi %sub3A_1557, %shift_right_arithmetic3A_1555 : vector<16xi32>
    %bitcast_convert_type3A_1559 = tpu.bitcast %sub3A_1558 : vector<16xi32> -> vector<16xf32>
    %mul3A_1560 = arith.constant 5.000000e-01 : f32
    %mul3A_1561 = vector.broadcast %mul3A_1560 : f32 to vector<16xf32>
    %mul3A_1562 = arith.mulf %mul3A_1561, %max3A_1551 : vector<16xf32>
    %mul3A_1563 = arith.mulf %mul3A_1562, %bitcast_convert_type3A_1559 : vector<16xf32>
    %mul3A_1564 = arith.mulf %mul3A_1563, %bitcast_convert_type3A_1559 : vector<16xf32>
    %sub3A_1565 = arith.constant 1.500000e+00 : f32
    %sub3A_1566 = vector.broadcast %sub3A_1565 : f32 to vector<16xf32>
    %sub3A_1567 = arith.subf %sub3A_1566, %mul3A_1564 : vector<16xf32>
    %mul3A_1568 = arith.mulf %bitcast_convert_type3A_1559, %sub3A_1567 : vector<16xf32>
    %mul3A_1569 = arith.constant 5.000000e-01 : f32
    %mul3A_1570 = vector.broadcast %mul3A_1569 : f32 to vector<16xf32>
    %mul3A_1571 = arith.mulf %mul3A_1570, %max3A_1551 : vector<16xf32>
    %mul3A_1572 = arith.mulf %mul3A_1571, %mul3A_1568 : vector<16xf32>
    %mul3A_1573 = arith.mulf %mul3A_1572, %mul3A_1568 : vector<16xf32>
    %sub3A_1574 = arith.constant 1.500000e+00 : f32
    %sub3A_1575 = vector.broadcast %sub3A_1574 : f32 to vector<16xf32>
    %sub3A_1576 = arith.subf %sub3A_1575, %mul3A_1573 : vector<16xf32>
    %mul3A_1577 = arith.mulf %mul3A_1568, %sub3A_1576 : vector<16xf32>
    %mul3A_1578 = arith.constant 5.000000e-01 : f32
    %mul3A_1579 = vector.broadcast %mul3A_1578 : f32 to vector<16xf32>
    %mul3A_1580 = arith.mulf %mul3A_1579, %max3A_1551 : vector<16xf32>
    %mul3A_1581 = arith.mulf %mul3A_1580, %mul3A_1577 : vector<16xf32>
    %mul3A_1582 = arith.mulf %mul3A_1581, %mul3A_1577 : vector<16xf32>
    %sub3A_1583 = arith.constant 1.500000e+00 : f32
    %sub3A_1584 = vector.broadcast %sub3A_1583 : f32 to vector<16xf32>
    %sub3A_1585 = arith.subf %sub3A_1584, %mul3A_1582 : vector<16xf32>
    %mul3A_1586 = arith.mulf %mul3A_1577, %sub3A_1585 : vector<16xf32>
    %get3A_1587 = arith.constant 416 : index
    %get3A_1588 = tpu.vector_load %arg10[%get3A_1587] {strides = array<i32>} : memref<512xf32, #tpu.memory_space<vmem>>, vector<16xf32>,
    %get3A_1589 = arith.constant 416 : index
    %get3A_1590 = tpu.vector_load %arg11[%get3A_1589] {strides = array<i32>} : memref<512xf32, #tpu.memory_space<vmem>>, vector<16xf32>,
    %add3A_1591 = arith.addf %get3A_1588, %get3A_1590 : vector<16xf32>
    %mul3A_1592 = arith.mulf %add3A_1591, %mul3A_1586 : vector<16xf32>
    %mul3A_1593 = arith.mulf %mul3A_1592, %get3A_196 : vector<16xf32>
    %swap3A_1594 = arith.constant 416 : index
    %swap3A_1595 = tpu.vector_load %arg15[%swap3A_1594] {strides = array<i32>} : memref<512xf32, #tpu.memory_space<vmem>>, vector<16xf32>,
    tpu.vector_store %arg15[%swap3A_1594], %mul3A_1593 {strides = array<i32>} : memref<512xf32, #tpu.memory_space<vmem>>, vector<16xf32>,
    %get3A_1596 = arith.constant 432 : index
    %get3A_1597 = tpu.vector_load %arg12[%get3A_1596] {strides = array<i32>} : memref<512xf32, #tpu.memory_space<vmem>>, vector<16xf32>,
    %get3A_1598 = arith.constant 432 : index
    %get3A_1599 = tpu.vector_load %arg13[%get3A_1598] {strides = array<i32>} : memref<512xf32, #tpu.memory_space<vmem>>, vector<16xf32>,
    %add3A_1600 = arith.addf %get3A_1597, %get3A_1599 : vector<16xf32>
    %max3A_1601 = arith.constant 1.000000e-16 : f32
    %max3A_1602 = vector.broadcast %max3A_1601 : f32 to vector<16xf32>
    %max3A_1603 = arith.maximumf %add3A_1600, %max3A_1602 : vector<16xf32>
    %bitcast_convert_type3A_1604 = tpu.bitcast %max3A_1603 : vector<16xf32> -> vector<16xi32>
    %shift_right_arithmetic3A_1605 = arith.constant 1 : i32
    %shift_right_arithmetic3A_1606 = vector.broadcast %shift_right_arithmetic3A_1605 : i32 to vector<16xi32>
    %shift_right_arithmetic3A_1607 = arith.shrsi %bitcast_convert_type3A_1604, %shift_right_arithmetic3A_1606 : vector<16xi32>
    %sub3A_1608 = arith.constant 1597463007 : i32
    %sub3A_1609 = vector.broadcast %sub3A_1608 : i32 to vector<16xi32>
    %sub3A_1610 = arith.subi %sub3A_1609, %shift_right_arithmetic3A_1607 : vector<16xi32>
    %bitcast_convert_type3A_1611 = tpu.bitcast %sub3A_1610 : vector<16xi32> -> vector<16xf32>
    %mul3A_1612 = arith.constant 5.000000e-01 : f32
    %mul3A_1613 = vector.broadcast %mul3A_1612 : f32 to vector<16xf32>
    %mul3A_1614 = arith.mulf %mul3A_1613, %max3A_1603 : vector<16xf32>
    %mul3A_1615 = arith.mulf %mul3A_1614, %bitcast_convert_type3A_1611 : vector<16xf32>
    %mul3A_1616 = arith.mulf %mul3A_1615, %bitcast_convert_type3A_1611 : vector<16xf32>
    %sub3A_1617 = arith.constant 1.500000e+00 : f32
    %sub3A_1618 = vector.broadcast %sub3A_1617 : f32 to vector<16xf32>
    %sub3A_1619 = arith.subf %sub3A_1618, %mul3A_1616 : vector<16xf32>
    %mul3A_1620 = arith.mulf %bitcast_convert_type3A_1611, %sub3A_1619 : vector<16xf32>
    %mul3A_1621 = arith.constant 5.000000e-01 : f32
    %mul3A_1622 = vector.broadcast %mul3A_1621 : f32 to vector<16xf32>
    %mul3A_1623 = arith.mulf %mul3A_1622, %max3A_1603 : vector<16xf32>
    %mul3A_1624 = arith.mulf %mul3A_1623, %mul3A_1620 : vector<16xf32>
    %mul3A_1625 = arith.mulf %mul3A_1624, %mul3A_1620 : vector<16xf32>
    %sub3A_1626 = arith.constant 1.500000e+00 : f32
    %sub3A_1627 = vector.broadcast %sub3A_1626 : f32 to vector<16xf32>
    %sub3A_1628 = arith.subf %sub3A_1627, %mul3A_1625 : vector<16xf32>
    %mul3A_1629 = arith.mulf %mul3A_1620, %sub3A_1628 : vector<16xf32>
    %mul3A_1630 = arith.constant 5.000000e-01 : f32
    %mul3A_1631 = vector.broadcast %mul3A_1630 : f32 to vector<16xf32>
    %mul3A_1632 = arith.mulf %mul3A_1631, %max3A_1603 : vector<16xf32>
    %mul3A_1633 = arith.mulf %mul3A_1632, %mul3A_1629 : vector<16xf32>
    %mul3A_1634 = arith.mulf %mul3A_1633, %mul3A_1629 : vector<16xf32>
    %sub3A_1635 = arith.constant 1.500000e+00 : f32
    %sub3A_1636 = vector.broadcast %sub3A_1635 : f32 to vector<16xf32>
    %sub3A_1637 = arith.subf %sub3A_1636, %mul3A_1634 : vector<16xf32>
    %mul3A_1638 = arith.mulf %mul3A_1629, %sub3A_1637 : vector<16xf32>
    %get3A_1639 = arith.constant 432 : index
    %get3A_1640 = tpu.vector_load %arg10[%get3A_1639] {strides = array<i32>} : memref<512xf32, #tpu.memory_space<vmem>>, vector<16xf32>,
    %get3A_1641 = arith.constant 432 : index
    %get3A_1642 = tpu.vector_load %arg11[%get3A_1641] {strides = array<i32>} : memref<512xf32, #tpu.memory_space<vmem>>, vector<16xf32>,
    %add3A_1643 = arith.addf %get3A_1640, %get3A_1642 : vector<16xf32>
    %mul3A_1644 = arith.mulf %add3A_1643, %mul3A_1638 : vector<16xf32>
    %mul3A_1645 = arith.mulf %mul3A_1644, %get3A_196 : vector<16xf32>
    %swap3A_1646 = arith.constant 432 : index
    %swap3A_1647 = tpu.vector_load %arg15[%swap3A_1646] {strides = array<i32>} : memref<512xf32, #tpu.memory_space<vmem>>, vector<16xf32>,
    tpu.vector_store %arg15[%swap3A_1646], %mul3A_1645 {strides = array<i32>} : memref<512xf32, #tpu.memory_space<vmem>>, vector<16xf32>,
    %get3A_1648 = arith.constant 448 : index
    %get3A_1649 = tpu.vector_load %arg12[%get3A_1648] {strides = array<i32>} : memref<512xf32, #tpu.memory_space<vmem>>, vector<16xf32>,
    %get3A_1650 = arith.constant 448 : index
    %get3A_1651 = tpu.vector_load %arg13[%get3A_1650] {strides = array<i32>} : memref<512xf32, #tpu.memory_space<vmem>>, vector<16xf32>,
    %add3A_1652 = arith.addf %get3A_1649, %get3A_1651 : vector<16xf32>
    %max3A_1653 = arith.constant 1.000000e-16 : f32
    %max3A_1654 = vector.broadcast %max3A_1653 : f32 to vector<16xf32>
    %max3A_1655 = arith.maximumf %add3A_1652, %max3A_1654 : vector<16xf32>
    %bitcast_convert_type3A_1656 = tpu.bitcast %max3A_1655 : vector<16xf32> -> vector<16xi32>
    %shift_right_arithmetic3A_1657 = arith.constant 1 : i32
    %shift_right_arithmetic3A_1658 = vector.broadcast %shift_right_arithmetic3A_1657 : i32 to vector<16xi32>
    %shift_right_arithmetic3A_1659 = arith.shrsi %bitcast_convert_type3A_1656, %shift_right_arithmetic3A_1658 : vector<16xi32>
    %sub3A_1660 = arith.constant 1597463007 : i32
    %sub3A_1661 = vector.broadcast %sub3A_1660 : i32 to vector<16xi32>
    %sub3A_1662 = arith.subi %sub3A_1661, %shift_right_arithmetic3A_1659 : vector<16xi32>
    %bitcast_convert_type3A_1663 = tpu.bitcast %sub3A_1662 : vector<16xi32> -> vector<16xf32>
    %mul3A_1664 = arith.constant 5.000000e-01 : f32
    %mul3A_1665 = vector.broadcast %mul3A_1664 : f32 to vector<16xf32>
    %mul3A_1666 = arith.mulf %mul3A_1665, %max3A_1655 : vector<16xf32>
    %mul3A_1667 = arith.mulf %mul3A_1666, %bitcast_convert_type3A_1663 : vector<16xf32>
    %mul3A_1668 = arith.mulf %mul3A_1667, %bitcast_convert_type3A_1663 : vector<16xf32>
    %sub3A_1669 = arith.constant 1.500000e+00 : f32
    %sub3A_1670 = vector.broadcast %sub3A_1669 : f32 to vector<16xf32>
    %sub3A_1671 = arith.subf %sub3A_1670, %mul3A_1668 : vector<16xf32>
    %mul3A_1672 = arith.mulf %bitcast_convert_type3A_1663, %sub3A_1671 : vector<16xf32>
    %mul3A_1673 = arith.constant 5.000000e-01 : f32
    %mul3A_1674 = vector.broadcast %mul3A_1673 : f32 to vector<16xf32>
    %mul3A_1675 = arith.mulf %mul3A_1674, %max3A_1655 : vector<16xf32>
    %mul3A_1676 = arith.mulf %mul3A_1675, %mul3A_1672 : vector<16xf32>
    %mul3A_1677 = arith.mulf %mul3A_1676, %mul3A_1672 : vector<16xf32>
    %sub3A_1678 = arith.constant 1.500000e+00 : f32
    %sub3A_1679 = vector.broadcast %sub3A_1678 : f32 to vector<16xf32>
    %sub3A_1680 = arith.subf %sub3A_1679, %mul3A_1677 : vector<16xf32>
    %mul3A_1681 = arith.mulf %mul3A_1672, %sub3A_1680 : vector<16xf32>
    %mul3A_1682 = arith.constant 5.000000e-01 : f32
    %mul3A_1683 = vector.broadcast %mul3A_1682 : f32 to vector<16xf32>
    %mul3A_1684 = arith.mulf %mul3A_1683, %max3A_1655 : vector<16xf32>
    %mul3A_1685 = arith.mulf %mul3A_1684, %mul3A_1681 : vector<16xf32>
    %mul3A_1686 = arith.mulf %mul3A_1685, %mul3A_1681 : vector<16xf32>
    %sub3A_1687 = arith.constant 1.500000e+00 : f32
    %sub3A_1688 = vector.broadcast %sub3A_1687 : f32 to vector<16xf32>
    %sub3A_1689 = arith.subf %sub3A_1688, %mul3A_1686 : vector<16xf32>
    %mul3A_1690 = arith.mulf %mul3A_1681, %sub3A_1689 : vector<16xf32>
    %get3A_1691 = arith.constant 448 : index
    %get3A_1692 = tpu.vector_load %arg10[%get3A_1691] {strides = array<i32>} : memref<512xf32, #tpu.memory_space<vmem>>, vector<16xf32>,
    %get3A_1693 = arith.constant 448 : index
    %get3A_1694 = tpu.vector_load %arg11[%get3A_1693] {strides = array<i32>} : memref<512xf32, #tpu.memory_space<vmem>>, vector<16xf32>,
    %add3A_1695 = arith.addf %get3A_1692, %get3A_1694 : vector<16xf32>
    %mul3A_1696 = arith.mulf %add3A_1695, %mul3A_1690 : vector<16xf32>
    %mul3A_1697 = arith.mulf %mul3A_1696, %get3A_196 : vector<16xf32>
    %swap3A_1698 = arith.constant 448 : index
    %swap3A_1699 = tpu.vector_load %arg15[%swap3A_1698] {strides = array<i32>} : memref<512xf32, #tpu.memory_space<vmem>>, vector<16xf32>,
    tpu.vector_store %arg15[%swap3A_1698], %mul3A_1697 {strides = array<i32>} : memref<512xf32, #tpu.memory_space<vmem>>, vector<16xf32>,
    %get3A_1700 = arith.constant 464 : index
    %get3A_1701 = tpu.vector_load %arg12[%get3A_1700] {strides = array<i32>} : memref<512xf32, #tpu.memory_space<vmem>>, vector<16xf32>,
    %get3A_1702 = arith.constant 464 : index
    %get3A_1703 = tpu.vector_load %arg13[%get3A_1702] {strides = array<i32>} : memref<512xf32, #tpu.memory_space<vmem>>, vector<16xf32>,
    %add3A_1704 = arith.addf %get3A_1701, %get3A_1703 : vector<16xf32>
    %max3A_1705 = arith.constant 1.000000e-16 : f32
    %max3A_1706 = vector.broadcast %max3A_1705 : f32 to vector<16xf32>
    %max3A_1707 = arith.maximumf %add3A_1704, %max3A_1706 : vector<16xf32>
    %bitcast_convert_type3A_1708 = tpu.bitcast %max3A_1707 : vector<16xf32> -> vector<16xi32>
    %shift_right_arithmetic3A_1709 = arith.constant 1 : i32
    %shift_right_arithmetic3A_1710 = vector.broadcast %shift_right_arithmetic3A_1709 : i32 to vector<16xi32>
    %shift_right_arithmetic3A_1711 = arith.shrsi %bitcast_convert_type3A_1708, %shift_right_arithmetic3A_1710 : vector<16xi32>
    %sub3A_1712 = arith.constant 1597463007 : i32
    %sub3A_1713 = vector.broadcast %sub3A_1712 : i32 to vector<16xi32>
    %sub3A_1714 = arith.subi %sub3A_1713, %shift_right_arithmetic3A_1711 : vector<16xi32>
    %bitcast_convert_type3A_1715 = tpu.bitcast %sub3A_1714 : vector<16xi32> -> vector<16xf32>
    %mul3A_1716 = arith.constant 5.000000e-01 : f32
    %mul3A_1717 = vector.broadcast %mul3A_1716 : f32 to vector<16xf32>
    %mul3A_1718 = arith.mulf %mul3A_1717, %max3A_1707 : vector<16xf32>
    %mul3A_1719 = arith.mulf %mul3A_1718, %bitcast_convert_type3A_1715 : vector<16xf32>
    %mul3A_1720 = arith.mulf %mul3A_1719, %bitcast_convert_type3A_1715 : vector<16xf32>
    %sub3A_1721 = arith.constant 1.500000e+00 : f32
    %sub3A_1722 = vector.broadcast %sub3A_1721 : f32 to vector<16xf32>
    %sub3A_1723 = arith.subf %sub3A_1722, %mul3A_1720 : vector<16xf32>
    %mul3A_1724 = arith.mulf %bitcast_convert_type3A_1715, %sub3A_1723 : vector<16xf32>
    %mul3A_1725 = arith.constant 5.000000e-01 : f32
    %mul3A_1726 = vector.broadcast %mul3A_1725 : f32 to vector<16xf32>
    %mul3A_1727 = arith.mulf %mul3A_1726, %max3A_1707 : vector<16xf32>
    %mul3A_1728 = arith.mulf %mul3A_1727, %mul3A_1724 : vector<16xf32>
    %mul3A_1729 = arith.mulf %mul3A_1728, %mul3A_1724 : vector<16xf32>
    %sub3A_1730 = arith.constant 1.500000e+00 : f32
    %sub3A_1731 = vector.broadcast %sub3A_1730 : f32 to vector<16xf32>
    %sub3A_1732 = arith.subf %sub3A_1731, %mul3A_1729 : vector<16xf32>
    %mul3A_1733 = arith.mulf %mul3A_1724, %sub3A_1732 : vector<16xf32>
    %mul3A_1734 = arith.constant 5.000000e-01 : f32
    %mul3A_1735 = vector.broadcast %mul3A_1734 : f32 to vector<16xf32>
    %mul3A_1736 = arith.mulf %mul3A_1735, %max3A_1707 : vector<16xf32>
    %mul3A_1737 = arith.mulf %mul3A_1736, %mul3A_1733 : vector<16xf32>
    %mul3A_1738 = arith.mulf %mul3A_1737, %mul3A_1733 : vector<16xf32>
    %sub3A_1739 = arith.constant 1.500000e+00 : f32
    %sub3A_1740 = vector.broadcast %sub3A_1739 : f32 to vector<16xf32>
    %sub3A_1741 = arith.subf %sub3A_1740, %mul3A_1738 : vector<16xf32>
    %mul3A_1742 = arith.mulf %mul3A_1733, %sub3A_1741 : vector<16xf32>
    %get3A_1743 = arith.constant 464 : index
    %get3A_1744 = tpu.vector_load %arg10[%get3A_1743] {strides = array<i32>} : memref<512xf32, #tpu.memory_space<vmem>>, vector<16xf32>,
    %get3A_1745 = arith.constant 464 : index
    %get3A_1746 = tpu.vector_load %arg11[%get3A_1745] {strides = array<i32>} : memref<512xf32, #tpu.memory_space<vmem>>, vector<16xf32>,
    %add3A_1747 = arith.addf %get3A_1744, %get3A_1746 : vector<16xf32>
    %mul3A_1748 = arith.mulf %add3A_1747, %mul3A_1742 : vector<16xf32>
    %mul3A_1749 = arith.mulf %mul3A_1748, %get3A_196 : vector<16xf32>
    %swap3A_1750 = arith.constant 464 : index
    %swap3A_1751 = tpu.vector_load %arg15[%swap3A_1750] {strides = array<i32>} : memref<512xf32, #tpu.memory_space<vmem>>, vector<16xf32>,
    tpu.vector_store %arg15[%swap3A_1750], %mul3A_1749 {strides = array<i32>} : memref<512xf32, #tpu.memory_space<vmem>>, vector<16xf32>,
    %get3A_1752 = arith.constant 480 : index
    %get3A_1753 = tpu.vector_load %arg12[%get3A_1752] {strides = array<i32>} : memref<512xf32, #tpu.memory_space<vmem>>, vector<16xf32>,
    %get3A_1754 = arith.constant 480 : index
    %get3A_1755 = tpu.vector_load %arg13[%get3A_1754] {strides = array<i32>} : memref<512xf32, #tpu.memory_space<vmem>>, vector<16xf32>,
    %add3A_1756 = arith.addf %get3A_1753, %get3A_1755 : vector<16xf32>
    %max3A_1757 = arith.constant 1.000000e-16 : f32
    %max3A_1758 = vector.broadcast %max3A_1757 : f32 to vector<16xf32>
    %max3A_1759 = arith.maximumf %add3A_1756, %max3A_1758 : vector<16xf32>
    %bitcast_convert_type3A_1760 = tpu.bitcast %max3A_1759 : vector<16xf32> -> vector<16xi32>
    %shift_right_arithmetic3A_1761 = arith.constant 1 : i32
    %shift_right_arithmetic3A_1762 = vector.broadcast %shift_right_arithmetic3A_1761 : i32 to vector<16xi32>
    %shift_right_arithmetic3A_1763 = arith.shrsi %bitcast_convert_type3A_1760, %shift_right_arithmetic3A_1762 : vector<16xi32>
    %sub3A_1764 = arith.constant 1597463007 : i32
    %sub3A_1765 = vector.broadcast %sub3A_1764 : i32 to vector<16xi32>
    %sub3A_1766 = arith.subi %sub3A_1765, %shift_right_arithmetic3A_1763 : vector<16xi32>
    %bitcast_convert_type3A_1767 = tpu.bitcast %sub3A_1766 : vector<16xi32> -> vector<16xf32>
    %mul3A_1768 = arith.constant 5.000000e-01 : f32
    %mul3A_1769 = vector.broadcast %mul3A_1768 : f32 to vector<16xf32>
    %mul3A_1770 = arith.mulf %mul3A_1769, %max3A_1759 : vector<16xf32>
    %mul3A_1771 = arith.mulf %mul3A_1770, %bitcast_convert_type3A_1767 : vector<16xf32>
    %mul3A_1772 = arith.mulf %mul3A_1771, %bitcast_convert_type3A_1767 : vector<16xf32>
    %sub3A_1773 = arith.constant 1.500000e+00 : f32
    %sub3A_1774 = vector.broadcast %sub3A_1773 : f32 to vector<16xf32>
    %sub3A_1775 = arith.subf %sub3A_1774, %mul3A_1772 : vector<16xf32>
    %mul3A_1776 = arith.mulf %bitcast_convert_type3A_1767, %sub3A_1775 : vector<16xf32>
    %mul3A_1777 = arith.constant 5.000000e-01 : f32
    %mul3A_1778 = vector.broadcast %mul3A_1777 : f32 to vector<16xf32>
    %mul3A_1779 = arith.mulf %mul3A_1778, %max3A_1759 : vector<16xf32>
    %mul3A_1780 = arith.mulf %mul3A_1779, %mul3A_1776 : vector<16xf32>
    %mul3A_1781 = arith.mulf %mul3A_1780, %mul3A_1776 : vector<16xf32>
    %sub3A_1782 = arith.constant 1.500000e+00 : f32
    %sub3A_1783 = vector.broadcast %sub3A_1782 : f32 to vector<16xf32>
    %sub3A_1784 = arith.subf %sub3A_1783, %mul3A_1781 : vector<16xf32>
    %mul3A_1785 = arith.mulf %mul3A_1776, %sub3A_1784 : vector<16xf32>
    %mul3A_1786 = arith.constant 5.000000e-01 : f32
    %mul3A_1787 = vector.broadcast %mul3A_1786 : f32 to vector<16xf32>
    %mul3A_1788 = arith.mulf %mul3A_1787, %max3A_1759 : vector<16xf32>
    %mul3A_1789 = arith.mulf %mul3A_1788, %mul3A_1785 : vector<16xf32>
    %mul3A_1790 = arith.mulf %mul3A_1789, %mul3A_1785 : vector<16xf32>
    %sub3A_1791 = arith.constant 1.500000e+00 : f32
    %sub3A_1792 = vector.broadcast %sub3A_1791 : f32 to vector<16xf32>
    %sub3A_1793 = arith.subf %sub3A_1792, %mul3A_1790 : vector<16xf32>
    %mul3A_1794 = arith.mulf %mul3A_1785, %sub3A_1793 : vector<16xf32>
    %get3A_1795 = arith.constant 480 : index
    %get3A_1796 = tpu.vector_load %arg10[%get3A_1795] {strides = array<i32>} : memref<512xf32, #tpu.memory_space<vmem>>, vector<16xf32>,
    %get3A_1797 = arith.constant 480 : index
    %get3A_1798 = tpu.vector_load %arg11[%get3A_1797] {strides = array<i32>} : memref<512xf32, #tpu.memory_space<vmem>>, vector<16xf32>,
    %add3A_1799 = arith.addf %get3A_1796, %get3A_1798 : vector<16xf32>
    %mul3A_1800 = arith.mulf %add3A_1799, %mul3A_1794 : vector<16xf32>
    %mul3A_1801 = arith.mulf %mul3A_1800, %get3A_196 : vector<16xf32>
    %swap3A_1802 = arith.constant 480 : index
    %swap3A_1803 = tpu.vector_load %arg15[%swap3A_1802] {strides = array<i32>} : memref<512xf32, #tpu.memory_space<vmem>>, vector<16xf32>,
    tpu.vector_store %arg15[%swap3A_1802], %mul3A_1801 {strides = array<i32>} : memref<512xf32, #tpu.memory_space<vmem>>, vector<16xf32>,
    %get3A_1804 = arith.constant 496 : index
    %get3A_1805 = tpu.vector_load %arg12[%get3A_1804] {strides = array<i32>} : memref<512xf32, #tpu.memory_space<vmem>>, vector<16xf32>,
    %get3A_1806 = arith.constant 496 : index
    %get3A_1807 = tpu.vector_load %arg13[%get3A_1806] {strides = array<i32>} : memref<512xf32, #tpu.memory_space<vmem>>, vector<16xf32>,
    %add3A_1808 = arith.addf %get3A_1805, %get3A_1807 : vector<16xf32>
    %max3A_1809 = arith.constant 1.000000e-16 : f32
    %max3A_1810 = vector.broadcast %max3A_1809 : f32 to vector<16xf32>
    %max3A_1811 = arith.maximumf %add3A_1808, %max3A_1810 : vector<16xf32>
    %bitcast_convert_type3A_1812 = tpu.bitcast %max3A_1811 : vector<16xf32> -> vector<16xi32>
    %shift_right_arithmetic3A_1813 = arith.constant 1 : i32
    %shift_right_arithmetic3A_1814 = vector.broadcast %shift_right_arithmetic3A_1813 : i32 to vector<16xi32>
    %shift_right_arithmetic3A_1815 = arith.shrsi %bitcast_convert_type3A_1812, %shift_right_arithmetic3A_1814 : vector<16xi32>
    %sub3A_1816 = arith.constant 1597463007 : i32
    %sub3A_1817 = vector.broadcast %sub3A_1816 : i32 to vector<16xi32>
    %sub3A_1818 = arith.subi %sub3A_1817, %shift_right_arithmetic3A_1815 : vector<16xi32>
    %bitcast_convert_type3A_1819 = tpu.bitcast %sub3A_1818 : vector<16xi32> -> vector<16xf32>
    %mul3A_1820 = arith.constant 5.000000e-01 : f32
    %mul3A_1821 = vector.broadcast %mul3A_1820 : f32 to vector<16xf32>
    %mul3A_1822 = arith.mulf %mul3A_1821, %max3A_1811 : vector<16xf32>
    %mul3A_1823 = arith.mulf %mul3A_1822, %bitcast_convert_type3A_1819 : vector<16xf32>
    %mul3A_1824 = arith.mulf %mul3A_1823, %bitcast_convert_type3A_1819 : vector<16xf32>
    %sub3A_1825 = arith.constant 1.500000e+00 : f32
    %sub3A_1826 = vector.broadcast %sub3A_1825 : f32 to vector<16xf32>
    %sub3A_1827 = arith.subf %sub3A_1826, %mul3A_1824 : vector<16xf32>
    %mul3A_1828 = arith.mulf %bitcast_convert_type3A_1819, %sub3A_1827 : vector<16xf32>
    %mul3A_1829 = arith.constant 5.000000e-01 : f32
    %mul3A_1830 = vector.broadcast %mul3A_1829 : f32 to vector<16xf32>
    %mul3A_1831 = arith.mulf %mul3A_1830, %max3A_1811 : vector<16xf32>
    %mul3A_1832 = arith.mulf %mul3A_1831, %mul3A_1828 : vector<16xf32>
    %mul3A_1833 = arith.mulf %mul3A_1832, %mul3A_1828 : vector<16xf32>
    %sub3A_1834 = arith.constant 1.500000e+00 : f32
    %sub3A_1835 = vector.broadcast %sub3A_1834 : f32 to vector<16xf32>
    %sub3A_1836 = arith.subf %sub3A_1835, %mul3A_1833 : vector<16xf32>
    %mul3A_1837 = arith.mulf %mul3A_1828, %sub3A_1836 : vector<16xf32>
    %mul3A_1838 = arith.constant 5.000000e-01 : f32
    %mul3A_1839 = vector.broadcast %mul3A_1838 : f32 to vector<16xf32>
    %mul3A_1840 = arith.mulf %mul3A_1839, %max3A_1811 : vector<16xf32>
    %mul3A_1841 = arith.mulf %mul3A_1840, %mul3A_1837 : vector<16xf32>
    %mul3A_1842 = arith.mulf %mul3A_1841, %mul3A_1837 : vector<16xf32>
    %sub3A_1843 = arith.constant 1.500000e+00 : f32
    %sub3A_1844 = vector.broadcast %sub3A_1843 : f32 to vector<16xf32>
    %sub3A_1845 = arith.subf %sub3A_1844, %mul3A_1842 : vector<16xf32>
    %mul3A_1846 = arith.mulf %mul3A_1837, %sub3A_1845 : vector<16xf32>
    %get3A_1847 = arith.constant 496 : index
    %get3A_1848 = tpu.vector_load %arg10[%get3A_1847] {strides = array<i32>} : memref<512xf32, #tpu.memory_space<vmem>>, vector<16xf32>,
    %get3A_1849 = arith.constant 496 : index
    %get3A_1850 = tpu.vector_load %arg11[%get3A_1849] {strides = array<i32>} : memref<512xf32, #tpu.memory_space<vmem>>, vector<16xf32>,
    %add3A_1851 = arith.addf %get3A_1848, %get3A_1850 : vector<16xf32>
    %mul3A_1852 = arith.mulf %add3A_1851, %mul3A_1846 : vector<16xf32>
    %mul3A_1853 = arith.mulf %mul3A_1852, %get3A_196 : vector<16xf32>
    %swap3A_1854 = arith.constant 496 : index
    %swap3A_1855 = tpu.vector_load %arg15[%swap3A_1854] {strides = array<i32>} : memref<512xf32, #tpu.memory_space<vmem>>, vector<16xf32>,
    tpu.vector_store %arg15[%swap3A_1854], %mul3A_1853 {strides = array<i32>} : memref<512xf32, #tpu.memory_space<vmem>>, vector<16xf32>,
    %mul3A_1856 = arith.constant 512 : i32
    %mul3A_1857 = arith.muli %add3A, %mul3A_1856 : i32
    "tpu.region"() ({
      %run_scoped3A_1858 = tpu.sem_alloc : memref<!tpu.dma_semaphore, #tpu.memory_space<semaphore_mem>>
      %dma_start3A_1859 = tpu.memref_slice %arg7[%mul3A_1857] : memref<16384xf32, #tpu.memory_space<hbm>> -> memref<512xf32, #tpu.memory_space<hbm>>
      %dma_start3A_1860 = tpu.memref_slice %arg7[%mul3A_1857] : memref<16384xf32, #tpu.memory_space<hbm>> -> memref<512xf32, #tpu.memory_space<hbm>>
      tpu.enqueue_dma source(%arg15 : memref<512xf32, #tpu.memory_space<vmem>>) target(%dma_start3A_1860 : memref<512xf32, #tpu.memory_space<hbm>>) target_semaphore(%run_scoped3A_1858 : memref<!tpu.dma_semaphore, #tpu.memory_space<semaphore_mem>>)
      %dma_wait3A_1861 = tpu.memref_slice %arg7[%mul3A_1857] : memref<16384xf32, #tpu.memory_space<hbm>> -> memref<512xf32, #tpu.memory_space<hbm>>
      %dma_wait3A_1862 = tpu.memref_slice %arg7[%mul3A_1857] : memref<16384xf32, #tpu.memory_space<hbm>> -> memref<512xf32, #tpu.memory_space<hbm>>
      tpu.wait_dma2 semaphore(%run_scoped3A_1858 : memref<!tpu.dma_semaphore, #tpu.memory_space<semaphore_mem>>) src(%arg15 : memref<512xf32, #tpu.memory_space<vmem>>) dst(%dma_wait3A_1862 : memref<512xf32, #tpu.memory_space<hbm>>)
      tpu.yield
    }) : () -> ()
    return
  }
}

module attributes {stable_mosaic.version = 14 : i64} {
  func.func @_k2_body(%arg0: i32, %arg1: memref<16xi32, #tpu.memory_space<smem>>, %arg2: memref<64x32768xf32, #tpu.memory_space<vmem>>, %arg3: memref<64x1000001xf32, #tpu.memory_space<any>>, %arg4: memref<32768xf32, #tpu.memory_space<vmem>>, %arg5: memref<32768xf32, #tpu.memory_space<vmem>>, %arg6: memref<32768xf32, #tpu.memory_space<vmem>>, %arg7: memref<16xf32, #tpu.memory_space<vmem>>, %arg8: memref<64x2xf32, #tpu.memory_space<vmem>>, %arg9: memref<10x64x128xf32, #tpu.memory_space<vmem>>, %arg10: memref<!tpu.dma_semaphore, #tpu.memory_space<semaphore_mem>>) attributes {dimension_semantics = [#tpu.dimension_semantics<arbitrary>], iteration_bounds = array<i64: 31>, scalar_prefetch = 0 : i64, scratch_operands = 3 : i64, tpu.core_type = #tpu.core_type<tc>, window_params = [{transform_indices = @transform_0, window_bounds = array<i64: 16>}, {transform_indices = @transform_1, window_bounds = array<i64: 64, 32768>}, {}, {transform_indices = @transform_3, window_bounds = array<i64: 32768>}, {transform_indices = @transform_4, window_bounds = array<i64: 32768>}, {transform_indices = @transform_5, window_bounds = array<i64: 32768>}, {pipeline_mode = #tpu.pipeline_mode<synchronous>, transform_indices = @transform_6, window_bounds = array<i64: 16>}]} {
    %eq3A = arith.constant 0 : i32
    %eq3A_0 = arith.cmpi eq, %arg0, %eq3A : i32
    %convert_element_type3A = arith.extui %eq3A_0 : i1 to i32
    %cond3A = arith.constant 0 : i32
    %cond3A_1 = arith.cmpi ne, %convert_element_type3A, %cond3A : i32
    scf.if %cond3A_1 {
      %get3A_16 = arith.constant 0 : index
      %get3A_17 = memref.load %arg1[%get3A_16] : memref<16xi32, #tpu.memory_space<smem>>
      %jit3A = arith.constant 128 : i32
      %div3A = arith.divsi %get3A_17, %jit3A : i32
      %sign3A = arith.constant 0 : i32
      %sign3A_18 = arith.cmpi sgt, %get3A_17, %sign3A : i32
      %sign3A_19 = arith.extui %sign3A_18 : i1 to i32
      %sign3A_20 = arith.constant 0 : i32
      %sign3A_21 = arith.cmpi slt, %get3A_17, %sign3A_20 : i32
      %sign3A_22 = arith.extui %sign3A_21 : i1 to i32
      %sign3A_23 = arith.subi %sign3A_19, %sign3A_22 : i32
      %sign3A_24 = arith.constant 0 : i32
      %sign3A_25 = arith.cmpi sgt, %jit3A, %sign3A_24 : i32
      %sign3A_26 = arith.extui %sign3A_25 : i1 to i32
      %sign3A_27 = arith.constant 0 : i32
      %sign3A_28 = arith.cmpi slt, %jit3A, %sign3A_27 : i32
      %sign3A_29 = arith.extui %sign3A_28 : i1 to i32
      %sign3A_30 = arith.subi %sign3A_26, %sign3A_29 : i32
      %ne3A = arith.cmpi ne, %sign3A_23, %sign3A_30 : i32
      %rem3A = arith.remsi %get3A_17, %jit3A : i32
      %ne3A_31 = arith.constant 0 : i32
      %ne3A_32 = arith.cmpi ne, %rem3A, %ne3A_31 : i32
      %and3A = arith.andi %ne3A, %ne3A_32 : i1
      %sub3A = arith.constant 1 : i32
      %sub3A_33 = arith.subi %div3A, %sub3A : i32
      %select_n3A = arith.select %and3A, %sub3A_33, %div3A : i32
      %mul3A_34 = arith.constant 128 : i32
      %mul3A_35 = arith.muli %select_n3A, %mul3A_34 : i32
      %multiple_of3A = tpu.assume_multiple %mul3A_35, 128 : i32
      %dma_start3A = arith.constant 0 : i32
      %dma_start3A_36 = arith.constant 0 : i32
      %dma_start3A_37 = arith.constant 0 : i32
      %dma_start3A_38 = tpu.memref_slice %arg9[%dma_start3A, %dma_start3A_36, %dma_start3A_37] : memref<10x64x128xf32, #tpu.memory_space<vmem>> -> memref<1x64x128xf32, #tpu.memory_space<vmem>>
      %dma_start3A_39 = tpu.memref_squeeze %dma_start3A_38 : memref<1x64x128xf32, #tpu.memory_space<vmem>> -> memref<64x128xf32, #tpu.memory_space<vmem>>
      %dma_start3A_40 = arith.constant 0 : i32
      %dma_start3A_41 = tpu.memref_slice %arg3[%dma_start3A_40, %multiple_of3A] : memref<64x1000001xf32, #tpu.memory_space<any>> -> memref<64x128xf32, #tpu.memory_space<any>>
      tpu.enqueue_dma source(%dma_start3A_41 : memref<64x128xf32, #tpu.memory_space<any>>) target(%dma_start3A_39 : memref<64x128xf32, #tpu.memory_space<vmem>>) target_semaphore(%arg10 : memref<!tpu.dma_semaphore, #tpu.memory_space<semaphore_mem>>)
      %get3A_42 = arith.constant 1 : index
      %get3A_43 = memref.load %arg1[%get3A_42] : memref<16xi32, #tpu.memory_space<smem>>
      %jit3A_44 = arith.constant 128 : i32
      %div3A_45 = arith.divsi %get3A_43, %jit3A_44 : i32
      %sign3A_46 = arith.constant 0 : i32
      %sign3A_47 = arith.cmpi sgt, %get3A_43, %sign3A_46 : i32
      %sign3A_48 = arith.extui %sign3A_47 : i1 to i32
      %sign3A_49 = arith.constant 0 : i32
      %sign3A_50 = arith.cmpi slt, %get3A_43, %sign3A_49 : i32
      %sign3A_51 = arith.extui %sign3A_50 : i1 to i32
      %sign3A_52 = arith.subi %sign3A_48, %sign3A_51 : i32
      %sign3A_53 = arith.constant 0 : i32
      %sign3A_54 = arith.cmpi sgt, %jit3A_44, %sign3A_53 : i32
      %sign3A_55 = arith.extui %sign3A_54 : i1 to i32
      %sign3A_56 = arith.constant 0 : i32
      %sign3A_57 = arith.cmpi slt, %jit3A_44, %sign3A_56 : i32
      %sign3A_58 = arith.extui %sign3A_57 : i1 to i32
      %sign3A_59 = arith.subi %sign3A_55, %sign3A_58 : i32
      %ne3A_60 = arith.cmpi ne, %sign3A_52, %sign3A_59 : i32
      %rem3A_61 = arith.remsi %get3A_43, %jit3A_44 : i32
      %ne3A_62 = arith.constant 0 : i32
      %ne3A_63 = arith.cmpi ne, %rem3A_61, %ne3A_62 : i32
      %and3A_64 = arith.andi %ne3A_60, %ne3A_63 : i1
      %sub3A_65 = arith.constant 1 : i32
      %sub3A_66 = arith.subi %div3A_45, %sub3A_65 : i32
      %select_n3A_67 = arith.select %and3A_64, %sub3A_66, %div3A_45 : i32
      %mul3A_68 = arith.constant 128 : i32
      %mul3A_69 = arith.muli %select_n3A_67, %mul3A_68 : i32
      %multiple_of3A_70 = tpu.assume_multiple %mul3A_69, 128 : i32
      %dma_start3A_71 = arith.constant 1 : i32
      %dma_start3A_72 = arith.constant 0 : i32
      %dma_start3A_73 = arith.constant 0 : i32
      %dma_start3A_74 = tpu.memref_slice %arg9[%dma_start3A_71, %dma_start3A_72, %dma_start3A_73] : memref<10x64x128xf32, #tpu.memory_space<vmem>> -> memref<1x64x128xf32, #tpu.memory_space<vmem>>
      %dma_start3A_75 = tpu.memref_squeeze %dma_start3A_74 : memref<1x64x128xf32, #tpu.memory_space<vmem>> -> memref<64x128xf32, #tpu.memory_space<vmem>>
      %dma_start3A_76 = arith.constant 0 : i32
      %dma_start3A_77 = tpu.memref_slice %arg3[%dma_start3A_76, %multiple_of3A_70] : memref<64x1000001xf32, #tpu.memory_space<any>> -> memref<64x128xf32, #tpu.memory_space<any>>
      tpu.enqueue_dma source(%dma_start3A_77 : memref<64x128xf32, #tpu.memory_space<any>>) target(%dma_start3A_75 : memref<64x128xf32, #tpu.memory_space<vmem>>) target_semaphore(%arg10 : memref<!tpu.dma_semaphore, #tpu.memory_space<semaphore_mem>>)
      %get3A_78 = arith.constant 2 : index
      %get3A_79 = memref.load %arg1[%get3A_78] : memref<16xi32, #tpu.memory_space<smem>>
      %jit3A_80 = arith.constant 128 : i32
      %div3A_81 = arith.divsi %get3A_79, %jit3A_80 : i32
      %sign3A_82 = arith.constant 0 : i32
      %sign3A_83 = arith.cmpi sgt, %get3A_79, %sign3A_82 : i32
      %sign3A_84 = arith.extui %sign3A_83 : i1 to i32
      %sign3A_85 = arith.constant 0 : i32
      %sign3A_86 = arith.cmpi slt, %get3A_79, %sign3A_85 : i32
      %sign3A_87 = arith.extui %sign3A_86 : i1 to i32
      %sign3A_88 = arith.subi %sign3A_84, %sign3A_87 : i32
      %sign3A_89 = arith.constant 0 : i32
      %sign3A_90 = arith.cmpi sgt, %jit3A_80, %sign3A_89 : i32
      %sign3A_91 = arith.extui %sign3A_90 : i1 to i32
      %sign3A_92 = arith.constant 0 : i32
      %sign3A_93 = arith.cmpi slt, %jit3A_80, %sign3A_92 : i32
      %sign3A_94 = arith.extui %sign3A_93 : i1 to i32
      %sign3A_95 = arith.subi %sign3A_91, %sign3A_94 : i32
      %ne3A_96 = arith.cmpi ne, %sign3A_88, %sign3A_95 : i32
      %rem3A_97 = arith.remsi %get3A_79, %jit3A_80 : i32
      %ne3A_98 = arith.constant 0 : i32
      %ne3A_99 = arith.cmpi ne, %rem3A_97, %ne3A_98 : i32
      %and3A_100 = arith.andi %ne3A_96, %ne3A_99 : i1
      %sub3A_101 = arith.constant 1 : i32
      %sub3A_102 = arith.subi %div3A_81, %sub3A_101 : i32
      %select_n3A_103 = arith.select %and3A_100, %sub3A_102, %div3A_81 : i32
      %mul3A_104 = arith.constant 128 : i32
      %mul3A_105 = arith.muli %select_n3A_103, %mul3A_104 : i32
      %multiple_of3A_106 = tpu.assume_multiple %mul3A_105, 128 : i32
      %dma_start3A_107 = arith.constant 2 : i32
      %dma_start3A_108 = arith.constant 0 : i32
      %dma_start3A_109 = arith.constant 0 : i32
      %dma_start3A_110 = tpu.memref_slice %arg9[%dma_start3A_107, %dma_start3A_108, %dma_start3A_109] : memref<10x64x128xf32, #tpu.memory_space<vmem>> -> memref<1x64x128xf32, #tpu.memory_space<vmem>>
      %dma_start3A_111 = tpu.memref_squeeze %dma_start3A_110 : memref<1x64x128xf32, #tpu.memory_space<vmem>> -> memref<64x128xf32, #tpu.memory_space<vmem>>
      %dma_start3A_112 = arith.constant 0 : i32
      %dma_start3A_113 = tpu.memref_slice %arg3[%dma_start3A_112, %multiple_of3A_106] : memref<64x1000001xf32, #tpu.memory_space<any>> -> memref<64x128xf32, #tpu.memory_space<any>>
      tpu.enqueue_dma source(%dma_start3A_113 : memref<64x128xf32, #tpu.memory_space<any>>) target(%dma_start3A_111 : memref<64x128xf32, #tpu.memory_space<vmem>>) target_semaphore(%arg10 : memref<!tpu.dma_semaphore, #tpu.memory_space<semaphore_mem>>)
      %get3A_114 = arith.constant 3 : index
      %get3A_115 = memref.load %arg1[%get3A_114] : memref<16xi32, #tpu.memory_space<smem>>
      %jit3A_116 = arith.constant 128 : i32
      %div3A_117 = arith.divsi %get3A_115, %jit3A_116 : i32
      %sign3A_118 = arith.constant 0 : i32
      %sign3A_119 = arith.cmpi sgt, %get3A_115, %sign3A_118 : i32
      %sign3A_120 = arith.extui %sign3A_119 : i1 to i32
      %sign3A_121 = arith.constant 0 : i32
      %sign3A_122 = arith.cmpi slt, %get3A_115, %sign3A_121 : i32
      %sign3A_123 = arith.extui %sign3A_122 : i1 to i32
      %sign3A_124 = arith.subi %sign3A_120, %sign3A_123 : i32
      %sign3A_125 = arith.constant 0 : i32
      %sign3A_126 = arith.cmpi sgt, %jit3A_116, %sign3A_125 : i32
      %sign3A_127 = arith.extui %sign3A_126 : i1 to i32
      %sign3A_128 = arith.constant 0 : i32
      %sign3A_129 = arith.cmpi slt, %jit3A_116, %sign3A_128 : i32
      %sign3A_130 = arith.extui %sign3A_129 : i1 to i32
      %sign3A_131 = arith.subi %sign3A_127, %sign3A_130 : i32
      %ne3A_132 = arith.cmpi ne, %sign3A_124, %sign3A_131 : i32
      %rem3A_133 = arith.remsi %get3A_115, %jit3A_116 : i32
      %ne3A_134 = arith.constant 0 : i32
      %ne3A_135 = arith.cmpi ne, %rem3A_133, %ne3A_134 : i32
      %and3A_136 = arith.andi %ne3A_132, %ne3A_135 : i1
      %sub3A_137 = arith.constant 1 : i32
      %sub3A_138 = arith.subi %div3A_117, %sub3A_137 : i32
      %select_n3A_139 = arith.select %and3A_136, %sub3A_138, %div3A_117 : i32
      %mul3A_140 = arith.constant 128 : i32
      %mul3A_141 = arith.muli %select_n3A_139, %mul3A_140 : i32
      %multiple_of3A_142 = tpu.assume_multiple %mul3A_141, 128 : i32
      %dma_start3A_143 = arith.constant 3 : i32
      %dma_start3A_144 = arith.constant 0 : i32
      %dma_start3A_145 = arith.constant 0 : i32
      %dma_start3A_146 = tpu.memref_slice %arg9[%dma_start3A_143, %dma_start3A_144, %dma_start3A_145] : memref<10x64x128xf32, #tpu.memory_space<vmem>> -> memref<1x64x128xf32, #tpu.memory_space<vmem>>
      %dma_start3A_147 = tpu.memref_squeeze %dma_start3A_146 : memref<1x64x128xf32, #tpu.memory_space<vmem>> -> memref<64x128xf32, #tpu.memory_space<vmem>>
      %dma_start3A_148 = arith.constant 0 : i32
      %dma_start3A_149 = tpu.memref_slice %arg3[%dma_start3A_148, %multiple_of3A_142] : memref<64x1000001xf32, #tpu.memory_space<any>> -> memref<64x128xf32, #tpu.memory_space<any>>
      tpu.enqueue_dma source(%dma_start3A_149 : memref<64x128xf32, #tpu.memory_space<any>>) target(%dma_start3A_147 : memref<64x128xf32, #tpu.memory_space<vmem>>) target_semaphore(%arg10 : memref<!tpu.dma_semaphore, #tpu.memory_space<semaphore_mem>>)
      %get3A_150 = arith.constant 4 : index
      %get3A_151 = memref.load %arg1[%get3A_150] : memref<16xi32, #tpu.memory_space<smem>>
      %jit3A_152 = arith.constant 128 : i32
      %div3A_153 = arith.divsi %get3A_151, %jit3A_152 : i32
      %sign3A_154 = arith.constant 0 : i32
      %sign3A_155 = arith.cmpi sgt, %get3A_151, %sign3A_154 : i32
      %sign3A_156 = arith.extui %sign3A_155 : i1 to i32
      %sign3A_157 = arith.constant 0 : i32
      %sign3A_158 = arith.cmpi slt, %get3A_151, %sign3A_157 : i32
      %sign3A_159 = arith.extui %sign3A_158 : i1 to i32
      %sign3A_160 = arith.subi %sign3A_156, %sign3A_159 : i32
      %sign3A_161 = arith.constant 0 : i32
      %sign3A_162 = arith.cmpi sgt, %jit3A_152, %sign3A_161 : i32
      %sign3A_163 = arith.extui %sign3A_162 : i1 to i32
      %sign3A_164 = arith.constant 0 : i32
      %sign3A_165 = arith.cmpi slt, %jit3A_152, %sign3A_164 : i32
      %sign3A_166 = arith.extui %sign3A_165 : i1 to i32
      %sign3A_167 = arith.subi %sign3A_163, %sign3A_166 : i32
      %ne3A_168 = arith.cmpi ne, %sign3A_160, %sign3A_167 : i32
      %rem3A_169 = arith.remsi %get3A_151, %jit3A_152 : i32
      %ne3A_170 = arith.constant 0 : i32
      %ne3A_171 = arith.cmpi ne, %rem3A_169, %ne3A_170 : i32
      %and3A_172 = arith.andi %ne3A_168, %ne3A_171 : i1
      %sub3A_173 = arith.constant 1 : i32
      %sub3A_174 = arith.subi %div3A_153, %sub3A_173 : i32
      %select_n3A_175 = arith.select %and3A_172, %sub3A_174, %div3A_153 : i32
      %mul3A_176 = arith.constant 128 : i32
      %mul3A_177 = arith.muli %select_n3A_175, %mul3A_176 : i32
      %multiple_of3A_178 = tpu.assume_multiple %mul3A_177, 128 : i32
      %dma_start3A_179 = arith.constant 4 : i32
      %dma_start3A_180 = arith.constant 0 : i32
      %dma_start3A_181 = arith.constant 0 : i32
      %dma_start3A_182 = tpu.memref_slice %arg9[%dma_start3A_179, %dma_start3A_180, %dma_start3A_181] : memref<10x64x128xf32, #tpu.memory_space<vmem>> -> memref<1x64x128xf32, #tpu.memory_space<vmem>>
      %dma_start3A_183 = tpu.memref_squeeze %dma_start3A_182 : memref<1x64x128xf32, #tpu.memory_space<vmem>> -> memref<64x128xf32, #tpu.memory_space<vmem>>
      %dma_start3A_184 = arith.constant 0 : i32
      %dma_start3A_185 = tpu.memref_slice %arg3[%dma_start3A_184, %multiple_of3A_178] : memref<64x1000001xf32, #tpu.memory_space<any>> -> memref<64x128xf32, #tpu.memory_space<any>>
      tpu.enqueue_dma source(%dma_start3A_185 : memref<64x128xf32, #tpu.memory_space<any>>) target(%dma_start3A_183 : memref<64x128xf32, #tpu.memory_space<vmem>>) target_semaphore(%arg10 : memref<!tpu.dma_semaphore, #tpu.memory_space<semaphore_mem>>)
      %get3A_186 = arith.constant 5 : index
      %get3A_187 = memref.load %arg1[%get3A_186] : memref<16xi32, #tpu.memory_space<smem>>
      %jit3A_188 = arith.constant 128 : i32
      %div3A_189 = arith.divsi %get3A_187, %jit3A_188 : i32
      %sign3A_190 = arith.constant 0 : i32
      %sign3A_191 = arith.cmpi sgt, %get3A_187, %sign3A_190 : i32
      %sign3A_192 = arith.extui %sign3A_191 : i1 to i32
      %sign3A_193 = arith.constant 0 : i32
      %sign3A_194 = arith.cmpi slt, %get3A_187, %sign3A_193 : i32
      %sign3A_195 = arith.extui %sign3A_194 : i1 to i32
      %sign3A_196 = arith.subi %sign3A_192, %sign3A_195 : i32
      %sign3A_197 = arith.constant 0 : i32
      %sign3A_198 = arith.cmpi sgt, %jit3A_188, %sign3A_197 : i32
      %sign3A_199 = arith.extui %sign3A_198 : i1 to i32
      %sign3A_200 = arith.constant 0 : i32
      %sign3A_201 = arith.cmpi slt, %jit3A_188, %sign3A_200 : i32
      %sign3A_202 = arith.extui %sign3A_201 : i1 to i32
      %sign3A_203 = arith.subi %sign3A_199, %sign3A_202 : i32
      %ne3A_204 = arith.cmpi ne, %sign3A_196, %sign3A_203 : i32
      %rem3A_205 = arith.remsi %get3A_187, %jit3A_188 : i32
      %ne3A_206 = arith.constant 0 : i32
      %ne3A_207 = arith.cmpi ne, %rem3A_205, %ne3A_206 : i32
      %and3A_208 = arith.andi %ne3A_204, %ne3A_207 : i1
      %sub3A_209 = arith.constant 1 : i32
      %sub3A_210 = arith.subi %div3A_189, %sub3A_209 : i32
      %select_n3A_211 = arith.select %and3A_208, %sub3A_210, %div3A_189 : i32
      %mul3A_212 = arith.constant 128 : i32
      %mul3A_213 = arith.muli %select_n3A_211, %mul3A_212 : i32
      %multiple_of3A_214 = tpu.assume_multiple %mul3A_213, 128 : i32
      %dma_start3A_215 = arith.constant 5 : i32
      %dma_start3A_216 = arith.constant 0 : i32
      %dma_start3A_217 = arith.constant 0 : i32
      %dma_start3A_218 = tpu.memref_slice %arg9[%dma_start3A_215, %dma_start3A_216, %dma_start3A_217] : memref<10x64x128xf32, #tpu.memory_space<vmem>> -> memref<1x64x128xf32, #tpu.memory_space<vmem>>
      %dma_start3A_219 = tpu.memref_squeeze %dma_start3A_218 : memref<1x64x128xf32, #tpu.memory_space<vmem>> -> memref<64x128xf32, #tpu.memory_space<vmem>>
      %dma_start3A_220 = arith.constant 0 : i32
      %dma_start3A_221 = tpu.memref_slice %arg3[%dma_start3A_220, %multiple_of3A_214] : memref<64x1000001xf32, #tpu.memory_space<any>> -> memref<64x128xf32, #tpu.memory_space<any>>
      tpu.enqueue_dma source(%dma_start3A_221 : memref<64x128xf32, #tpu.memory_space<any>>) target(%dma_start3A_219 : memref<64x128xf32, #tpu.memory_space<vmem>>) target_semaphore(%arg10 : memref<!tpu.dma_semaphore, #tpu.memory_space<semaphore_mem>>)
      %get3A_222 = arith.constant 6 : index
      %get3A_223 = memref.load %arg1[%get3A_222] : memref<16xi32, #tpu.memory_space<smem>>
      %jit3A_224 = arith.constant 128 : i32
      %div3A_225 = arith.divsi %get3A_223, %jit3A_224 : i32
      %sign3A_226 = arith.constant 0 : i32
      %sign3A_227 = arith.cmpi sgt, %get3A_223, %sign3A_226 : i32
      %sign3A_228 = arith.extui %sign3A_227 : i1 to i32
      %sign3A_229 = arith.constant 0 : i32
      %sign3A_230 = arith.cmpi slt, %get3A_223, %sign3A_229 : i32
      %sign3A_231 = arith.extui %sign3A_230 : i1 to i32
      %sign3A_232 = arith.subi %sign3A_228, %sign3A_231 : i32
      %sign3A_233 = arith.constant 0 : i32
      %sign3A_234 = arith.cmpi sgt, %jit3A_224, %sign3A_233 : i32
      %sign3A_235 = arith.extui %sign3A_234 : i1 to i32
      %sign3A_236 = arith.constant 0 : i32
      %sign3A_237 = arith.cmpi slt, %jit3A_224, %sign3A_236 : i32
      %sign3A_238 = arith.extui %sign3A_237 : i1 to i32
      %sign3A_239 = arith.subi %sign3A_235, %sign3A_238 : i32
      %ne3A_240 = arith.cmpi ne, %sign3A_232, %sign3A_239 : i32
      %rem3A_241 = arith.remsi %get3A_223, %jit3A_224 : i32
      %ne3A_242 = arith.constant 0 : i32
      %ne3A_243 = arith.cmpi ne, %rem3A_241, %ne3A_242 : i32
      %and3A_244 = arith.andi %ne3A_240, %ne3A_243 : i1
      %sub3A_245 = arith.constant 1 : i32
      %sub3A_246 = arith.subi %div3A_225, %sub3A_245 : i32
      %select_n3A_247 = arith.select %and3A_244, %sub3A_246, %div3A_225 : i32
      %mul3A_248 = arith.constant 128 : i32
      %mul3A_249 = arith.muli %select_n3A_247, %mul3A_248 : i32
      %multiple_of3A_250 = tpu.assume_multiple %mul3A_249, 128 : i32
      %dma_start3A_251 = arith.constant 6 : i32
      %dma_start3A_252 = arith.constant 0 : i32
      %dma_start3A_253 = arith.constant 0 : i32
      %dma_start3A_254 = tpu.memref_slice %arg9[%dma_start3A_251, %dma_start3A_252, %dma_start3A_253] : memref<10x64x128xf32, #tpu.memory_space<vmem>> -> memref<1x64x128xf32, #tpu.memory_space<vmem>>
      %dma_start3A_255 = tpu.memref_squeeze %dma_start3A_254 : memref<1x64x128xf32, #tpu.memory_space<vmem>> -> memref<64x128xf32, #tpu.memory_space<vmem>>
      %dma_start3A_256 = arith.constant 0 : i32
      %dma_start3A_257 = tpu.memref_slice %arg3[%dma_start3A_256, %multiple_of3A_250] : memref<64x1000001xf32, #tpu.memory_space<any>> -> memref<64x128xf32, #tpu.memory_space<any>>
      tpu.enqueue_dma source(%dma_start3A_257 : memref<64x128xf32, #tpu.memory_space<any>>) target(%dma_start3A_255 : memref<64x128xf32, #tpu.memory_space<vmem>>) target_semaphore(%arg10 : memref<!tpu.dma_semaphore, #tpu.memory_space<semaphore_mem>>)
      %get3A_258 = arith.constant 7 : index
      %get3A_259 = memref.load %arg1[%get3A_258] : memref<16xi32, #tpu.memory_space<smem>>
      %jit3A_260 = arith.constant 128 : i32
      %div3A_261 = arith.divsi %get3A_259, %jit3A_260 : i32
      %sign3A_262 = arith.constant 0 : i32
      %sign3A_263 = arith.cmpi sgt, %get3A_259, %sign3A_262 : i32
      %sign3A_264 = arith.extui %sign3A_263 : i1 to i32
      %sign3A_265 = arith.constant 0 : i32
      %sign3A_266 = arith.cmpi slt, %get3A_259, %sign3A_265 : i32
      %sign3A_267 = arith.extui %sign3A_266 : i1 to i32
      %sign3A_268 = arith.subi %sign3A_264, %sign3A_267 : i32
      %sign3A_269 = arith.constant 0 : i32
      %sign3A_270 = arith.cmpi sgt, %jit3A_260, %sign3A_269 : i32
      %sign3A_271 = arith.extui %sign3A_270 : i1 to i32
      %sign3A_272 = arith.constant 0 : i32
      %sign3A_273 = arith.cmpi slt, %jit3A_260, %sign3A_272 : i32
      %sign3A_274 = arith.extui %sign3A_273 : i1 to i32
      %sign3A_275 = arith.subi %sign3A_271, %sign3A_274 : i32
      %ne3A_276 = arith.cmpi ne, %sign3A_268, %sign3A_275 : i32
      %rem3A_277 = arith.remsi %get3A_259, %jit3A_260 : i32
      %ne3A_278 = arith.constant 0 : i32
      %ne3A_279 = arith.cmpi ne, %rem3A_277, %ne3A_278 : i32
      %and3A_280 = arith.andi %ne3A_276, %ne3A_279 : i1
      %sub3A_281 = arith.constant 1 : i32
      %sub3A_282 = arith.subi %div3A_261, %sub3A_281 : i32
      %select_n3A_283 = arith.select %and3A_280, %sub3A_282, %div3A_261 : i32
      %mul3A_284 = arith.constant 128 : i32
      %mul3A_285 = arith.muli %select_n3A_283, %mul3A_284 : i32
      %multiple_of3A_286 = tpu.assume_multiple %mul3A_285, 128 : i32
      %dma_start3A_287 = arith.constant 7 : i32
      %dma_start3A_288 = arith.constant 0 : i32
      %dma_start3A_289 = arith.constant 0 : i32
      %dma_start3A_290 = tpu.memref_slice %arg9[%dma_start3A_287, %dma_start3A_288, %dma_start3A_289] : memref<10x64x128xf32, #tpu.memory_space<vmem>> -> memref<1x64x128xf32, #tpu.memory_space<vmem>>
      %dma_start3A_291 = tpu.memref_squeeze %dma_start3A_290 : memref<1x64x128xf32, #tpu.memory_space<vmem>> -> memref<64x128xf32, #tpu.memory_space<vmem>>
      %dma_start3A_292 = arith.constant 0 : i32
      %dma_start3A_293 = tpu.memref_slice %arg3[%dma_start3A_292, %multiple_of3A_286] : memref<64x1000001xf32, #tpu.memory_space<any>> -> memref<64x128xf32, #tpu.memory_space<any>>
      tpu.enqueue_dma source(%dma_start3A_293 : memref<64x128xf32, #tpu.memory_space<any>>) target(%dma_start3A_291 : memref<64x128xf32, #tpu.memory_space<vmem>>) target_semaphore(%arg10 : memref<!tpu.dma_semaphore, #tpu.memory_space<semaphore_mem>>)
      %get3A_294 = arith.constant 8 : index
      %get3A_295 = memref.load %arg1[%get3A_294] : memref<16xi32, #tpu.memory_space<smem>>
      %jit3A_296 = arith.constant 128 : i32
      %div3A_297 = arith.divsi %get3A_295, %jit3A_296 : i32
      %sign3A_298 = arith.constant 0 : i32
      %sign3A_299 = arith.cmpi sgt, %get3A_295, %sign3A_298 : i32
      %sign3A_300 = arith.extui %sign3A_299 : i1 to i32
      %sign3A_301 = arith.constant 0 : i32
      %sign3A_302 = arith.cmpi slt, %get3A_295, %sign3A_301 : i32
      %sign3A_303 = arith.extui %sign3A_302 : i1 to i32
      %sign3A_304 = arith.subi %sign3A_300, %sign3A_303 : i32
      %sign3A_305 = arith.constant 0 : i32
      %sign3A_306 = arith.cmpi sgt, %jit3A_296, %sign3A_305 : i32
      %sign3A_307 = arith.extui %sign3A_306 : i1 to i32
      %sign3A_308 = arith.constant 0 : i32
      %sign3A_309 = arith.cmpi slt, %jit3A_296, %sign3A_308 : i32
      %sign3A_310 = arith.extui %sign3A_309 : i1 to i32
      %sign3A_311 = arith.subi %sign3A_307, %sign3A_310 : i32
      %ne3A_312 = arith.cmpi ne, %sign3A_304, %sign3A_311 : i32
      %rem3A_313 = arith.remsi %get3A_295, %jit3A_296 : i32
      %ne3A_314 = arith.constant 0 : i32
      %ne3A_315 = arith.cmpi ne, %rem3A_313, %ne3A_314 : i32
      %and3A_316 = arith.andi %ne3A_312, %ne3A_315 : i1
      %sub3A_317 = arith.constant 1 : i32
      %sub3A_318 = arith.subi %div3A_297, %sub3A_317 : i32
      %select_n3A_319 = arith.select %and3A_316, %sub3A_318, %div3A_297 : i32
      %mul3A_320 = arith.constant 128 : i32
      %mul3A_321 = arith.muli %select_n3A_319, %mul3A_320 : i32
      %multiple_of3A_322 = tpu.assume_multiple %mul3A_321, 128 : i32
      %dma_start3A_323 = arith.constant 8 : i32
      %dma_start3A_324 = arith.constant 0 : i32
      %dma_start3A_325 = arith.constant 0 : i32
      %dma_start3A_326 = tpu.memref_slice %arg9[%dma_start3A_323, %dma_start3A_324, %dma_start3A_325] : memref<10x64x128xf32, #tpu.memory_space<vmem>> -> memref<1x64x128xf32, #tpu.memory_space<vmem>>
      %dma_start3A_327 = tpu.memref_squeeze %dma_start3A_326 : memref<1x64x128xf32, #tpu.memory_space<vmem>> -> memref<64x128xf32, #tpu.memory_space<vmem>>
      %dma_start3A_328 = arith.constant 0 : i32
      %dma_start3A_329 = tpu.memref_slice %arg3[%dma_start3A_328, %multiple_of3A_322] : memref<64x1000001xf32, #tpu.memory_space<any>> -> memref<64x128xf32, #tpu.memory_space<any>>
      tpu.enqueue_dma source(%dma_start3A_329 : memref<64x128xf32, #tpu.memory_space<any>>) target(%dma_start3A_327 : memref<64x128xf32, #tpu.memory_space<vmem>>) target_semaphore(%arg10 : memref<!tpu.dma_semaphore, #tpu.memory_space<semaphore_mem>>)
      %get3A_330 = arith.constant 9 : index
      %get3A_331 = memref.load %arg1[%get3A_330] : memref<16xi32, #tpu.memory_space<smem>>
      %jit3A_332 = arith.constant 128 : i32
      %div3A_333 = arith.divsi %get3A_331, %jit3A_332 : i32
      %sign3A_334 = arith.constant 0 : i32
      %sign3A_335 = arith.cmpi sgt, %get3A_331, %sign3A_334 : i32
      %sign3A_336 = arith.extui %sign3A_335 : i1 to i32
      %sign3A_337 = arith.constant 0 : i32
      %sign3A_338 = arith.cmpi slt, %get3A_331, %sign3A_337 : i32
      %sign3A_339 = arith.extui %sign3A_338 : i1 to i32
      %sign3A_340 = arith.subi %sign3A_336, %sign3A_339 : i32
      %sign3A_341 = arith.constant 0 : i32
      %sign3A_342 = arith.cmpi sgt, %jit3A_332, %sign3A_341 : i32
      %sign3A_343 = arith.extui %sign3A_342 : i1 to i32
      %sign3A_344 = arith.constant 0 : i32
      %sign3A_345 = arith.cmpi slt, %jit3A_332, %sign3A_344 : i32
      %sign3A_346 = arith.extui %sign3A_345 : i1 to i32
      %sign3A_347 = arith.subi %sign3A_343, %sign3A_346 : i32
      %ne3A_348 = arith.cmpi ne, %sign3A_340, %sign3A_347 : i32
      %rem3A_349 = arith.remsi %get3A_331, %jit3A_332 : i32
      %ne3A_350 = arith.constant 0 : i32
      %ne3A_351 = arith.cmpi ne, %rem3A_349, %ne3A_350 : i32
      %and3A_352 = arith.andi %ne3A_348, %ne3A_351 : i1
      %sub3A_353 = arith.constant 1 : i32
      %sub3A_354 = arith.subi %div3A_333, %sub3A_353 : i32
      %select_n3A_355 = arith.select %and3A_352, %sub3A_354, %div3A_333 : i32
      %mul3A_356 = arith.constant 128 : i32
      %mul3A_357 = arith.muli %select_n3A_355, %mul3A_356 : i32
      %multiple_of3A_358 = tpu.assume_multiple %mul3A_357, 128 : i32
      %dma_start3A_359 = arith.constant 9 : i32
      %dma_start3A_360 = arith.constant 0 : i32
      %dma_start3A_361 = arith.constant 0 : i32
      %dma_start3A_362 = tpu.memref_slice %arg9[%dma_start3A_359, %dma_start3A_360, %dma_start3A_361] : memref<10x64x128xf32, #tpu.memory_space<vmem>> -> memref<1x64x128xf32, #tpu.memory_space<vmem>>
      %dma_start3A_363 = tpu.memref_squeeze %dma_start3A_362 : memref<1x64x128xf32, #tpu.memory_space<vmem>> -> memref<64x128xf32, #tpu.memory_space<vmem>>
      %dma_start3A_364 = arith.constant 0 : i32
      %dma_start3A_365 = tpu.memref_slice %arg3[%dma_start3A_364, %multiple_of3A_358] : memref<64x1000001xf32, #tpu.memory_space<any>> -> memref<64x128xf32, #tpu.memory_space<any>>
      tpu.enqueue_dma source(%dma_start3A_365 : memref<64x128xf32, #tpu.memory_space<any>>) target(%dma_start3A_363 : memref<64x128xf32, #tpu.memory_space<vmem>>) target_semaphore(%arg10 : memref<!tpu.dma_semaphore, #tpu.memory_space<semaphore_mem>>)
      %dma_wait3A = arith.constant 0 : i32
      %dma_wait3A_366 = arith.constant 0 : i32
      %dma_wait3A_367 = arith.constant 0 : i32
      %dma_wait3A_368 = tpu.memref_slice %arg9[%dma_wait3A, %dma_wait3A_366, %dma_wait3A_367] : memref<10x64x128xf32, #tpu.memory_space<vmem>> -> memref<1x64x128xf32, #tpu.memory_space<vmem>>
      %dma_wait3A_369 = tpu.memref_squeeze %dma_wait3A_368 : memref<1x64x128xf32, #tpu.memory_space<vmem>> -> memref<64x128xf32, #tpu.memory_space<vmem>>
      %dma_wait3A_370 = arith.constant 0 : i32
      %dma_wait3A_371 = arith.constant 0 : i32
      %dma_wait3A_372 = tpu.memref_slice %arg3[%dma_wait3A_370, %dma_wait3A_371] : memref<64x1000001xf32, #tpu.memory_space<any>> -> memref<64x128xf32, #tpu.memory_space<any>>
      tpu.wait_dma2 semaphore(%arg10 : memref<!tpu.dma_semaphore, #tpu.memory_space<semaphore_mem>>) src(%dma_wait3A_372 : memref<64x128xf32, #tpu.memory_space<any>>) dst(%dma_wait3A_369 : memref<64x128xf32, #tpu.memory_space<vmem>>)
      %dma_wait3A_373 = arith.constant 1 : i32
      %dma_wait3A_374 = arith.constant 0 : i32
      %dma_wait3A_375 = arith.constant 0 : i32
      %dma_wait3A_376 = tpu.memref_slice %arg9[%dma_wait3A_373, %dma_wait3A_374, %dma_wait3A_375] : memref<10x64x128xf32, #tpu.memory_space<vmem>> -> memref<1x64x128xf32, #tpu.memory_space<vmem>>
      %dma_wait3A_377 = tpu.memref_squeeze %dma_wait3A_376 : memref<1x64x128xf32, #tpu.memory_space<vmem>> -> memref<64x128xf32, #tpu.memory_space<vmem>>
      %dma_wait3A_378 = arith.constant 0 : i32
      %dma_wait3A_379 = arith.constant 0 : i32
      %dma_wait3A_380 = tpu.memref_slice %arg3[%dma_wait3A_378, %dma_wait3A_379] : memref<64x1000001xf32, #tpu.memory_space<any>> -> memref<64x128xf32, #tpu.memory_space<any>>
      tpu.wait_dma2 semaphore(%arg10 : memref<!tpu.dma_semaphore, #tpu.memory_space<semaphore_mem>>) src(%dma_wait3A_380 : memref<64x128xf32, #tpu.memory_space<any>>) dst(%dma_wait3A_377 : memref<64x128xf32, #tpu.memory_space<vmem>>)
      %dma_wait3A_381 = arith.constant 2 : i32
      %dma_wait3A_382 = arith.constant 0 : i32
      %dma_wait3A_383 = arith.constant 0 : i32
      %dma_wait3A_384 = tpu.memref_slice %arg9[%dma_wait3A_381, %dma_wait3A_382, %dma_wait3A_383] : memref<10x64x128xf32, #tpu.memory_space<vmem>> -> memref<1x64x128xf32, #tpu.memory_space<vmem>>
      %dma_wait3A_385 = tpu.memref_squeeze %dma_wait3A_384 : memref<1x64x128xf32, #tpu.memory_space<vmem>> -> memref<64x128xf32, #tpu.memory_space<vmem>>
      %dma_wait3A_386 = arith.constant 0 : i32
      %dma_wait3A_387 = arith.constant 0 : i32
      %dma_wait3A_388 = tpu.memref_slice %arg3[%dma_wait3A_386, %dma_wait3A_387] : memref<64x1000001xf32, #tpu.memory_space<any>> -> memref<64x128xf32, #tpu.memory_space<any>>
      tpu.wait_dma2 semaphore(%arg10 : memref<!tpu.dma_semaphore, #tpu.memory_space<semaphore_mem>>) src(%dma_wait3A_388 : memref<64x128xf32, #tpu.memory_space<any>>) dst(%dma_wait3A_385 : memref<64x128xf32, #tpu.memory_space<vmem>>)
      %dma_wait3A_389 = arith.constant 3 : i32
      %dma_wait3A_390 = arith.constant 0 : i32
      %dma_wait3A_391 = arith.constant 0 : i32
      %dma_wait3A_392 = tpu.memref_slice %arg9[%dma_wait3A_389, %dma_wait3A_390, %dma_wait3A_391] : memref<10x64x128xf32, #tpu.memory_space<vmem>> -> memref<1x64x128xf32, #tpu.memory_space<vmem>>
      %dma_wait3A_393 = tpu.memref_squeeze %dma_wait3A_392 : memref<1x64x128xf32, #tpu.memory_space<vmem>> -> memref<64x128xf32, #tpu.memory_space<vmem>>
      %dma_wait3A_394 = arith.constant 0 : i32
      %dma_wait3A_395 = arith.constant 0 : i32
      %dma_wait3A_396 = tpu.memref_slice %arg3[%dma_wait3A_394, %dma_wait3A_395] : memref<64x1000001xf32, #tpu.memory_space<any>> -> memref<64x128xf32, #tpu.memory_space<any>>
      tpu.wait_dma2 semaphore(%arg10 : memref<!tpu.dma_semaphore, #tpu.memory_space<semaphore_mem>>) src(%dma_wait3A_396 : memref<64x128xf32, #tpu.memory_space<any>>) dst(%dma_wait3A_393 : memref<64x128xf32, #tpu.memory_space<vmem>>)
      %dma_wait3A_397 = arith.constant 4 : i32
      %dma_wait3A_398 = arith.constant 0 : i32
      %dma_wait3A_399 = arith.constant 0 : i32
      %dma_wait3A_400 = tpu.memref_slice %arg9[%dma_wait3A_397, %dma_wait3A_398, %dma_wait3A_399] : memref<10x64x128xf32, #tpu.memory_space<vmem>> -> memref<1x64x128xf32, #tpu.memory_space<vmem>>
      %dma_wait3A_401 = tpu.memref_squeeze %dma_wait3A_400 : memref<1x64x128xf32, #tpu.memory_space<vmem>> -> memref<64x128xf32, #tpu.memory_space<vmem>>
      %dma_wait3A_402 = arith.constant 0 : i32
      %dma_wait3A_403 = arith.constant 0 : i32
      %dma_wait3A_404 = tpu.memref_slice %arg3[%dma_wait3A_402, %dma_wait3A_403] : memref<64x1000001xf32, #tpu.memory_space<any>> -> memref<64x128xf32, #tpu.memory_space<any>>
      tpu.wait_dma2 semaphore(%arg10 : memref<!tpu.dma_semaphore, #tpu.memory_space<semaphore_mem>>) src(%dma_wait3A_404 : memref<64x128xf32, #tpu.memory_space<any>>) dst(%dma_wait3A_401 : memref<64x128xf32, #tpu.memory_space<vmem>>)
      %dma_wait3A_405 = arith.constant 5 : i32
      %dma_wait3A_406 = arith.constant 0 : i32
      %dma_wait3A_407 = arith.constant 0 : i32
      %dma_wait3A_408 = tpu.memref_slice %arg9[%dma_wait3A_405, %dma_wait3A_406, %dma_wait3A_407] : memref<10x64x128xf32, #tpu.memory_space<vmem>> -> memref<1x64x128xf32, #tpu.memory_space<vmem>>
      %dma_wait3A_409 = tpu.memref_squeeze %dma_wait3A_408 : memref<1x64x128xf32, #tpu.memory_space<vmem>> -> memref<64x128xf32, #tpu.memory_space<vmem>>
      %dma_wait3A_410 = arith.constant 0 : i32
      %dma_wait3A_411 = arith.constant 0 : i32
      %dma_wait3A_412 = tpu.memref_slice %arg3[%dma_wait3A_410, %dma_wait3A_411] : memref<64x1000001xf32, #tpu.memory_space<any>> -> memref<64x128xf32, #tpu.memory_space<any>>
      tpu.wait_dma2 semaphore(%arg10 : memref<!tpu.dma_semaphore, #tpu.memory_space<semaphore_mem>>) src(%dma_wait3A_412 : memref<64x128xf32, #tpu.memory_space<any>>) dst(%dma_wait3A_409 : memref<64x128xf32, #tpu.memory_space<vmem>>)
      %dma_wait3A_413 = arith.constant 6 : i32
      %dma_wait3A_414 = arith.constant 0 : i32
      %dma_wait3A_415 = arith.constant 0 : i32
      %dma_wait3A_416 = tpu.memref_slice %arg9[%dma_wait3A_413, %dma_wait3A_414, %dma_wait3A_415] : memref<10x64x128xf32, #tpu.memory_space<vmem>> -> memref<1x64x128xf32, #tpu.memory_space<vmem>>
      %dma_wait3A_417 = tpu.memref_squeeze %dma_wait3A_416 : memref<1x64x128xf32, #tpu.memory_space<vmem>> -> memref<64x128xf32, #tpu.memory_space<vmem>>
      %dma_wait3A_418 = arith.constant 0 : i32
      %dma_wait3A_419 = arith.constant 0 : i32
      %dma_wait3A_420 = tpu.memref_slice %arg3[%dma_wait3A_418, %dma_wait3A_419] : memref<64x1000001xf32, #tpu.memory_space<any>> -> memref<64x128xf32, #tpu.memory_space<any>>
      tpu.wait_dma2 semaphore(%arg10 : memref<!tpu.dma_semaphore, #tpu.memory_space<semaphore_mem>>) src(%dma_wait3A_420 : memref<64x128xf32, #tpu.memory_space<any>>) dst(%dma_wait3A_417 : memref<64x128xf32, #tpu.memory_space<vmem>>)
      %dma_wait3A_421 = arith.constant 7 : i32
      %dma_wait3A_422 = arith.constant 0 : i32
      %dma_wait3A_423 = arith.constant 0 : i32
      %dma_wait3A_424 = tpu.memref_slice %arg9[%dma_wait3A_421, %dma_wait3A_422, %dma_wait3A_423] : memref<10x64x128xf32, #tpu.memory_space<vmem>> -> memref<1x64x128xf32, #tpu.memory_space<vmem>>
      %dma_wait3A_425 = tpu.memref_squeeze %dma_wait3A_424 : memref<1x64x128xf32, #tpu.memory_space<vmem>> -> memref<64x128xf32, #tpu.memory_space<vmem>>
      %dma_wait3A_426 = arith.constant 0 : i32
      %dma_wait3A_427 = arith.constant 0 : i32
      %dma_wait3A_428 = tpu.memref_slice %arg3[%dma_wait3A_426, %dma_wait3A_427] : memref<64x1000001xf32, #tpu.memory_space<any>> -> memref<64x128xf32, #tpu.memory_space<any>>
      tpu.wait_dma2 semaphore(%arg10 : memref<!tpu.dma_semaphore, #tpu.memory_space<semaphore_mem>>) src(%dma_wait3A_428 : memref<64x128xf32, #tpu.memory_space<any>>) dst(%dma_wait3A_425 : memref<64x128xf32, #tpu.memory_space<vmem>>)
      %dma_wait3A_429 = arith.constant 8 : i32
      %dma_wait3A_430 = arith.constant 0 : i32
      %dma_wait3A_431 = arith.constant 0 : i32
      %dma_wait3A_432 = tpu.memref_slice %arg9[%dma_wait3A_429, %dma_wait3A_430, %dma_wait3A_431] : memref<10x64x128xf32, #tpu.memory_space<vmem>> -> memref<1x64x128xf32, #tpu.memory_space<vmem>>
      %dma_wait3A_433 = tpu.memref_squeeze %dma_wait3A_432 : memref<1x64x128xf32, #tpu.memory_space<vmem>> -> memref<64x128xf32, #tpu.memory_space<vmem>>
      %dma_wait3A_434 = arith.constant 0 : i32
      %dma_wait3A_435 = arith.constant 0 : i32
      %dma_wait3A_436 = tpu.memref_slice %arg3[%dma_wait3A_434, %dma_wait3A_435] : memref<64x1000001xf32, #tpu.memory_space<any>> -> memref<64x128xf32, #tpu.memory_space<any>>
      tpu.wait_dma2 semaphore(%arg10 : memref<!tpu.dma_semaphore, #tpu.memory_space<semaphore_mem>>) src(%dma_wait3A_436 : memref<64x128xf32, #tpu.memory_space<any>>) dst(%dma_wait3A_433 : memref<64x128xf32, #tpu.memory_space<vmem>>)
      %dma_wait3A_437 = arith.constant 9 : i32
      %dma_wait3A_438 = arith.constant 0 : i32
      %dma_wait3A_439 = arith.constant 0 : i32
      %dma_wait3A_440 = tpu.memref_slice %arg9[%dma_wait3A_437, %dma_wait3A_438, %dma_wait3A_439] : memref<10x64x128xf32, #tpu.memory_space<vmem>> -> memref<1x64x128xf32, #tpu.memory_space<vmem>>
      %dma_wait3A_441 = tpu.memref_squeeze %dma_wait3A_440 : memref<1x64x128xf32, #tpu.memory_space<vmem>> -> memref<64x128xf32, #tpu.memory_space<vmem>>
      %dma_wait3A_442 = arith.constant 0 : i32
      %dma_wait3A_443 = arith.constant 0 : i32
      %dma_wait3A_444 = tpu.memref_slice %arg3[%dma_wait3A_442, %dma_wait3A_443] : memref<64x1000001xf32, #tpu.memory_space<any>> -> memref<64x128xf32, #tpu.memory_space<any>>
      tpu.wait_dma2 semaphore(%arg10 : memref<!tpu.dma_semaphore, #tpu.memory_space<semaphore_mem>>) src(%dma_wait3A_444 : memref<64x128xf32, #tpu.memory_space<any>>) dst(%dma_wait3A_441 : memref<64x128xf32, #tpu.memory_space<vmem>>)
      %iota3A = tpu.iota {dimensions = array<i32: 1>} : vector<1x128xi32>
      %get3A_445 = arith.constant 0 : index
      %get3A_446 = memref.load %arg1[%get3A_445] : memref<16xi32, #tpu.memory_space<smem>>
      %jit3A_447 = arith.constant 128 : i32
      %eq3A_448 = arith.constant 0 : i32
      %eq3A_449 = arith.cmpi eq, %jit3A_447, %eq3A_448 : i32
      %jit3A_450 = arith.constant 1 : i32
      %select_n3A_451 = arith.select %eq3A_449, %jit3A_450, %jit3A_447 : i32
      %rem3A_452 = arith.remsi %get3A_446, %select_n3A_451 : i32
      %ne3A_453 = arith.constant 0 : i32
      %ne3A_454 = arith.cmpi ne, %rem3A_452, %ne3A_453 : i32
      %lt3A = arith.constant 0 : i32
      %lt3A_455 = arith.cmpi slt, %rem3A_452, %lt3A : i32
      %lt3A_456 = arith.constant 0 : i32
      %lt3A_457 = arith.cmpi slt, %select_n3A_451, %lt3A_456 : i32
      %ne3A_458 = arith.xori %lt3A_455, %lt3A_457 : i1
      %and3A_459 = arith.andi %ne3A_458, %ne3A_454 : i1
      %add3A = arith.addi %rem3A_452, %select_n3A_451 : i32
      %select_n3A_460 = arith.select %and3A_459, %add3A, %rem3A_452 : i32
      %eq3A_461 = vector.broadcast %select_n3A_460 : i32 to vector<1x128xi32>
      %eq3A_462 = arith.cmpi eq, %iota3A, %eq3A_461 : vector<1x128xi32>
      %convert_element_type3A_463 = arith.extui %eq3A_462 : vector<1x128xi1> to vector<1x128xi32>
      %convert_element_type3A_464 = arith.sitofp %convert_element_type3A_463 : vector<1x128xi32> to vector<1x128xf32>
      %get3A_465 = arith.constant 0 : index
      %get3A_466 = arith.constant 0 : index
      %get3A_467 = arith.constant 0 : index
      %get3A_468 = vector.load %arg9[%get3A_465, %get3A_466, %get3A_467] : memref<10x64x128xf32, #tpu.memory_space<vmem>>, vector<1x64x128xf32>
      %get3A_469 = vector.shape_cast %get3A_468 : vector<1x64x128xf32> to vector<64x128xf32>
      %mul3A_470 = vector.broadcast %convert_element_type3A_464 : vector<1x128xf32> to vector<64x128xf32>
      %mul3A_471 = arith.mulf %get3A_469, %mul3A_470 : vector<64x128xf32>
      %reduce_sum3A_472 = arith.constant dense<0.000000e+00> : vector<64xf32>
      %reduce_sum3A_473 = vector.multi_reduction <add>, %mul3A_471, %reduce_sum3A_472 [1] : vector<64x128xf32> to vector<64xf32>
      %broadcast_in_dim3A = vector.shape_cast %reduce_sum3A_473 : vector<64xf32> to vector<64x1xf32>
      %get3A_474 = arith.constant 1 : index
      %get3A_475 = memref.load %arg1[%get3A_474] : memref<16xi32, #tpu.memory_space<smem>>
      %jit3A_476 = arith.constant 128 : i32
      %eq3A_477 = arith.constant 0 : i32
      %eq3A_478 = arith.cmpi eq, %jit3A_476, %eq3A_477 : i32
      %jit3A_479 = arith.constant 1 : i32
      %select_n3A_480 = arith.select %eq3A_478, %jit3A_479, %jit3A_476 : i32
      %rem3A_481 = arith.remsi %get3A_475, %select_n3A_480 : i32
      %ne3A_482 = arith.constant 0 : i32
      %ne3A_483 = arith.cmpi ne, %rem3A_481, %ne3A_482 : i32
      %lt3A_484 = arith.constant 0 : i32
      %lt3A_485 = arith.cmpi slt, %rem3A_481, %lt3A_484 : i32
      %lt3A_486 = arith.constant 0 : i32
      %lt3A_487 = arith.cmpi slt, %select_n3A_480, %lt3A_486 : i32
      %ne3A_488 = arith.xori %lt3A_485, %lt3A_487 : i1
      %and3A_489 = arith.andi %ne3A_488, %ne3A_483 : i1
      %add3A_490 = arith.addi %rem3A_481, %select_n3A_480 : i32
      %select_n3A_491 = arith.select %and3A_489, %add3A_490, %rem3A_481 : i32
      %eq3A_492 = vector.broadcast %select_n3A_491 : i32 to vector<1x128xi32>
      %eq3A_493 = arith.cmpi eq, %iota3A, %eq3A_492 : vector<1x128xi32>
      %convert_element_type3A_494 = arith.extui %eq3A_493 : vector<1x128xi1> to vector<1x128xi32>
      %convert_element_type3A_495 = arith.sitofp %convert_element_type3A_494 : vector<1x128xi32> to vector<1x128xf32>
      %get3A_496 = arith.constant 1 : index
      %get3A_497 = arith.constant 0 : index
      %get3A_498 = arith.constant 0 : index
      %get3A_499 = vector.load %arg9[%get3A_496, %get3A_497, %get3A_498] : memref<10x64x128xf32, #tpu.memory_space<vmem>>, vector<1x64x128xf32>
      %get3A_500 = vector.shape_cast %get3A_499 : vector<1x64x128xf32> to vector<64x128xf32>
      %mul3A_501 = vector.broadcast %convert_element_type3A_495 : vector<1x128xf32> to vector<64x128xf32>
      %mul3A_502 = arith.mulf %get3A_500, %mul3A_501 : vector<64x128xf32>
      %reduce_sum3A_503 = arith.constant dense<0.000000e+00> : vector<64xf32>
      %reduce_sum3A_504 = vector.multi_reduction <add>, %mul3A_502, %reduce_sum3A_503 [1] : vector<64x128xf32> to vector<64xf32>
      %broadcast_in_dim3A_505 = vector.shape_cast %reduce_sum3A_504 : vector<64xf32> to vector<64x1xf32>
      %get3A_506 = arith.constant 2 : index
      %get3A_507 = memref.load %arg1[%get3A_506] : memref<16xi32, #tpu.memory_space<smem>>
      %jit3A_508 = arith.constant 128 : i32
      %eq3A_509 = arith.constant 0 : i32
      %eq3A_510 = arith.cmpi eq, %jit3A_508, %eq3A_509 : i32
      %jit3A_511 = arith.constant 1 : i32
      %select_n3A_512 = arith.select %eq3A_510, %jit3A_511, %jit3A_508 : i32
      %rem3A_513 = arith.remsi %get3A_507, %select_n3A_512 : i32
      %ne3A_514 = arith.constant 0 : i32
      %ne3A_515 = arith.cmpi ne, %rem3A_513, %ne3A_514 : i32
      %lt3A_516 = arith.constant 0 : i32
      %lt3A_517 = arith.cmpi slt, %rem3A_513, %lt3A_516 : i32
      %lt3A_518 = arith.constant 0 : i32
      %lt3A_519 = arith.cmpi slt, %select_n3A_512, %lt3A_518 : i32
      %ne3A_520 = arith.xori %lt3A_517, %lt3A_519 : i1
      %and3A_521 = arith.andi %ne3A_520, %ne3A_515 : i1
      %add3A_522 = arith.addi %rem3A_513, %select_n3A_512 : i32
      %select_n3A_523 = arith.select %and3A_521, %add3A_522, %rem3A_513 : i32
      %eq3A_524 = vector.broadcast %select_n3A_523 : i32 to vector<1x128xi32>
      %eq3A_525 = arith.cmpi eq, %iota3A, %eq3A_524 : vector<1x128xi32>
      %convert_element_type3A_526 = arith.extui %eq3A_525 : vector<1x128xi1> to vector<1x128xi32>
      %convert_element_type3A_527 = arith.sitofp %convert_element_type3A_526 : vector<1x128xi32> to vector<1x128xf32>
      %get3A_528 = arith.constant 2 : index
      %get3A_529 = arith.constant 0 : index
      %get3A_530 = arith.constant 0 : index
      %get3A_531 = vector.load %arg9[%get3A_528, %get3A_529, %get3A_530] : memref<10x64x128xf32, #tpu.memory_space<vmem>>, vector<1x64x128xf32>
      %get3A_532 = vector.shape_cast %get3A_531 : vector<1x64x128xf32> to vector<64x128xf32>
      %mul3A_533 = vector.broadcast %convert_element_type3A_527 : vector<1x128xf32> to vector<64x128xf32>
      %mul3A_534 = arith.mulf %get3A_532, %mul3A_533 : vector<64x128xf32>
      %reduce_sum3A_535 = arith.constant dense<0.000000e+00> : vector<64xf32>
      %reduce_sum3A_536 = vector.multi_reduction <add>, %mul3A_534, %reduce_sum3A_535 [1] : vector<64x128xf32> to vector<64xf32>
      %broadcast_in_dim3A_537 = vector.shape_cast %reduce_sum3A_536 : vector<64xf32> to vector<64x1xf32>
      %get3A_538 = arith.constant 3 : index
      %get3A_539 = memref.load %arg1[%get3A_538] : memref<16xi32, #tpu.memory_space<smem>>
      %jit3A_540 = arith.constant 128 : i32
      %eq3A_541 = arith.constant 0 : i32
      %eq3A_542 = arith.cmpi eq, %jit3A_540, %eq3A_541 : i32
      %jit3A_543 = arith.constant 1 : i32
      %select_n3A_544 = arith.select %eq3A_542, %jit3A_543, %jit3A_540 : i32
      %rem3A_545 = arith.remsi %get3A_539, %select_n3A_544 : i32
      %ne3A_546 = arith.constant 0 : i32
      %ne3A_547 = arith.cmpi ne, %rem3A_545, %ne3A_546 : i32
      %lt3A_548 = arith.constant 0 : i32
      %lt3A_549 = arith.cmpi slt, %rem3A_545, %lt3A_548 : i32
      %lt3A_550 = arith.constant 0 : i32
      %lt3A_551 = arith.cmpi slt, %select_n3A_544, %lt3A_550 : i32
      %ne3A_552 = arith.xori %lt3A_549, %lt3A_551 : i1
      %and3A_553 = arith.andi %ne3A_552, %ne3A_547 : i1
      %add3A_554 = arith.addi %rem3A_545, %select_n3A_544 : i32
      %select_n3A_555 = arith.select %and3A_553, %add3A_554, %rem3A_545 : i32
      %eq3A_556 = vector.broadcast %select_n3A_555 : i32 to vector<1x128xi32>
      %eq3A_557 = arith.cmpi eq, %iota3A, %eq3A_556 : vector<1x128xi32>
      %convert_element_type3A_558 = arith.extui %eq3A_557 : vector<1x128xi1> to vector<1x128xi32>
      %convert_element_type3A_559 = arith.sitofp %convert_element_type3A_558 : vector<1x128xi32> to vector<1x128xf32>
      %get3A_560 = arith.constant 3 : index
      %get3A_561 = arith.constant 0 : index
      %get3A_562 = arith.constant 0 : index
      %get3A_563 = vector.load %arg9[%get3A_560, %get3A_561, %get3A_562] : memref<10x64x128xf32, #tpu.memory_space<vmem>>, vector<1x64x128xf32>
      %get3A_564 = vector.shape_cast %get3A_563 : vector<1x64x128xf32> to vector<64x128xf32>
      %mul3A_565 = vector.broadcast %convert_element_type3A_559 : vector<1x128xf32> to vector<64x128xf32>
      %mul3A_566 = arith.mulf %get3A_564, %mul3A_565 : vector<64x128xf32>
      %reduce_sum3A_567 = arith.constant dense<0.000000e+00> : vector<64xf32>
      %reduce_sum3A_568 = vector.multi_reduction <add>, %mul3A_566, %reduce_sum3A_567 [1] : vector<64x128xf32> to vector<64xf32>
      %broadcast_in_dim3A_569 = vector.shape_cast %reduce_sum3A_568 : vector<64xf32> to vector<64x1xf32>
      %get3A_570 = arith.constant 4 : index
      %get3A_571 = memref.load %arg1[%get3A_570] : memref<16xi32, #tpu.memory_space<smem>>
      %jit3A_572 = arith.constant 128 : i32
      %eq3A_573 = arith.constant 0 : i32
      %eq3A_574 = arith.cmpi eq, %jit3A_572, %eq3A_573 : i32
      %jit3A_575 = arith.constant 1 : i32
      %select_n3A_576 = arith.select %eq3A_574, %jit3A_575, %jit3A_572 : i32
      %rem3A_577 = arith.remsi %get3A_571, %select_n3A_576 : i32
      %ne3A_578 = arith.constant 0 : i32
      %ne3A_579 = arith.cmpi ne, %rem3A_577, %ne3A_578 : i32
      %lt3A_580 = arith.constant 0 : i32
      %lt3A_581 = arith.cmpi slt, %rem3A_577, %lt3A_580 : i32
      %lt3A_582 = arith.constant 0 : i32
      %lt3A_583 = arith.cmpi slt, %select_n3A_576, %lt3A_582 : i32
      %ne3A_584 = arith.xori %lt3A_581, %lt3A_583 : i1
      %and3A_585 = arith.andi %ne3A_584, %ne3A_579 : i1
      %add3A_586 = arith.addi %rem3A_577, %select_n3A_576 : i32
      %select_n3A_587 = arith.select %and3A_585, %add3A_586, %rem3A_577 : i32
      %eq3A_588 = vector.broadcast %select_n3A_587 : i32 to vector<1x128xi32>
      %eq3A_589 = arith.cmpi eq, %iota3A, %eq3A_588 : vector<1x128xi32>
      %convert_element_type3A_590 = arith.extui %eq3A_589 : vector<1x128xi1> to vector<1x128xi32>
      %convert_element_type3A_591 = arith.sitofp %convert_element_type3A_590 : vector<1x128xi32> to vector<1x128xf32>
      %get3A_592 = arith.constant 4 : index
      %get3A_593 = arith.constant 0 : index
      %get3A_594 = arith.constant 0 : index
      %get3A_595 = vector.load %arg9[%get3A_592, %get3A_593, %get3A_594] : memref<10x64x128xf32, #tpu.memory_space<vmem>>, vector<1x64x128xf32>
      %get3A_596 = vector.shape_cast %get3A_595 : vector<1x64x128xf32> to vector<64x128xf32>
      %mul3A_597 = vector.broadcast %convert_element_type3A_591 : vector<1x128xf32> to vector<64x128xf32>
      %mul3A_598 = arith.mulf %get3A_596, %mul3A_597 : vector<64x128xf32>
      %reduce_sum3A_599 = arith.constant dense<0.000000e+00> : vector<64xf32>
      %reduce_sum3A_600 = vector.multi_reduction <add>, %mul3A_598, %reduce_sum3A_599 [1] : vector<64x128xf32> to vector<64xf32>
      %broadcast_in_dim3A_601 = vector.shape_cast %reduce_sum3A_600 : vector<64xf32> to vector<64x1xf32>
      %get3A_602 = arith.constant 5 : index
      %get3A_603 = memref.load %arg1[%get3A_602] : memref<16xi32, #tpu.memory_space<smem>>
      %jit3A_604 = arith.constant 128 : i32
      %eq3A_605 = arith.constant 0 : i32
      %eq3A_606 = arith.cmpi eq, %jit3A_604, %eq3A_605 : i32
      %jit3A_607 = arith.constant 1 : i32
      %select_n3A_608 = arith.select %eq3A_606, %jit3A_607, %jit3A_604 : i32
      %rem3A_609 = arith.remsi %get3A_603, %select_n3A_608 : i32
      %ne3A_610 = arith.constant 0 : i32
      %ne3A_611 = arith.cmpi ne, %rem3A_609, %ne3A_610 : i32
      %lt3A_612 = arith.constant 0 : i32
      %lt3A_613 = arith.cmpi slt, %rem3A_609, %lt3A_612 : i32
      %lt3A_614 = arith.constant 0 : i32
      %lt3A_615 = arith.cmpi slt, %select_n3A_608, %lt3A_614 : i32
      %ne3A_616 = arith.xori %lt3A_613, %lt3A_615 : i1
      %and3A_617 = arith.andi %ne3A_616, %ne3A_611 : i1
      %add3A_618 = arith.addi %rem3A_609, %select_n3A_608 : i32
      %select_n3A_619 = arith.select %and3A_617, %add3A_618, %rem3A_609 : i32
      %eq3A_620 = vector.broadcast %select_n3A_619 : i32 to vector<1x128xi32>
      %eq3A_621 = arith.cmpi eq, %iota3A, %eq3A_620 : vector<1x128xi32>
      %convert_element_type3A_622 = arith.extui %eq3A_621 : vector<1x128xi1> to vector<1x128xi32>
      %convert_element_type3A_623 = arith.sitofp %convert_element_type3A_622 : vector<1x128xi32> to vector<1x128xf32>
      %get3A_624 = arith.constant 5 : index
      %get3A_625 = arith.constant 0 : index
      %get3A_626 = arith.constant 0 : index
      %get3A_627 = vector.load %arg9[%get3A_624, %get3A_625, %get3A_626] : memref<10x64x128xf32, #tpu.memory_space<vmem>>, vector<1x64x128xf32>
      %get3A_628 = vector.shape_cast %get3A_627 : vector<1x64x128xf32> to vector<64x128xf32>
      %mul3A_629 = vector.broadcast %convert_element_type3A_623 : vector<1x128xf32> to vector<64x128xf32>
      %mul3A_630 = arith.mulf %get3A_628, %mul3A_629 : vector<64x128xf32>
      %reduce_sum3A_631 = arith.constant dense<0.000000e+00> : vector<64xf32>
      %reduce_sum3A_632 = vector.multi_reduction <add>, %mul3A_630, %reduce_sum3A_631 [1] : vector<64x128xf32> to vector<64xf32>
      %broadcast_in_dim3A_633 = vector.shape_cast %reduce_sum3A_632 : vector<64xf32> to vector<64x1xf32>
      %get3A_634 = arith.constant 6 : index
      %get3A_635 = memref.load %arg1[%get3A_634] : memref<16xi32, #tpu.memory_space<smem>>
      %jit3A_636 = arith.constant 128 : i32
      %eq3A_637 = arith.constant 0 : i32
      %eq3A_638 = arith.cmpi eq, %jit3A_636, %eq3A_637 : i32
      %jit3A_639 = arith.constant 1 : i32
      %select_n3A_640 = arith.select %eq3A_638, %jit3A_639, %jit3A_636 : i32
      %rem3A_641 = arith.remsi %get3A_635, %select_n3A_640 : i32
      %ne3A_642 = arith.constant 0 : i32
      %ne3A_643 = arith.cmpi ne, %rem3A_641, %ne3A_642 : i32
      %lt3A_644 = arith.constant 0 : i32
      %lt3A_645 = arith.cmpi slt, %rem3A_641, %lt3A_644 : i32
      %lt3A_646 = arith.constant 0 : i32
      %lt3A_647 = arith.cmpi slt, %select_n3A_640, %lt3A_646 : i32
      %ne3A_648 = arith.xori %lt3A_645, %lt3A_647 : i1
      %and3A_649 = arith.andi %ne3A_648, %ne3A_643 : i1
      %add3A_650 = arith.addi %rem3A_641, %select_n3A_640 : i32
      %select_n3A_651 = arith.select %and3A_649, %add3A_650, %rem3A_641 : i32
      %eq3A_652 = vector.broadcast %select_n3A_651 : i32 to vector<1x128xi32>
      %eq3A_653 = arith.cmpi eq, %iota3A, %eq3A_652 : vector<1x128xi32>
      %convert_element_type3A_654 = arith.extui %eq3A_653 : vector<1x128xi1> to vector<1x128xi32>
      %convert_element_type3A_655 = arith.sitofp %convert_element_type3A_654 : vector<1x128xi32> to vector<1x128xf32>
      %get3A_656 = arith.constant 6 : index
      %get3A_657 = arith.constant 0 : index
      %get3A_658 = arith.constant 0 : index
      %get3A_659 = vector.load %arg9[%get3A_656, %get3A_657, %get3A_658] : memref<10x64x128xf32, #tpu.memory_space<vmem>>, vector<1x64x128xf32>
      %get3A_660 = vector.shape_cast %get3A_659 : vector<1x64x128xf32> to vector<64x128xf32>
      %mul3A_661 = vector.broadcast %convert_element_type3A_655 : vector<1x128xf32> to vector<64x128xf32>
      %mul3A_662 = arith.mulf %get3A_660, %mul3A_661 : vector<64x128xf32>
      %reduce_sum3A_663 = arith.constant dense<0.000000e+00> : vector<64xf32>
      %reduce_sum3A_664 = vector.multi_reduction <add>, %mul3A_662, %reduce_sum3A_663 [1] : vector<64x128xf32> to vector<64xf32>
      %broadcast_in_dim3A_665 = vector.shape_cast %reduce_sum3A_664 : vector<64xf32> to vector<64x1xf32>
      %get3A_666 = arith.constant 7 : index
      %get3A_667 = memref.load %arg1[%get3A_666] : memref<16xi32, #tpu.memory_space<smem>>
      %jit3A_668 = arith.constant 128 : i32
      %eq3A_669 = arith.constant 0 : i32
      %eq3A_670 = arith.cmpi eq, %jit3A_668, %eq3A_669 : i32
      %jit3A_671 = arith.constant 1 : i32
      %select_n3A_672 = arith.select %eq3A_670, %jit3A_671, %jit3A_668 : i32
      %rem3A_673 = arith.remsi %get3A_667, %select_n3A_672 : i32
      %ne3A_674 = arith.constant 0 : i32
      %ne3A_675 = arith.cmpi ne, %rem3A_673, %ne3A_674 : i32
      %lt3A_676 = arith.constant 0 : i32
      %lt3A_677 = arith.cmpi slt, %rem3A_673, %lt3A_676 : i32
      %lt3A_678 = arith.constant 0 : i32
      %lt3A_679 = arith.cmpi slt, %select_n3A_672, %lt3A_678 : i32
      %ne3A_680 = arith.xori %lt3A_677, %lt3A_679 : i1
      %and3A_681 = arith.andi %ne3A_680, %ne3A_675 : i1
      %add3A_682 = arith.addi %rem3A_673, %select_n3A_672 : i32
      %select_n3A_683 = arith.select %and3A_681, %add3A_682, %rem3A_673 : i32
      %eq3A_684 = vector.broadcast %select_n3A_683 : i32 to vector<1x128xi32>
      %eq3A_685 = arith.cmpi eq, %iota3A, %eq3A_684 : vector<1x128xi32>
      %convert_element_type3A_686 = arith.extui %eq3A_685 : vector<1x128xi1> to vector<1x128xi32>
      %convert_element_type3A_687 = arith.sitofp %convert_element_type3A_686 : vector<1x128xi32> to vector<1x128xf32>
      %get3A_688 = arith.constant 7 : index
      %get3A_689 = arith.constant 0 : index
      %get3A_690 = arith.constant 0 : index
      %get3A_691 = vector.load %arg9[%get3A_688, %get3A_689, %get3A_690] : memref<10x64x128xf32, #tpu.memory_space<vmem>>, vector<1x64x128xf32>
      %get3A_692 = vector.shape_cast %get3A_691 : vector<1x64x128xf32> to vector<64x128xf32>
      %mul3A_693 = vector.broadcast %convert_element_type3A_687 : vector<1x128xf32> to vector<64x128xf32>
      %mul3A_694 = arith.mulf %get3A_692, %mul3A_693 : vector<64x128xf32>
      %reduce_sum3A_695 = arith.constant dense<0.000000e+00> : vector<64xf32>
      %reduce_sum3A_696 = vector.multi_reduction <add>, %mul3A_694, %reduce_sum3A_695 [1] : vector<64x128xf32> to vector<64xf32>
      %broadcast_in_dim3A_697 = vector.shape_cast %reduce_sum3A_696 : vector<64xf32> to vector<64x1xf32>
      %get3A_698 = arith.constant 8 : index
      %get3A_699 = memref.load %arg1[%get3A_698] : memref<16xi32, #tpu.memory_space<smem>>
      %jit3A_700 = arith.constant 128 : i32
      %eq3A_701 = arith.constant 0 : i32
      %eq3A_702 = arith.cmpi eq, %jit3A_700, %eq3A_701 : i32
      %jit3A_703 = arith.constant 1 : i32
      %select_n3A_704 = arith.select %eq3A_702, %jit3A_703, %jit3A_700 : i32
      %rem3A_705 = arith.remsi %get3A_699, %select_n3A_704 : i32
      %ne3A_706 = arith.constant 0 : i32
      %ne3A_707 = arith.cmpi ne, %rem3A_705, %ne3A_706 : i32
      %lt3A_708 = arith.constant 0 : i32
      %lt3A_709 = arith.cmpi slt, %rem3A_705, %lt3A_708 : i32
      %lt3A_710 = arith.constant 0 : i32
      %lt3A_711 = arith.cmpi slt, %select_n3A_704, %lt3A_710 : i32
      %ne3A_712 = arith.xori %lt3A_709, %lt3A_711 : i1
      %and3A_713 = arith.andi %ne3A_712, %ne3A_707 : i1
      %add3A_714 = arith.addi %rem3A_705, %select_n3A_704 : i32
      %select_n3A_715 = arith.select %and3A_713, %add3A_714, %rem3A_705 : i32
      %eq3A_716 = vector.broadcast %select_n3A_715 : i32 to vector<1x128xi32>
      %eq3A_717 = arith.cmpi eq, %iota3A, %eq3A_716 : vector<1x128xi32>
      %convert_element_type3A_718 = arith.extui %eq3A_717 : vector<1x128xi1> to vector<1x128xi32>
      %convert_element_type3A_719 = arith.sitofp %convert_element_type3A_718 : vector<1x128xi32> to vector<1x128xf32>
      %get3A_720 = arith.constant 8 : index
      %get3A_721 = arith.constant 0 : index
      %get3A_722 = arith.constant 0 : index
      %get3A_723 = vector.load %arg9[%get3A_720, %get3A_721, %get3A_722] : memref<10x64x128xf32, #tpu.memory_space<vmem>>, vector<1x64x128xf32>
      %get3A_724 = vector.shape_cast %get3A_723 : vector<1x64x128xf32> to vector<64x128xf32>
      %mul3A_725 = vector.broadcast %convert_element_type3A_719 : vector<1x128xf32> to vector<64x128xf32>
      %mul3A_726 = arith.mulf %get3A_724, %mul3A_725 : vector<64x128xf32>
      %reduce_sum3A_727 = arith.constant dense<0.000000e+00> : vector<64xf32>
      %reduce_sum3A_728 = vector.multi_reduction <add>, %mul3A_726, %reduce_sum3A_727 [1] : vector<64x128xf32> to vector<64xf32>
      %broadcast_in_dim3A_729 = vector.shape_cast %reduce_sum3A_728 : vector<64xf32> to vector<64x1xf32>
      %get3A_730 = arith.constant 9 : index
      %get3A_731 = memref.load %arg1[%get3A_730] : memref<16xi32, #tpu.memory_space<smem>>
      %jit3A_732 = arith.constant 128 : i32
      %eq3A_733 = arith.constant 0 : i32
      %eq3A_734 = arith.cmpi eq, %jit3A_732, %eq3A_733 : i32
      %jit3A_735 = arith.constant 1 : i32
      %select_n3A_736 = arith.select %eq3A_734, %jit3A_735, %jit3A_732 : i32
      %rem3A_737 = arith.remsi %get3A_731, %select_n3A_736 : i32
      %ne3A_738 = arith.constant 0 : i32
      %ne3A_739 = arith.cmpi ne, %rem3A_737, %ne3A_738 : i32
      %lt3A_740 = arith.constant 0 : i32
      %lt3A_741 = arith.cmpi slt, %rem3A_737, %lt3A_740 : i32
      %lt3A_742 = arith.constant 0 : i32
      %lt3A_743 = arith.cmpi slt, %select_n3A_736, %lt3A_742 : i32
      %ne3A_744 = arith.xori %lt3A_741, %lt3A_743 : i1
      %and3A_745 = arith.andi %ne3A_744, %ne3A_739 : i1
      %add3A_746 = arith.addi %rem3A_737, %select_n3A_736 : i32
      %select_n3A_747 = arith.select %and3A_745, %add3A_746, %rem3A_737 : i32
      %eq3A_748 = vector.broadcast %select_n3A_747 : i32 to vector<1x128xi32>
      %eq3A_749 = arith.cmpi eq, %iota3A, %eq3A_748 : vector<1x128xi32>
      %convert_element_type3A_750 = arith.extui %eq3A_749 : vector<1x128xi1> to vector<1x128xi32>
      %convert_element_type3A_751 = arith.sitofp %convert_element_type3A_750 : vector<1x128xi32> to vector<1x128xf32>
      %get3A_752 = arith.constant 9 : index
      %get3A_753 = arith.constant 0 : index
      %get3A_754 = arith.constant 0 : index
      %get3A_755 = vector.load %arg9[%get3A_752, %get3A_753, %get3A_754] : memref<10x64x128xf32, #tpu.memory_space<vmem>>, vector<1x64x128xf32>
      %get3A_756 = vector.shape_cast %get3A_755 : vector<1x64x128xf32> to vector<64x128xf32>
      %mul3A_757 = vector.broadcast %convert_element_type3A_751 : vector<1x128xf32> to vector<64x128xf32>
      %mul3A_758 = arith.mulf %get3A_756, %mul3A_757 : vector<64x128xf32>
      %reduce_sum3A_759 = arith.constant dense<0.000000e+00> : vector<64xf32>
      %reduce_sum3A_760 = vector.multi_reduction <add>, %mul3A_758, %reduce_sum3A_759 [1] : vector<64x128xf32> to vector<64xf32>
      %broadcast_in_dim3A_761 = vector.shape_cast %reduce_sum3A_760 : vector<64xf32> to vector<64x1xf32>
      %add3A_762 = arith.addf %broadcast_in_dim3A, %broadcast_in_dim3A_537 : vector<64x1xf32>
      %add3A_763 = arith.addf %add3A_762, %broadcast_in_dim3A_601 : vector<64x1xf32>
      %add3A_764 = arith.addf %add3A_763, %broadcast_in_dim3A_665 : vector<64x1xf32>
      %add3A_765 = arith.addf %add3A_764, %broadcast_in_dim3A_729 : vector<64x1xf32>
      %mul3A_766 = arith.constant 2.000000e-01 : f32
      %mul3A_767 = vector.broadcast %mul3A_766 : f32 to vector<64x1xf32>
      %mul3A_768 = arith.mulf %add3A_765, %mul3A_767 : vector<64x1xf32>
      %add3A_769 = arith.addf %broadcast_in_dim3A_505, %broadcast_in_dim3A_569 : vector<64x1xf32>
      %add3A_770 = arith.addf %add3A_769, %broadcast_in_dim3A_633 : vector<64x1xf32>
      %add3A_771 = arith.addf %add3A_770, %broadcast_in_dim3A_697 : vector<64x1xf32>
      %add3A_772 = arith.addf %add3A_771, %broadcast_in_dim3A_761 : vector<64x1xf32>
      %mul3A_773 = arith.constant 2.000000e-01 : f32
      %mul3A_774 = vector.broadcast %mul3A_773 : f32 to vector<64x1xf32>
      %mul3A_775 = arith.mulf %add3A_772, %mul3A_774 : vector<64x1xf32>
      %concatenate3A = tpu.concatenate %mul3A_768, %mul3A_775 in 1 : vector<64x1xf32>, vector<64x1xf32> -> vector<64x2xf32>
      %swap3A_776 = arith.constant 0 : index
      %swap3A_777 = arith.constant 0 : index
      %swap3A_778 = vector.load %arg8[%swap3A_776, %swap3A_777] : memref<64x2xf32, #tpu.memory_space<vmem>>, vector<64x2xf32>
      tpu.vector_store %arg8[%swap3A_776, %swap3A_777], %concatenate3A {strides = array<i32>} : memref<64x2xf32, #tpu.memory_space<vmem>>, vector<64x2xf32>,
      %mul3A_779 = arith.mulf %mul3A_768, %mul3A_768 : vector<64x1xf32>
      %reduce_sum3A_780 = vector.shape_cast %mul3A_779 : vector<64x1xf32> to vector<1x64x1xf32>
      %reduce_sum3A_781 = arith.constant dense<0.000000e+00> : vector<1xf32>
      %reduce_sum3A_782 = vector.multi_reduction <add>, %reduce_sum3A_780, %reduce_sum3A_781 [1, 2] : vector<1x64x1xf32> to vector<1xf32>
      %reduce_sum3A_783 = vector.shape_cast %reduce_sum3A_782 : vector<1xf32> to vector<1x1x1xf32>
      %reduce_sum3A_784 = vector.extract %reduce_sum3A_783[0, 0, 0] : f32 from vector<1x1x1xf32>
      %mul3A_785 = arith.mulf %mul3A_775, %mul3A_775 : vector<64x1xf32>
      %reduce_sum3A_786 = vector.shape_cast %mul3A_785 : vector<64x1xf32> to vector<1x64x1xf32>
      %reduce_sum3A_787 = arith.constant dense<0.000000e+00> : vector<1xf32>
      %reduce_sum3A_788 = vector.multi_reduction <add>, %reduce_sum3A_786, %reduce_sum3A_787 [1, 2] : vector<1x64x1xf32> to vector<1xf32>
      %reduce_sum3A_789 = vector.shape_cast %reduce_sum3A_788 : vector<1xf32> to vector<1x1x1xf32>
      %reduce_sum3A_790 = vector.extract %reduce_sum3A_789[0, 0, 0] : f32 from vector<1x1x1xf32>
      %add3A_791 = arith.addf %reduce_sum3A_784, %reduce_sum3A_790 : f32
      %sqrt3A = math.sqrt %add3A_791 : f32
      %max3A = arith.constant 9.99999993E-9 : f32
      %max3A_792 = arith.maximumf %sqrt3A, %max3A : f32
      %div3A_793 = arith.constant 1.000000e+00 : f32
      %div3A_794 = arith.divf %div3A_793, %max3A_792 : f32
      %broadcast_in_dim3A_795 = vector.broadcast %div3A_794 : f32 to vector<16xf32>
      %swap3A_796 = arith.constant 0 : index
      %swap3A_797 = vector.load %arg7[%swap3A_796] : memref<16xf32, #tpu.memory_space<vmem>>, vector<16xf32>
      tpu.vector_store %arg7[%swap3A_796], %broadcast_in_dim3A_795 {strides = array<i32>} : memref<16xf32, #tpu.memory_space<vmem>>, vector<16xf32>,
    } else {
    }
    %get3A = arith.constant 0 : index
    %get3A_2 = arith.constant 0 : index
    %get3A_3 = vector.load %arg2[%get3A, %get3A_2] : memref<64x32768xf32, #tpu.memory_space<vmem>>, vector<64x32768xf32>
    %get3A_4 = arith.constant 0 : index
    %get3A_5 = arith.constant 0 : index
    %get3A_6 = vector.load %arg8[%get3A_4, %get3A_5] : memref<64x2xf32, #tpu.memory_space<vmem>>, vector<64x2xf32>
    %dot_general3A = arith.constant dense<0.000000e+00> : vector<2x32768xf32>
    %dot_general3A_7 = tpu.matmul %get3A_6, %get3A_3, %dot_general3A {dimension_numbers = #tpu.dot_dimension_numbers<[0], [0], [1], [1], [0, 1, 1, 1], [], []>, transpose_lhs_hint = false} : vector<64x2xf32>, vector<64x32768xf32>, vector<2x32768xf32> -> vector<2x32768xf32>
    %slice3A = vector.extract_strided_slice %dot_general3A_7 {offsets = [0, 0], sizes = [1, 32768], strides = [1, 1]} : vector<2x32768xf32> to vector<1x32768xf32>
    %squeeze3A = vector.shape_cast %slice3A : vector<1x32768xf32> to vector<32768xf32>
    %swap3A = arith.constant 0 : index
    %swap3A_8 = vector.load %arg4[%swap3A] : memref<32768xf32, #tpu.memory_space<vmem>>, vector<32768xf32>
    tpu.vector_store %arg4[%swap3A], %squeeze3A {strides = array<i32>} : memref<32768xf32, #tpu.memory_space<vmem>>, vector<32768xf32>,
    %slice3A_9 = vector.extract_strided_slice %dot_general3A_7 {offsets = [1, 0], sizes = [1, 32768], strides = [1, 1]} : vector<2x32768xf32> to vector<1x32768xf32>
    %squeeze3A_10 = vector.shape_cast %slice3A_9 : vector<1x32768xf32> to vector<32768xf32>
    %swap3A_11 = arith.constant 0 : index
    %swap3A_12 = vector.load %arg5[%swap3A_11] : memref<32768xf32, #tpu.memory_space<vmem>>, vector<32768xf32>
    tpu.vector_store %arg5[%swap3A_11], %squeeze3A_10 {strides = array<i32>} : memref<32768xf32, #tpu.memory_space<vmem>>, vector<32768xf32>,
    %mul3A = arith.mulf %get3A_3, %get3A_3 : vector<64x32768xf32>
    %reduce_sum3A = arith.constant dense<0.000000e+00> : vector<32768xf32>
    %reduce_sum3A_13 = vector.multi_reduction <add>, %mul3A, %reduce_sum3A [0] : vector<64x32768xf32> to vector<32768xf32>
    %swap3A_14 = arith.constant 0 : index
    %swap3A_15 = vector.load %arg6[%swap3A_14] : memref<32768xf32, #tpu.memory_space<vmem>>, vector<32768xf32>
    tpu.vector_store %arg6[%swap3A_14], %reduce_sum3A_13 {strides = array<i32>} : memref<32768xf32, #tpu.memory_space<vmem>>, vector<32768xf32>,
    return
  }
  func.func @transform_0(%arg0: i32) -> i32 {
    %c0_i32 = arith.constant 0 : i32
    %c0_i32_0 = arith.constant 0 : i32
    return %c0_i32 : i32
  }
  func.func @transform_1(%arg0: i32) -> (i32, i32) {
    %c0_i32 = arith.constant 0 : i32
    %c0_i32_0 = arith.constant 0 : i32
    return %c0_i32, %arg0 : i32, i32
  }
  func.func @transform_3(%arg0: i32) -> i32 {
    %c0_i32 = arith.constant 0 : i32
    return %arg0 : i32
  }
  func.func @transform_4(%arg0: i32) -> i32 {
    %c0_i32 = arith.constant 0 : i32
    return %arg0 : i32
  }
  func.func @transform_5(%arg0: i32) -> i32 {
    %c0_i32 = arith.constant 0 : i32
    return %arg0 : i32
  }
  func.func @transform_6(%arg0: i32) -> i32 {
    %c0_i32 = arith.constant 0 : i32
    %c0_i32_0 = arith.constant 0 : i32
    return %c0_i32 : i32
  }
}

</mosaic_0001>

<sc_bundles>
// kernel: kernel.4.cloned.1.call-start
scs
__scs_entry_jumppad:
0x0: {  	(pc) =	sbr.rel $0x88, $3  }
0x1: {  	(tag) =	ssettag $0x0;
	lr =	simm.s32 $0x1  }
0x2: {  	[smem:$0x3F9E] =	sst lr;
	_ =	strace $0xD0000000  }
0x3: {  	_ = 	snop  }
0x4: {  	_ = 	snop  }
0x5: {  	_ = 	snop  }
0x6: {  	_ = 	snop  }
0x7: {  	_ = 	snop  }
__scs_overlays_trampoline_lowered:
0x8: {  	[smem:$0x3FAD] =	sst s0  }
0x9: {  	[smem:$0x3FAE] =	sst s1  }
0xa: {  	[smem:$0x3FAF] =	sst s2  }
0xb: {  	[smem:$0x3FB0] =	sst s3  }
0xc: {  	[smem:$0x3FB1] =	sst s4  }
0xd: {  	[smem:$0x3FB2] =	sst s5  }
0xe: {  	[smem:$0x3FB3] =	sst s6  }
0xf: {  	[smem:$0x3FB4] =	sst s7  }
0x10: {  	[smem:$0x3FB5] =	sst s8  }
0x11: {  	[smem:$0x3FB6] =	sst s9;
	s0 =	simm.s32 @!p0 $0x0  }
0x12: {  	s1 =	sld [smem:$0x3F9C];
	s0 =	simm.s32 @p0 $0x1  }
0x13: {  	[smem:$0x3FB7] =	sst s0;
	s0 =	simm.s32 @!p1 $0x0  }
0x14: {  	s2 =	sld [smem:$0x3F9B];
	s0 =	simm.s32 @p1 $0x1  }
0x15: {  	[smem:$0x3FB8] =	sst s0;
	s0 =	simm.s32 @!p2 $0x0  }
0x16: {  	s3 =	sld [smem:$0x3FDB];
	s0 =	simm.s32 @p2 $0x1  }
0x17: {  	s4 =	simm.s32 $0x1BF5;
	[smem:$0x3FBA] =	sst s0  }
0x18: {  	s0 =	sld [smem:$0x3F9D];
	_ =	swait.ge [sflag:s4], $0x0  }
0x19: {  	s7 =	sld [smem:$0x3F9E]  }
0x1a: {  	s8 =	sadd.s32 $0xFFFFE003, lr  }
0x1b: {  	s9 =	sadd.s32 $0xFFFFFEF7, lr;
	s5 =	simm.s32 $0xFFFFFFFF;
	p2 =	slt.u32 s8, $0xFFFFF086  }
0x1c: {  	p1 =	slt.u32 s9, $0xF7A;
	s5 =	simm.s32 @!p2 $0x0  }
0x1d: {  	s5 =	simm.s32 @p1 $0x1;
	p0 =	seq.s32 s7, s2  }
0x1e: {  	s7 =	smul.u32 @!p0 $0xF7A, s2;
	p2 =	seq.s32 @!p0 s5, $0x0  }
0x1f: {  	s9 =	smul.u32 $0xF7A, s1;
	s8 =	simm.s32 @!p0 $0x1BF5;
	p2 =	por !p2, p0  }
0x20: {  	[sflag:s8] =	ssyncset.s32 @!p0 $0xFFFFF086;
	s6 =	sadd.s32 @!p0 s3, s7;
	s7 =	simm.s32 @!p0 $0x108  }
0x21: {  	s3 =	sadd.s32 s3, s9;
	s6 =	sadd.s32 @!p0 $0x88, s6;
	s7 =	simm.s32 @p2 $0x1082  }
0x22: {  	[simem:s7], [sflag:s8] =	dma.local @!p0 [hbm:s6], $0xF7A  }
0x23: {  	s9 =	sor.u32 $0xD0000000, s2;
	s6 =	simm.s32 $0x108;
	_ =	swait.ge @!p0 [sflag:s8], $0x0  }
0x24: {  	s3 =	sadd.s32 $0x88, s3;
	s6 =	simm.s32 @!p1 $0x1082;
	[sflag:s4] =	ssyncset.s32 $0xFFFFF086  }
0x25: {  	[simem:s6], [sflag:s4] =	dma.local [hbm:s3], $0xF7A  }
0x26: {  	[smem:$0x3F9E] =	sst s1;
	(tag) =	ssettag s2;
	_ =	strace s9  }
0x27: {  	s1 =	sld [smem:$0x3FAE]  }
0x28: {  	s2 =	sld [smem:$0x3FAF]  }
0x29: {  	s4 =	sld [smem:$0x3FB1]  }
0x2a: {  	p0 =	seq.s32 s5, $0x0;
	s5 =	sld [smem:$0x3FB2]  }
0x2b: {  	s6 =	sld [smem:$0x3FB3]  }
0x2c: {  	s7 =	sld [smem:$0x3FB4]  }
0x2d: {  	s3 =	simm.s32 $0x108;
	s8 =	sld [smem:$0x3FB5]  }
0x2e: {  	s3 =	simm.s32 @!p0 $0x1082;
	s9 =	sld [smem:$0x3FB6]  }
0x2f: {  	lr =	sadd.s32 s0, s3;
	s0 =	sld [smem:$0x3FAD]  }
0x30: {  	s3 =	sld [smem:$0x3FB0]  }
0x31: {  	[smem:$0x3FB9] =	sst s10  }
0x32: {  	s10 =	sld [smem:$0x3FB7];
	_ =	sdelay $0x3  }
0x33: {  	p0 =	seq.s32 s10, $0x1;
	s10 =	sld [smem:$0x3FB9];
	_ =	sdelay $0x3  }
0x34: {  	[smem:$0x3FB9] =	sst s10  }
0x35: {  	s10 =	sld [smem:$0x3FB8];
	_ =	sdelay $0x3  }
0x36: {  	p1 =	seq.s32 s10, $0x1;
	s10 =	sld [smem:$0x3FB9];
	_ =	sdelay $0x3  }
0x37: {  	[smem:$0x3FB9] =	sst s10  }
0x38: {  	s10 =	sld [smem:$0x3FBA]  }
0x39: {  	_ = 	snop;
	(pc) =	sbr.ind lr, $3  }
0x3a: {  	_ = 	snop  }
0x3b: {  	_ = 	snop  }
0x3c: {  	p2 =	seq.s32 s10, $0x1;
	s10 =	sld [smem:$0x3FB9]  }
0x3d: {  	_ =	shalt  }
0x3e: {  	_ =	shalt  }
0x3f: {  	_ =	shalt  }
0x40: {  	_ =	shalt  }
0x41: {  	_ =	shalt  }
0x42: {  	_ =	shalt  }
0x43: {  	_ =	shalt  }
0x44: {  	_ =	shalt  }
0x45: {  	_ =	shalt  }
0x46: {  	_ =	shalt  }
0x47: {  	_ =	shalt  }
0x48: {  	_ =	shalt  }
0x49: {  	_ =	shalt  }
0x4a: {  	_ =	shalt  }
0x4b: {  	_ =	shalt  }
0x4c: {  	_ =	shalt  }
0x4d: {  	_ =	shalt  }
0x4e: {  	_ =	shalt  }
0x4f: {  	_ =	shalt  }
0x50: {  	_ =	shalt  }
0x51: {  	_ =	shalt  }
0x52: {  	_ =	shalt  }
0x53: {  	_ =	shalt  }
0x54: {  	_ =	shalt  }
0x55: {  	_ =	shalt  }
0x56: {  	_ =	shalt  }
0x57: {  	_ =	shalt  }
0x58: {  	_ =	shalt  }
0x59: {  	_ =	shalt  }
0x5a: {  	_ =	shalt  }
0x5b: {  	_ =	shalt  }
0x5c: {  	_ =	shalt  }
0x5d: {  	_ =	shalt  }
0x5e: {  	_ =	shalt  }
0x5f: {  	_ =	shalt  }
0x60: {  	_ =	shalt  }
0x61: {  	_ =	shalt  }
0x62: {  	_ =	shalt  }
0x63: {  	_ =	shalt  }
0x64: {  	_ =	shalt  }
0x65: {  	_ =	shalt  }
0x66: {  	_ =	shalt  }
0x67: {  	_ =	shalt  }
0x68: {  	_ =	shalt  }
0x69: {  	_ =	shalt  }
0x6a: {  	_ =	shalt  }
0x6b: {  	_ =	shalt  }
0x6c: {  	_ =	shalt  }
0x6d: {  	_ =	shalt  }
0x6e: {  	_ =	shalt  }
0x6f: {  	_ =	shalt  }
0x70: {  	_ =	shalt  }
0x71: {  	_ =	shalt  }
0x72: {  	_ =	shalt  }
0x73: {  	_ =	shalt  }
0x74: {  	_ =	shalt  }
0x75: {  	_ =	shalt  }
0x76: {  	_ =	shalt  }
0x77: {  	_ =	shalt  }
0x78: {  	_ =	shalt  }
0x79: {  	_ =	shalt  }
0x7a: {  	_ =	shalt  }
0x7b: {  	_ =	shalt  }
0x7c: {  	_ =	shalt  }
0x7d: {  	_ =	shalt  }
0x7e: {  	_ =	shalt  }
0x7f: {  	_ =	shalt  }
0x80: {  	_ =	shalt  }
0x81: {  	_ =	shalt  }
0x82: {  	_ =	shalt  }
0x83: {  	_ =	shalt  }
0x84: {  	_ =	shalt  }
0x85: {  	_ =	shalt  }
0x86: {  	_ =	shalt  }
0x87: {  	_ =	shalt  }
.Lfunc_end0:
.L_simem_size_0:
called_computation_lowered:
.L_overlay_start_0:
0x88: {  	s2 =	sld [smem:$0x3FD9]  }
0x89: {  	s3 =	sld [smem:$0x3FFE];
	_ =	sdelay $0x1  }
0x8a: {  	s1 =	srdreg.scid  }
0x8b: {  	s0 =	sand.u32 $0x1, s1  }
0x8c: {  	s17 =	sshll.u32 s0, $0xA;
	s2 =	sadd.s32 s3, s2  }
0x8d: {  	s2 =	sadd.s32 s2, s17  }
0x8e: {  	[smem:$0x3FC5] =	sst s2  }
0x8f: {  	_ = 	snop  }
0x90: {  	s2 =	sld [smem:$0x3FC9]  }
0x91: {  	s18 =	sld [smem:$0x3FD0];
	(tm) =	ssettm $0x1  }
0x92: {  	s4 =	sld [smem:$0x3FFB];
	_ =	sdelay $0x3  }
0x93: {  	_ =	strace s4  }
0x94: {  	s4 =	sld [smem:$0x3FFC];
	_ =	sdelay $0x3  }
0x95: {  	_ =	strace s4  }
0x96: {  	s4 =	sld [smem:$0x3FFD];
	_ =	sdelay $0x3  }
0x97: {  	_ =	strace s4  }
0x98: {  	_ =	strace $0x8FFFFFFF  }
0x99: {  	s19 =	sld [smem:$0x3FDB];
	_ =	sdelay $0x1  }
0x9a: {  	s5 =	simm.s32 $_scs_section_size  }
0x9b: {  	s6 =	simm.s32 $_size__tile_overlayer_lowered;
	s7 =	simm.s32 $_tile_overlayer_lowered  }
0x9c: {  	s22 =	simm.s32 $0x1BFF;
	s21 =	sshll.u32 s7, $0x1;
	s4 =	sadd.s32 s5, s19  }
0x9d: {  	s8 =	simm.s32 $0x0;
	s20 =	sshll.u32 s6, $0x1;
	s6 =	sadd.s32 s21, s4  }
0x9e: {  	[timem:s8], [sflag:s22] =	dma.local [hbm:s6], s20  }
0x9f: {  	_ =	swait.ge [sflag:s22], s20  }
0xa0: {  	s5 =	ssub.s32 $0x0, s20;
	[sflag:s22] =	ssyncset.done $0x0  }
0xa1: {  	[sflag:s22] =	ssyncadd.s32 s5;
	_ =	sdelay $0x1  }
0xa2: {  	s23 =	simm.s32 $0x1B8B  }
0xa3: {  	_ =	swait.ge [sflag:s23], $0x1  }
0xa4: {  	[sflag:s23] =	ssyncset.done $0x0  }
0xa5: {  	s25 =	simm.s32 $0x1B8E;
	s24 =	sld [smem:$0x3FFE];
	[sflag:s23] =	ssyncadd.s32 $0xFFFFFFFF  }
0xa6: {  	s26 =	simm.s32 $execute0_lowered;
	[smem:$0x3FD2] =	sst s25  }
0xa7: {  	s6 =	sshll.u32 s26, $0x1;
	_ =	strace $0x80000046;
	[dreg:$0x1] =	wrdreg $0xFFFFFFFF  }
0xa8: {  	s28 =	simm.s32 $_size_execute0_lowered;
	s4 =	sadd.s32 s4, s6;
	[dreg:$0x0] =	wrdreg $0x0  }
0xa9: {  	s6 =	sshll.u32 s28, $0x1;
	[dreg:$0x2] =	wrdreg s4  }
0xaa: {  	[dreg:$0x3] =	wrdreg s6  }
0xab: {  	[dreg:$0x4] =	wrdreg $0xC0  }
0xac: {  	_ =	task [dreg:s8], $0x5FFFF  }
0xad: {  	[dreg:$0x1] =	wrdreg $0xFFFFFFFF  }
0xae: {  	[dreg:$0x0] =	wrdreg $0x60  }
0xaf: {  	[dreg:$0x2] =	wrdreg s2  }
0xb0: {  	[dreg:$0x3] =	wrdreg s24  }
0xb1: {  	[dreg:$0x4] =	wrdreg s18  }
0xb2: {  	[dreg:$0x5] =	wrdreg $0x9  }
0xb3: {  	_ =	task.clear_ibuf [dreg:s8], $0x6FFFF;
	_ =	strace $0x90000046  }
0xb4: {  	s29 =	simm.s32 $0x9;
	_ =	strace $0x80000048  }
0xb5: {  	_ =	swait.ge [sflag:s29], $0x1  }
0xb6: {  	[sflag:s29] =	ssyncadd.s32 $0xFFFFFFFF  }
0xb7: {  	_ =	strace $0x90000048  }
0xb8: {  	_ =	sfence  }
0xb9: {  	s30 =	sld [smem:$0x0];
	_ =	sdelay $0x2  }
0xba: {  	s31 =	sshll.u32 s1, $0xD;
	s1 =	sshrl.u32 s1, $0x2  }
0xbb: {  	s3 =	sand.u32 $0x4000, s31;
	s1 =	sadd.s32 s1, s30  }
0xbc: {  	s0 =	sor.u32 s3, s0;
	s1 =	sshll.u32 s1, $0x11  }
0xbd: {  	s0 =	sor.u32 s1, s0  }
0xbe: {  	s0 =	sadd.s32 $0x8F2B, s0  }
0xbf: {  	[sflag:s0] =	ssyncadd.remote.s32 $0x1  }
0xc0: {  	_ =	sfence.sel $0xFFFF  }
0xc1: {  	[dreg:$0x0] =	wrdreg $0xFFFFFFFF;
	(pc) =	sbr.abs _section_cstart, $3  }
0xc2: {  	[dreg:$0x1] =	wrdreg $0xFFFFFFFF  }
0xc3: {  	_ =	task.clear_ibuf [dreg:s8], $0x2FFFF;
	_ =	strace $0x9FFFFFFF  }
0xc4: {  	(tm) =	ssettm $0x7FFFFFFF  }
0xc5: {  	_ =	shalt  }
tec
execute0_lowered:
.L_overlay_start_1:
0x0: {  	(tag) =	ssettag $0x1  }
0x1: {  	s0 =	rddreg [dreg:$0x0]  }
0x2: {  	s6 =	rddreg [dreg:$0x1]  }
0x3: {  	s7 =	rddreg [dreg:$0x2]  }
0x4: {  	s3 =	srdreg.scid;
	s2 =	simm.s32 $0x0;
	s1 =	stileid.u32  }
0x5: {  	s24 =	simm.s32 $0xC00;
	s25 =	simm.s32 $0x400;
	s11 =	simm.s32 $0x200  }
0x6: {  	s26 =	simm.s32 $0x600;
	s13 =	simm.s32 $0xA00;
	s14 =	simm.s32 $0x480  }
0x7: {  	s15 =	simm.s32 $0x280;
	s16 =	simm.s32 $0x680;
	s17 =	simm.s32 $0x880  }
0x8: {  	s18 =	simm.s32 $0xA80;
	s19 =	simm.s32 $0x500;
	s20 =	simm.s32 $0x300  }
0x9: {  	s21 =	simm.s32 $0x700;
	s28 =	simm.s32 $0x780;
	s29 =	simm.s32 $0x980  }
0xa: {  	s30 =	simm.s32 $0xB80;
	[smem:$0x7FF] =	sst s2;
	s9 =	sadd.s32 $0x5CC00, s6  }
0xb: {  	s31 =	simm.s32 $0x1;
	_ =	strace $0x80000047;
	[dreg:$0x4] =	wrdreg s9  }
0xc: {  	s5 =	sand.u32 $0x1, s3;
	s4 =	sshll.u32 s1, $0xA;
	[dreg:$0x7] =	wrdreg s24  }
0xd: {  	s3 =	sadd.s32 $0xE00, s6;
	s8 =	sshll.u32 s5, $0x9;
	[dreg:$0x8] =	wrdreg s25  }
0xe: {  	s22 =	ssub.s32 $0x2, s5;
	s9 =	simm.s32 $0x100;
	[dreg:$0x9] =	wrdreg s26  }
0xf: {  	s24 =	simm.s32 $0x180;
	s25 =	simm.s32 $0x580;
	s26 =	simm.s32 $0x380  }
0x10: {  	s8 =	sor.u32 s8, s4;
	s4 =	sadd.s32 $0x1F800, s6;
	s23 =	sshrl.u32 s22, $0x1  }
0x11: {  	s6 =	sadd.s32 $0x3E200, s6;
	s10 =	sshrl.u32 s8, $0x2;
	s8 =	sshrl.u32 s8, $0x3  }
0x12: {  	s5 =	sadd.s32 s0, s10;
	s0 =	ssub.s32 s22, s23;
	s7 =	sadd.s32 s7, s8  }
0x13: {  	s8 =	simm.s32 $0x80;
	s22 =	simm.s32 $0x900;
	s23 =	simm.s32 $0xB00  }
0x14: {  	s10 =	sadd.s32 $0x10, s5;
	[dreg:$0x6] =	wrdreg s7;
	s7 =	smax.u32 s0, $0x1  }
0x15: {  	s0 =	simm.s32 $0xC80;
	[dreg:$0x5] =	wrdreg s10;
	s10 =	simm.s32 $0x2  }
.LBB2_1:
0x16: {  	[tilespmem:s2], [sflag:$0x2] =	stream.strided.gather [hbm4b:s5+s8], $0x200, s9, s8, $0x38;
	[tilespmem:$0xE80] =	vst v63  }
0x17: {  	_ =	swait.ge [sflag:s10], $0x200  }
0x18: {  	[sflag:s10] =	ssyncset.done $0x0  }
0x19: {  	s1 =	rddreg [dreg:$0x5];
	[sflag:s10] =	ssyncadd.s32 $0xFFFFFE00  }
0x1a: {  	[tilespmem:s11], [sflag:$0x2] =	stream.strided.gather [hbm4b:s1+s8], $0x200, s9, s8, $0x38;
	[tilespmem:$0xE80] =	vst v63  }
0x1b: {  	_ =	swait.ge [sflag:s10], $0x200  }
0x1c: {  	s1 =	rddreg [dreg:$0x4];
	[sflag:s10] =	ssyncset.done $0x0  }
0x1d: {  	s12 =	rddreg [dreg:$0x7];
	[sflag:s10] =	ssyncadd.s32 $0xFFFFFE00  }
0x1e: {  	[tilespmem:s12], [sflag:$0x2] =	stream.linear.gather [hbm4b:s1+s2], $0x80, $0x38;
	[tilespmem:$0xE80] =	vst v63  }
0x1f: {  	_ =	swait.ge [sflag:s10], $0x80  }
0x20: {  	[sflag:s10] =	ssyncset.done $0x0  }
0x21: {  	s1 =	rddreg [dreg:$0x8];
	[sflag:s10] =	ssyncadd.s32 $0xFFFFFF80  }
0x22: {  	[tilespmem:s1], [sflag:$0x1] =	stream.indirect.gather [hbm4b:s3+s8], $0x1, s2, s8, $0xb8;
	[tilespmem:$0xE80] =	vst v63  }
0x23: {  	s12 =	rddreg [dreg:$0x9]  }
0x24: {  	[tilespmem:s12], [sflag:$0x1] =	stream.indirect.gather [hbm4b:s4+s8], $0x1, s11, s8, $0xb8;
	[tilespmem:$0xE80] =	vst v63  }
0x25: {  	s12 =	simm.s32 $0x800  }
0x26: {  	[tilespmem:s12], [sflag:$0x1] =	stream.indirect.gather [hbm4b:s6+s8], $0x1, s2, s8, $0xb8;
	[tilespmem:$0xE80] =	vst v63  }
0x27: {  	_ = 	snop  }
0x28: {  	[tilespmem:s13], [sflag:$0x1] =	stream.indirect.gather [hbm4b:s6+s8], $0x1, s11, s8, $0xb8;
	[tilespmem:$0xE80] =	vst v63  }
0x29: {  	_ = 	snop  }
0x2a: {  	[tilespmem:s14], [sflag:$0x1] =	stream.indirect.gather [hbm4b:s3+s8], $0x1, s8, s8, $0xb8;
	[tilespmem:$0xE80] =	vst v63  }
0x2b: {  	_ = 	snop  }
0x2c: {  	[tilespmem:s16], [sflag:$0x1] =	stream.indirect.gather [hbm4b:s4+s8], $0x1, s15, s8, $0xb8;
	[tilespmem:$0xE80] =	vst v63  }
0x2d: {  	_ = 	snop  }
0x2e: {  	[tilespmem:s17], [sflag:$0x1] =	stream.indirect.gather [hbm4b:s6+s8], $0x1, s8, s8, $0xb8;
	[tilespmem:$0xE80] =	vst v63  }
0x2f: {  	_ = 	snop  }
0x30: {  	[tilespmem:s18], [sflag:$0x1] =	stream.indirect.gather [hbm4b:s6+s8], $0x1, s15, s8, $0xb8;
	[tilespmem:$0xE80] =	vst v63  }
0x31: {  	_ = 	snop  }
0x32: {  	[tilespmem:s19], [sflag:$0x1] =	stream.indirect.gather [hbm4b:s3+s8], $0x1, s9, s8, $0xb8;
	[tilespmem:$0xE80] =	vst v63  }
0x33: {  	_ = 	snop  }
0x34: {  	[tilespmem:s21], [sflag:$0x1] =	stream.indirect.gather [hbm4b:s4+s8], $0x1, s20, s8, $0xb8;
	[tilespmem:$0xE80] =	vst v63  }
0x35: {  	_ = 	snop  }
0x36: {  	[tilespmem:s22], [sflag:$0x1] =	stream.indirect.gather [hbm4b:s6+s8], $0x1, s9, s8, $0xb8;
	[tilespmem:$0xE80] =	vst v63  }
0x37: {  	_ = 	snop  }
0x38: {  	[tilespmem:s23], [sflag:$0x1] =	stream.indirect.gather [hbm4b:s6+s8], $0x1, s20, s8, $0xb8;
	[tilespmem:$0xE80] =	vst v63  }
0x39: {  	_ = 	snop  }
0x3a: {  	[tilespmem:s25], [sflag:$0x1] =	stream.indirect.gather [hbm4b:s3+s8], $0x1, s24, s8, $0xb8;
	[tilespmem:$0xE80] =	vst v63  }
0x3b: {  	_ = 	snop  }
0x3c: {  	[tilespmem:s28], [sflag:$0x1] =	stream.indirect.gather [hbm4b:s4+s8], $0x1, s26, s8, $0xb8;
	[tilespmem:$0xE80] =	vst v63  }
0x3d: {  	_ = 	snop  }
0x3e: {  	[tilespmem:s29], [sflag:$0x1] =	stream.indirect.gather [hbm4b:s6+s8], $0x1, s24, s8, $0xb8;
	[tilespmem:$0xE80] =	vst v63  }
0x3f: {  	_ = 	snop  }
0x40: {  	[tilespmem:s30], [sflag:$0x1] =	stream.indirect.gather [hbm4b:s6+s8], $0x1, s26, s8, $0xb8;
	[tilespmem:$0xE80] =	vst v63  }
0x41: {  	_ =	swait.ge [sflag:s31], $0x80  }
0x42: {  	[sflag:s31] =	ssyncset.done $0x0  }
0x43: {  	[sflag:s31] =	ssyncadd.s32 $0xFFFFFF80  }
0x44: {  	_ =	swait.ge [sflag:s31], $0x80  }
0x45: {  	[sflag:s31] =	ssyncset.done $0x0  }
0x46: {  	[sflag:s31] =	ssyncadd.s32 $0xFFFFFF80  }
0x47: {  	_ =	swait.ge [sflag:s31], $0x80  }
0x48: {  	[sflag:s31] =	ssyncset.done $0x0  }
0x49: {  	[sflag:s31] =	ssyncadd.s32 $0xFFFFFF80  }
0x4a: {  	_ =	swait.ge [sflag:s31], $0x80  }
0x4b: {  	[sflag:s31] =	ssyncset.done $0x0  }
0x4c: {  	[sflag:s31] =	ssyncadd.s32 $0xFFFFFF80  }
0x4d: {  	_ =	swait.ge [sflag:s31], $0x80  }
0x4e: {  	[sflag:s31] =	ssyncset.done $0x0  }
0x4f: {  	[sflag:s31] =	ssyncadd.s32 $0xFFFFFF80  }
0x50: {  	_ =	swait.ge [sflag:s31], $0x80  }
0x51: {  	[sflag:s31] =	ssyncset.done $0x0  }
0x52: {  	[sflag:s31] =	ssyncadd.s32 $0xFFFFFF80  }
0x53: {  	_ =	swait.ge [sflag:s31], $0x80  }
0x54: {  	[sflag:s31] =	ssyncset.done $0x0  }
0x55: {  	[sflag:s31] =	ssyncadd.s32 $0xFFFFFF80  }
0x56: {  	_ =	swait.ge [sflag:s31], $0x80  }
0x57: {  	[sflag:s31] =	ssyncset.done $0x0  }
0x58: {  	[sflag:s31] =	ssyncadd.s32 $0xFFFFFF80  }
0x59: {  	_ =	swait.ge [sflag:s31], $0x80  }
0x5a: {  	[sflag:s31] =	ssyncset.done $0x0  }
0x5b: {  	[sflag:s31] =	ssyncadd.s32 $0xFFFFFF80  }
0x5c: {  	_ =	swait.ge [sflag:s31], $0x80  }
0x5d: {  	[sflag:s31] =	ssyncset.done $0x0  }
0x5e: {  	[sflag:s31] =	ssyncadd.s32 $0xFFFFFF80  }
0x5f: {  	_ =	swait.ge [sflag:s31], $0x80  }
0x60: {  	[sflag:s31] =	ssyncset.done $0x0  }
0x61: {  	[sflag:s31] =	ssyncadd.s32 $0xFFFFFF80  }
0x62: {  	_ =	swait.ge [sflag:s31], $0x80  }
0x63: {  	[sflag:s31] =	ssyncset.done $0x0  }
0x64: {  	[sflag:s31] =	ssyncadd.s32 $0xFFFFFF80  }
0x65: {  	_ =	swait.ge [sflag:s31], $0x80  }
0x66: {  	[sflag:s31] =	ssyncset.done $0x0  }
0x67: {  	[sflag:s31] =	ssyncadd.s32 $0xFFFFFF80  }
0x68: {  	_ =	swait.ge [sflag:s31], $0x80  }
0x69: {  	[sflag:s31] =	ssyncset.done $0x0  }
0x6a: {  	[sflag:s31] =	ssyncadd.s32 $0xFFFFFF80  }
0x6b: {  	_ =	swait.ge [sflag:s31], $0x80  }
0x6c: {  	[sflag:s31] =	ssyncset.done $0x0  }
0x6d: {  	[sflag:s31] =	ssyncadd.s32 $0xFFFFFF80  }
0x6e: {  	_ =	swait.ge [sflag:s31], $0x80  }
0x6f: {  	[sflag:s31] =	ssyncset.done $0x0  }
0x70: {  	[sflag:s31] =	ssyncadd.s32 $0xFFFFFF80  }
0x71: {  	v0 =	vld [tilespmem:$0x800]  }
0x72: {  	v1 =	vld [tilespmem:$0xA00];
	_ =	sdelay $0x3  }
0x73: {  	v2 =	vld [tilespmem:$0x810]  }
0x74: {  	v3 =	vld [tilespmem:$0xA10];
	v0 =	vadd.f32 v1, v0  }
0x75: {  	v5 =	vld [tilespmem:$0x820]  }
0x76: {  	v6 =	vld [tilespmem:$0xA20];
	v0 =	vmax.f32 v0, $1.000000020e-16  }
0x77: {  	v56 =	vshra.s32 v0, $0x1;
	v0 =	vmul.f32 $5.000000000e-01, v0  }
0x78: {  	v1 =	vsub.s32 $0x5F3759DF, v56  }
0x79: {  	v4 =	vmul.f32 v1, v0;
	_ =	sdelay $0x1  }
0x7a: {  	v2 =	vadd.f32 v3, v2;
	v57 =	vadd.f32 v6, v5;
	v4 =	vmul.f32 v1, v4;
	_ =	sdelay $0x1  }
0x7b: {  	v2 =	vmax.f32 v2, $1.000000020e-16;
	v3 =	vmax.f32 v57, $1.000000020e-16;
	v4 =	vsub.f32 $1.500000000e+00, v4  }
0x7c: {  	v9 =	vld [tilespmem:$0x830];
	v58 =	vshra.s32 v2, $0x1;
	v2 =	vmul.f32 $5.000000000e-01, v2;
	v7 =	vshra.s32 v3, $0x1  }
0x7d: {  	v10 =	vld [tilespmem:$0xA30];
	v3 =	vmul.f32 $5.000000000e-01, v3;
	v1 =	vmul.f32 v1, v4;
	v4 =	vsub.s32 $0x5F3759DF, v58  }
0x7e: {  	v19 =	vld [tilespmem:$0x840];
	v7 =	vsub.s32 $0x5F3759DF, v7;
	v60 =	vmul.f32 v4, v2  }
0x7f: {  	v14 =	vld [tilespmem:$0xA40];
	v8 =	vmul.f32 v7, v3;
	v59 =	vmul.f32 v1, v0  }
0x80: {  	v6 =	vmul.f32 v4, v60  }
0x81: {  	v62 =	vld [tilespmem:$0x400];
	v8 =	vmul.f32 v7, v8;
	v5 =	vmul.f32 v59, v1  }
0x82: {  	v25 =	vld [tilespmem:$0x850];
	v16 =	vadd.f32 v10, v9;
	v6 =	vsub.f32 $1.500000000e+00, v6  }
0x83: {  	v26 =	vld [tilespmem:$0xA50];
	v61 =	vsub.f32 $1.500000000e+00, v8;
	v5 =	vsub.f32 $1.500000000e+00, v5  }
0x84: {  	v63 =	vld [tilespmem:$0x600];
	v24 =	vadd.f32 v14, v19;
	v4 =	vmul.f32 v4, v6  }
0x85: {  	v1 =	vmul.f32 v5, v1;
	v5 =	vmul.f32 v7, v61;
	v7 =	vmax.f32 v16, $1.000000020e-16  }
0x86: {  	v11 =	vmul.f32 v4, v2;
	v13 =	vshra.s32 v7, $0x1;
	v7 =	vmul.f32 $5.000000000e-01, v7  }
0x87: {  	v0 =	vmul.f32 v1, v0;
	v18 =	vmul.f32 v5, v3;
	v13 =	vsub.s32 $0x5F3759DF, v13  }
0x88: {  	v17 =	vmul.f32 v11, v4;
	v20 =	vmul.f32 v13, v7;
	v11 =	vadd.f32 v26, v25  }
0x89: {  	v6 =	vadd.f32 v63, v62;
	v0 =	vmul.f32 v0, v1;
	v10 =	vmul.f32 v18, v5  }
0x8a: {  	v22 =	vld [tilespmem:$0x410];
	v9 =	vsub.f32 $1.500000000e+00, v17;
	v8 =	vmul.f32 v13, v20;
	v35 =	vmax.f32 v11, $1.000000020e-16  }
0x8b: {  	v15 =	vld [tilespmem:$0x860];
	v12 =	vsub.f32 $1.500000000e+00, v0;
	v21 =	vsub.f32 $1.500000000e+00, v10;
	v11 =	vshra.s32 v35, $0x1  }
0x8c: {  	v18 =	vld [tilespmem:$0xA60];
	v10 =	vmul.f32 $5.000000000e-01, v35;
	v4 =	vmul.f32 v9, v4;
	v8 =	vsub.f32 $1.500000000e+00, v8  }
0x8d: {  	v23 =	vld [tilespmem:$0x610];
	v9 =	vmax.f32 v24, $1.000000020e-16;
	v37 =	vsub.s32 $0x5F3759DF, v11;
	v1 =	vmul.f32 v12, v1  }
0x8e: {  	v0 =	vld [tilespmem:$0xC00];
	v5 =	vmul.f32 v21, v5;
	v28 =	vshra.s32 v9, $0x1;
	v9 =	vmul.f32 $5.000000000e-01, v9  }
0x8f: {  	v11 =	vmul.f32 v37, v10;
	v2 =	vmul.f32 v4, v2  }
0x90: {  	v8 =	vmul.f32 v13, v8;
	v13 =	vsub.s32 $0x5F3759DF, v28;
	v1 =	vmul.f32 v1, v6  }
0x91: {  	v27 =	vld [tilespmem:$0x420];
	v36 =	vadd.f32 v18, v15;
	v3 =	vmul.f32 v5, v3;
	v17 =	vmul.f32 v13, v9  }
0x92: {  	v30 =	vld [tilespmem:$0x620];
	v29 =	vadd.f32 v23, v22;
	v11 =	vmul.f32 v37, v11;
	v2 =	vmul.f32 v2, v4  }
0x93: {  	v38 =	vld [tilespmem:$0x430];
	v16 =	vmul.f32 v8, v7;
	v12 =	vmax.f32 v36, $1.000000020e-16;
	v1 =	vmul.f32 v1, v0  }
0x94: {  	v40 =	vld [tilespmem:$0x630];
	v3 =	vmul.f32 v3, v5;
	v32 =	vmul.f32 v13, v17;
	v39 =	vshra.s32 v12, $0x1  }
0x95: {  	v51 =	vld [tilespmem:$0x880];
	v12 =	vmul.f32 $5.000000000e-01, v12;
	v2 =	vsub.f32 $1.500000000e+00, v2;
	v31 =	vmul.f32 v16, v8  }
0x96: {  	v53 =	vld [tilespmem:$0xA80];
	v14 =	vsub.s32 $0x5F3759DF, v39;
	v3 =	vsub.f32 $1.500000000e+00, v3;
	v34 =	vsub.f32 $1.500000000e+00, v32  }
0x97: {  	v44 =	vld [tilespmem:$0x870];
	v11 =	vsub.f32 $1.500000000e+00, v11;
	v42 =	vmul.f32 v14, v12;
	v2 =	vmul.f32 v2, v4  }
0x98: {  	v45 =	vld [tilespmem:$0xA70];
	v33 =	vsub.f32 $1.500000000e+00, v31;
	v3 =	vmul.f32 v3, v5;
	v5 =	vmul.f32 v13, v34  }
0x99: {  	v6 =	vadd.f32 v30, v27;
	v17 =	vmul.f32 v14, v42;
	v2 =	vmul.f32 v2, v29  }
0x9a: {  	v46 =	vadd.f32 v40, v38;
	v4 =	vmul.f32 v33, v8;
	v8 =	vmul.f32 v37, v11  }
0x9b: {  	v11 =	vadd.f32 v53, v51;
	v41 =	vmul.f32 v5, v9;
	v3 =	vmul.f32 v3, v6  }
0x9c: {  	v47 =	vsub.f32 $1.500000000e+00, v17;
	v7 =	vmul.f32 v4, v7;
	v2 =	vmul.f32 v2, v0  }
0x9d: {  	v52 =	vadd.f32 v45, v44;
	v49 =	vmul.f32 v8, v10;
	v43 =	vmul.f32 v41, v5  }
0x9e: {  	v48 =	vld [tilespmem:$0x440];
	v11 =	vmax.f32 v11, $1.000000020e-16;
	v3 =	vmul.f32 v3, v0;
	v50 =	vmul.f32 v14, v47  }
0x9f: {  	v54 =	vld [tilespmem:$0x640];
	v14 =	vmax.f32 v52, $1.000000020e-16;
	v62 =	vshra.s32 v11, $0x1;
	v11 =	vmul.f32 $5.000000000e-01, v11  }
0xa0: {  	v19 =	vld [tilespmem:$0xA90];
	v7 =	vmul.f32 v7, v4;
	v13 =	vmul.f32 v49, v8;
	v6 =	vsub.f32 $1.500000000e+00, v43  }
0xa1: {  	v63 =	vld [tilespmem:$0x890];
	v56 =	vshra.s32 v14, $0x1;
	v14 =	vmul.f32 $5.000000000e-01, v14;
	v55 =	vmul.f32 v50, v12  }
0xa2: {  	v57 =	vsub.s32 $0x5F3759DF, v56;
	v7 =	vsub.f32 $1.500000000e+00, v7;
	v5 =	vmul.f32 v6, v5  }
0xa3: {  	v60 =	vld [tilespmem:$0x650];
	v13 =	vsub.f32 $1.500000000e+00, v13;
	v18 =	vmul.f32 v57, v14;
	v17 =	vmul.f32 v55, v50  }
0xa4: {  	v59 =	vld [tilespmem:$0x450];
	v6 =	vadd.f32 v54, v48;
	v4 =	vmul.f32 v7, v4;
	v9 =	vmul.f32 v5, v9  }
0xa5: {  	v8 =	vmul.f32 v13, v8;
	v61 =	vmul.f32 v57, v18;
	v17 =	vsub.f32 $1.500000000e+00, v17  }
0xa6: {  	v18 =	vadd.f32 v19, v63;
	v4 =	vmul.f32 v4, v46;
	v9 =	vmul.f32 v9, v5  }
0xa7: {  	v16 =	vsub.f32 $1.500000000e+00, v61;
	v7 =	vmul.f32 v17, v50;
	v17 =	vsub.s32 $0x5F3759DF, v62  }
0xa8: {  	v25 =	vld [tilespmem:$0x8A0];
	v58 =	vmul.f32 v8, v10;
	v21 =	vmul.f32 v17, v11;
	v9 =	vsub.f32 $1.500000000e+00, v9  }
0xa9: {  	v27 =	vld [tilespmem:$0xAA0];
	v10 =	vadd.f32 v60, v59;
	v13 =	vmul.f32 v57, v16;
	v12 =	vmul.f32 v7, v12  }
0xaa: {  	v22 =	vld [tilespmem:$0x460];
	v26 =	vmax.f32 v18, $1.000000020e-16;
	v5 =	vmul.f32 v9, v5;
	v9 =	vmul.f32 v58, v8  }
0xab: {  	v23 =	vld [tilespmem:$0x660];
	v18 =	vshra.s32 v26, $0x1;
	v16 =	vmul.f32 v13, v14;
	v12 =	vmul.f32 v12, v7  }
0xac: {  	v4 =	vmul.f32 v4, v0;
	v18 =	vsub.s32 $0x5F3759DF, v18;
	v20 =	vsub.f32 $1.500000000e+00, v9  }
0xad: {  	v24 =	vmul.f32 v16, v13;
	v9 =	vmul.f32 v17, v21;
	v12 =	vsub.f32 $1.500000000e+00, v12  }
0xae: {  	v31 =	vld [tilespmem:$0xAB0];
	v16 =	vadd.f32 v27, v25;
	v5 =	vmul.f32 v5, v6;
	v6 =	vmul.f32 v20, v8  }
0xaf: {  	v9 =	vsub.f32 $1.500000000e+00, v9;
	v7 =	vmul.f32 v12, v7;
	v12 =	vmul.f32 $5.000000000e-01, v26;
	v20 =	vld [tilespmem:$0x8B0]  }
0xb0: {  	v16 =	vmax.f32 v16, $1.000000020e-16;
	v5 =	vmul.f32 v5, v0;
	v8 =	vadd.f32 v23, v22  }
0xb1: {  	v33 =	vshra.s32 v16, $0x1;
	v9 =	vmul.f32 v17, v9;
	v30 =	vmul.f32 v18, v12  }
0xb2: {  	v16 =	vmul.f32 $5.000000000e-01, v16;
	v6 =	vmul.f32 v6, v10;
	v10 =	vsub.f32 $1.500000000e+00, v24  }
0xb3: {  	v28 =	vmul.f32 v9, v11;
	v19 =	vmul.f32 v18, v30  }
0xb4: {  	v32 =	vld [tilespmem:$0x670];
	v8 =	vmul.f32 v7, v8;
	v10 =	vmul.f32 v10, v13;
	v17 =	vadd.f32 v31, v20  }
0xb5: {  	v29 =	vld [tilespmem:$0x470];
	v7 =	vmul.f32 v6, v0;
	v15 =	vmul.f32 v28, v9;
	v19 =	vsub.f32 $1.500000000e+00, v19  }
0xb6: {  	v34 =	vld [tilespmem:$0xAC0];
	v6 =	vmul.f32 v8, v0;
	v14 =	vmul.f32 v10, v14;
	v17 =	vmax.f32 v17, $1.000000020e-16  }
0xb7: {  	v21 =	vld [tilespmem:$0x8C0];
	v15 =	vsub.f32 $1.500000000e+00, v15;
	v18 =	vmul.f32 v18, v19;
	v37 =	vshra.s32 v17, $0x1  }
0xb8: {  	v14 =	vmul.f32 v14, v10;
	v17 =	vmul.f32 $5.000000000e-01, v17;
	v20 =	vsub.s32 $0x5F3759DF, v37  }
0xb9: {  	v9 =	vmul.f32 v15, v9;
	v15 =	vsub.s32 $0x5F3759DF, v33;
	v35 =	vmul.f32 v18, v12  }
0xba: {  	v49 =	vld [tilespmem:$0x8D0];
	v8 =	vadd.f32 v32, v29;
	v41 =	vmul.f32 v20, v17;
	v22 =	vmul.f32 v15, v16  }
0xbb: {  	v24 =	vld [tilespmem:$0xAD0];
	v14 =	vsub.f32 $1.500000000e+00, v14;
	v11 =	vmul.f32 v9, v11;
	v13 =	vmul.f32 v35, v18  }
0xbc: {  	v38 =	vld [tilespmem:$0x480];
	v19 =	vadd.f32 v34, v21;
	v43 =	vmul.f32 v20, v41;
	v36 =	vmul.f32 v15, v22  }
0xbd: {  	v40 =	vld [tilespmem:$0x680];
	v10 =	vmul.f32 v14, v10;
	v11 =	vmul.f32 v11, v9;
	v13 =	vsub.f32 $1.500000000e+00, v13  }
0xbe: {  	v56 =	vld [tilespmem:$0x6A0];
	v42 =	vmax.f32 v19, $1.000000020e-16;
	v19 =	vsub.f32 $1.500000000e+00, v43;
	v14 =	vsub.f32 $1.500000000e+00, v36  }
0xbf: {  	v55 =	vld [tilespmem:$0x4A0];
	v8 =	vmul.f32 v10, v8;
	v39 =	vsub.f32 $1.500000000e+00, v11;
	v13 =	vmul.f32 v13, v18  }
0xc0: {  	v57 =	vadd.f32 v24, v49;
	v19 =	vmul.f32 v20, v19;
	v14 =	vmul.f32 v15, v14  }
0xc1: {  	v47 =	vld [tilespmem:$0x690];
	v44 =	vshra.s32 v42, $0x1;
	v15 =	vmul.f32 $5.000000000e-01, v42;
	v9 =	vmul.f32 v39, v9  }
0xc2: {  	v46 =	vld [tilespmem:$0x490];
	v21 =	vsub.s32 $0x5F3759DF, v44;
	v12 =	vmul.f32 v13, v12;
	v45 =	vmul.f32 v14, v16  }
0xc3: {  	v34 =	vld [tilespmem:$0xAF0];
	v11 =	vadd.f32 v40, v38;
	v25 =	vmul.f32 v19, v17;
	v23 =	vmul.f32 v21, v15  }
0xc4: {  	v28 =	vadd.f32 v56, v55;
	v33 =	vld [tilespmem:$0x8F0];
	v12 =	vmul.f32 v12, v13;
	v18 =	vmul.f32 v45, v14  }
0xc5: {  	v61 =	vmax.f32 v57, $1.000000020e-16;
	v11 =	vmul.f32 v9, v11;
	v48 =	vmul.f32 v21, v23  }
0xc6: {  	v9 =	vmul.f32 v8, v0;
	v50 =	vsub.f32 $1.500000000e+00, v12;
	v18 =	vsub.f32 $1.500000000e+00, v18  }
0xc7: {  	v63 =	vld [tilespmem:$0xAE0];
	v52 =	vmul.f32 v25, v19;
	v8 =	vmul.f32 v11, v0;
	v20 =	vsub.f32 $1.500000000e+00, v48  }
0xc8: {  	v29 =	vld [tilespmem:$0x4B0];
	v10 =	vadd.f32 v47, v46;
	v11 =	vmul.f32 v50, v13;
	v51 =	vmul.f32 v18, v14  }
0xc9: {  	v31 =	vld [tilespmem:$0x6B0];
	v53 =	vmul.f32 v21, v20;
	v14 =	vsub.f32 $1.500000000e+00, v52;
	v20 =	vadd.f32 v34, v33  }
0xca: {  	v62 =	vld [tilespmem:$0x8E0];
	v22 =	vshra.s32 v61, $0x1;
	v10 =	vmul.f32 v11, v10;
	v54 =	vmul.f32 v51, v16  }
0xcb: {  	v21 =	vmul.f32 v53, v15;
	v59 =	vmul.f32 v14, v19;
	v20 =	vmax.f32 v20, $1.000000020e-16  }
0xcc: {  	v37 =	vld [tilespmem:$0x900];
	v19 =	vmul.f32 $5.000000000e-01, v61;
	v43 =	vshra.s32 v20, $0x1;
	v20 =	vmul.f32 $5.000000000e-01, v20  }
0xcd: {  	v22 =	vsub.s32 $0x5F3759DF, v22;
	v39 =	vld [tilespmem:$0xB00];
	v58 =	vmul.f32 v54, v51;
	v60 =	vmul.f32 v21, v53  }
0xce: {  	v16 =	vadd.f32 v31, v29;
	v17 =	vmul.f32 v59, v17;
	v30 =	vmul.f32 v22, v19  }
0xcf: {  	v21 =	vadd.f32 v63, v62;
	v23 =	vsub.s32 $0x5F3759DF, v43;
	v11 =	vsub.f32 $1.500000000e+00, v58  }
0xd0: {  	v44 =	vmul.f32 v23, v20;
	v14 =	vsub.f32 $1.500000000e+00, v60;
	v32 =	vmul.f32 v22, v30  }
0xd1: {  	v35 =	vld [tilespmem:$0x4C0];
	v17 =	vmul.f32 v17, v59;
	v36 =	vmax.f32 v21, $1.000000020e-16;
	v11 =	vmul.f32 v11, v51  }
0xd2: {  	v46 =	vld [tilespmem:$0x4D0];
	v21 =	vadd.f32 v39, v37;
	v14 =	vmul.f32 v14, v53;
	v18 =	vsub.f32 $1.500000000e+00, v32  }
0xd3: {  	v48 =	vld [tilespmem:$0x6D0];
	v47 =	vmul.f32 v23, v44;
	v17 =	vsub.f32 $1.500000000e+00, v17;
	v12 =	vmul.f32 v11, v28  }
0xd4: {  	v38 =	vshra.s32 v36, $0x1;
	v51 =	vld [tilespmem:$0x910];
	v15 =	vmul.f32 v14, v15;
	v18 =	vmul.f32 v22, v18  }
0xd5: {  	v21 =	vmax.f32 v21, $1.000000020e-16;
	v13 =	vmul.f32 v17, v59;
	v17 =	vmul.f32 $5.000000000e-01, v36;
	v28 =	vld [tilespmem:$0xB10]  }
0xd6: {  	v40 =	vld [tilespmem:$0x6C0];
	v22 =	vsub.s32 $0x5F3759DF, v38;
	v15 =	vmul.f32 v15, v14;
	v26 =	vmul.f32 v18, v19  }
0xd7: {  	v45 =	vshra.s32 v21, $0x1;
	v21 =	vmul.f32 $5.000000000e-01, v21;
	v27 =	vmul.f32 v22, v17  }
0xd8: {  	v11 =	vmul.f32 v10, v0;
	v15 =	vsub.f32 $1.500000000e+00, v15;
	v41 =	vmul.f32 v26, v18  }
0xd9: {  	v33 =	vld [tilespmem:$0xB30];
	v54 =	vadd.f32 v48, v46;
	v13 =	vmul.f32 v13, v16;
	v42 =	vmul.f32 v22, v27  }
0xda: {  	v32 =	vld [tilespmem:$0x930];
	v57 =	vadd.f32 v28, v51;
	v14 =	vmul.f32 v15, v14;
	v15 =	vsub.f32 $1.500000000e+00, v41  }
0xdb: {  	v55 =	vld [tilespmem:$0x920];
	v10 =	vmul.f32 v12, v0;
	v12 =	vadd.f32 v40, v35;
	v16 =	vsub.f32 $1.500000000e+00, v42  }
0xdc: {  	v58 =	vld [tilespmem:$0xB20];
	v13 =	vmul.f32 v13, v0;
	v24 =	vmax.f32 v57, $1.000000020e-16;
	v15 =	vmul.f32 v15, v18  }
0xdd: {  	v16 =	vmul.f32 v22, v16;
	v18 =	vsub.s32 $0x5F3759DF, v45;
	v12 =	vmul.f32 v14, v12  }
0xde: {  	v22 =	vsub.f32 $1.500000000e+00, v47;
	v62 =	vshra.s32 v24, $0x1;
	v24 =	vmul.f32 $5.000000000e-01, v24  }
0xdf: {  	v46 =	vadd.f32 v33, v32;
	v49 =	vmul.f32 v18, v21;
	v19 =	vmul.f32 v15, v19  }
0xe0: {  	v28 =	vsub.s32 $0x5F3759DF, v62;
	v50 =	vmul.f32 v16, v17;
	v22 =	vmul.f32 v23, v22  }
0xe1: {  	v31 =	vmul.f32 v28, v24;
	v23 =	vadd.f32 v58, v55;
	v26 =	vmul.f32 v18, v49  }
0xe2: {  	v34 =	vld [tilespmem:$0x940];
	v49 =	vmax.f32 v46, $1.000000020e-16;
	v19 =	vmul.f32 v19, v15;
	v14 =	vmul.f32 v50, v16  }
0xe3: {  	v29 =	vld [tilespmem:$0x4F0];
	v53 =	vmul.f32 v22, v20;
	v39 =	vmul.f32 v28, v31;
	v23 =	vmax.f32 v23, $1.000000020e-16  }
0xe4: {  	v30 =	vld [tilespmem:$0x6F0];
	v27 =	vmul.f32 $5.000000000e-01, v49;
	v52 =	vsub.f32 $1.500000000e+00, v26;
	v40 =	vshra.s32 v23, $0x1  }
0xe5: {  	v43 =	vld [tilespmem:$0xB40];
	v19 =	vsub.f32 $1.500000000e+00, v19;
	v14 =	vsub.f32 $1.500000000e+00, v14;
	v56 =	vmul.f32 v53, v22  }
0xe6: {  	v23 =	vmul.f32 $5.000000000e-01, v23;
	v25 =	vsub.f32 $1.500000000e+00, v39;
	v18 =	vmul.f32 v18, v52  }
0xe7: {  	v15 =	vmul.f32 v19, v15;
	v16 =	vmul.f32 v14, v16;
	v14 =	vsub.f32 $1.500000000e+00, v56  }
0xe8: {  	v25 =	vmul.f32 v28, v25;
	v59 =	vmul.f32 v18, v21  }
0xe9: {  	v61 =	vld [tilespmem:$0x6E0];
	v44 =	vadd.f32 v30, v29;
	v17 =	vmul.f32 v16, v17;
	v22 =	vmul.f32 v14, v22  }
0xea: {  	v60 =	vld [tilespmem:$0x4E0];
	v50 =	vadd.f32 v43, v34;
	v45 =	vmul.f32 v25, v24;
	v19 =	vmul.f32 v59, v18  }
0xeb: {  	v37 =	vld [tilespmem:$0x500];
	v51 =	vshra.s32 v49, $0x1;
	v17 =	vmul.f32 v17, v16;
	v36 =	vmul.f32 v22, v20  }
0xec: {  	v38 =	vld [tilespmem:$0x700];
	v31 =	vsub.s32 $0x5F3759DF, v40;
	v15 =	vmul.f32 v15, v54;
	v47 =	vmul.f32 v45, v25  }
0xed: {  	v19 =	vsub.f32 $1.500000000e+00, v19;
	v63 =	vsub.f32 $1.500000000e+00, v17;
	v17 =	vmul.f32 v36, v22  }
0xee: {  	v42 =	vmul.f32 v31, v23;
	v14 =	vmul.f32 v15, v0;
	v20 =	vsub.f32 $1.500000000e+00, v47  }
0xef: {  	v52 =	vld [tilespmem:$0x950];
	v18 =	vmul.f32 v19, v18;
	v15 =	vmul.f32 v63, v16;
	v41 =	vsub.f32 $1.500000000e+00, v17  }
0xf0: {  	v26 =	vadd.f32 v61, v60;
	v54 =	vld [tilespmem:$0xB50];
	v17 =	vmul.f32 v31, v42;
	v20 =	vmul.f32 v20, v25  }
0xf1: {  	v19 =	vadd.f32 v38, v37;
	v21 =	vmul.f32 v18, v21;
	v16 =	vmul.f32 v41, v22  }
0xf2: {  	v15 =	vmul.f32 v15, v26;
	v17 =	vsub.f32 $1.500000000e+00, v17;
	v26 =	vsub.s32 $0x5F3759DF, v51  }
0xf3: {  	v22 =	vmax.f32 v50, $1.000000020e-16;
	v59 =	vmul.f32 v20, v24;
	v21 =	vmul.f32 v21, v18  }
0xf4: {  	v39 =	vld [tilespmem:$0xB60];
	v55 =	vmul.f32 v26, v27;
	v56 =	vshra.s32 v22, $0x1;
	v22 =	vmul.f32 $5.000000000e-01, v22  }
0xf5: {  	v28 =	vadd.f32 v54, v52;
	v38 =	vld [tilespmem:$0x960];
	v16 =	vmul.f32 v16, v44;
	v48 =	vmul.f32 v31, v17  }
0xf6: {  	v42 =	vld [tilespmem:$0x510];
	v31 =	vsub.s32 $0x5F3759DF, v56;
	v21 =	vsub.f32 $1.500000000e+00, v21;
	v30 =	vmul.f32 v26, v55  }
0xf7: {  	v37 =	vmax.f32 v28, $1.000000020e-16;
	v44 =	vld [tilespmem:$0x710];
	v58 =	vmul.f32 v31, v22;
	v53 =	vmul.f32 v48, v23  }
0xf8: {  	v35 =	vld [tilespmem:$0x520];
	v28 =	vshra.s32 v37, $0x1;
	v25 =	vmul.f32 $5.000000000e-01, v37;
	v18 =	vmul.f32 v21, v18  }
0xf9: {  	v50 =	vld [tilespmem:$0x730];
	v61 =	vsub.f32 $1.500000000e+00, v30;
	v62 =	vmul.f32 v31, v58;
	v57 =	vmul.f32 v53, v48  }
0xfa: {  	v28 =	vsub.s32 $0x5F3759DF, v28;
	v55 =	vld [tilespmem:$0x980];
	v17 =	vmul.f32 v18, v19;
	v18 =	vmul.f32 v59, v20  }
0xfb: {  	v58 =	vld [tilespmem:$0xB80];
	v63 =	vmul.f32 v26, v61;
	v36 =	vsub.f32 $1.500000000e+00, v62;
	v26 =	vadd.f32 v39, v38  }
0xfc: {  	v41 =	vmul.f32 v28, v25;
	v38 =	vld [tilespmem:$0x970];
	v32 =	vadd.f32 v44, v42;
	v60 =	vsub.f32 $1.500000000e+00, v57  }
0xfd: {  	v39 =	vld [tilespmem:$0xB70];
	v40 =	vmul.f32 v63, v27;
	v24 =	vmul.f32 v31, v36;
	v18 =	vsub.f32 $1.500000000e+00, v18  }
0xfe: {  	v31 =	vmul.f32 v28, v41;
	v26 =	vmax.f32 v26, $1.000000020e-16;
	v19 =	vmul.f32 v60, v48;
	v48 =	vld [tilespmem:$0x530]  }
0xff: {  	v45 =	vld [tilespmem:$0x720];
	v51 =	vshra.s32 v26, $0x1;
	v30 =	vmul.f32 v40, v63;
	v43 =	vmul.f32 v24, v22  }
0x100: {  	v26 =	vmul.f32 $5.000000000e-01, v26;
	v41 =	vadd.f32 v58, v55;
	v23 =	vmul.f32 v19, v23  }
0x101: {  	v52 =	vld [tilespmem:$0x540];
	v18 =	vmul.f32 v18, v20;
	v30 =	vsub.f32 $1.500000000e+00, v30;
	v33 =	vmul.f32 v43, v24  }
0x102: {  	v36 =	vld [tilespmem:$0x740];
	v46 =	vsub.f32 $1.500000000e+00, v31;
	v39 =	vadd.f32 v39, v38;
	v23 =	vmul.f32 v23, v19  }
0x103: {  	v47 =	vmul.f32 v30, v63;
	v49 =	vsub.f32 $1.500000000e+00, v33;
	v63 =	vadd.f32 v50, v48;
	v48 =	vld [tilespmem:$0x9A0]  }
0x104: {  	v20 =	vadd.f32 v45, v35;
	v21 =	vmul.f32 v18, v32;
	v50 =	vld [tilespmem:$0xBA0];
	v23 =	vsub.f32 $1.500000000e+00, v23  }
0x105: {  	v44 =	vmax.f32 v39, $1.000000020e-16;
	v27 =	vmul.f32 v47, v27;
	v24 =	vmul.f32 v49, v24  }
0x106: {  	v19 =	vmul.f32 v23, v19;
	v23 =	vmul.f32 v28, v46;
	v28 =	vsub.s32 $0x5F3759DF, v51  }
0x107: {  	v42 =	vld [tilespmem:$0xB90];
	v34 =	vadd.f32 v36, v52;
	v29 =	vmul.f32 $5.000000000e-01, v44;
	v37 =	vmul.f32 v28, v26  }
0x108: {  	v40 =	vld [tilespmem:$0x990];
	v30 =	vshra.s32 v44, $0x1;
	v27 =	vmul.f32 v27, v47;
	v22 =	vmul.f32 v24, v22  }
0x109: {  	v30 =	vsub.s32 $0x5F3759DF, v30;
	v53 =	vmul.f32 v23, v25;
	v31 =	vadd.f32 v50, v48  }
0x10a: {  	v37 =	vmul.f32 v28, v37;
	v27 =	vsub.f32 $1.500000000e+00, v27;
	v22 =	vmul.f32 v22, v24  }
0x10b: {  	v18 =	vmul.f32 v19, v20;
	v54 =	vmul.f32 v53, v23;
	v31 =	vmax.f32 v31, $1.000000020e-16  }
0x10c: {  	v57 =	vsub.f32 $1.500000000e+00, v37;
	v59 =	vmul.f32 v27, v47;
	v60 =	vsub.f32 $1.500000000e+00, v22  }
0x10d: {  	v47 =	vmul.f32 v30, v29;
	v27 =	vadd.f32 v42, v40;
	v58 =	vshra.s32 v31, $0x1  }
0x10e: {  	v31 =	vmul.f32 $5.000000000e-01, v31;
	v56 =	vsub.f32 $1.500000000e+00, v54;
	v62 =	vmul.f32 v28, v57  }
0x10f: {  	v35 =	vsub.s32 $0x5F3759DF, v58;
	v24 =	vmul.f32 v60, v24;
	v20 =	vmul.f32 v59, v63  }
0x110: {  	v27 =	vmax.f32 v27, $1.000000020e-16;
	v60 =	vmul.f32 v35, v31;
	v61 =	vmul.f32 v56, v23  }
0x111: {  	v53 =	vshra.s32 v27, $0x1;
	v27 =	vmul.f32 $5.000000000e-01, v27;
	v36 =	vmul.f32 v62, v26  }
0x112: {  	v19 =	vmul.f32 v24, v34;
	v24 =	vmax.f32 v41, $1.000000020e-16;
	v34 =	vmul.f32 v30, v47  }
0x113: {  	v45 =	vld [tilespmem:$0x550];
	v25 =	vmul.f32 v61, v25;
	v46 =	vshra.s32 v24, $0x1;
	v24 =	vmul.f32 $5.000000000e-01, v24  }
0x114: {  	v51 =	vld [tilespmem:$0x750];
	v43 =	vmul.f32 v36, v62;
	v33 =	vsub.s32 $0x5F3759DF, v46;
	v34 =	vsub.f32 $1.500000000e+00, v34  }
0x115: {  	v48 =	vld [tilespmem:$0xBB0];
	v38 =	vmul.f32 v35, v60;
	v36 =	vsub.s32 $0x5F3759DF, v53;
	v49 =	vmul.f32 v33, v24  }
0x116: {  	v40 =	vld [tilespmem:$0x580];
	v25 =	vmul.f32 v25, v61;
	v28 =	vsub.f32 $1.500000000e+00, v43;
	v30 =	vmul.f32 v30, v34  }
0x117: {  	v58 =	vld [tilespmem:$0x9D0];
	v54 =	vmul.f32 v36, v27;
	v52 =	vmul.f32 v33, v49  }
0x118: {  	v59 =	vld [tilespmem:$0x560];
	v23 =	vmul.f32 v28, v62;
	v55 =	vmul.f32 v30, v29  }
0x119: {  	v63 =	vld [tilespmem:$0x770];
	v25 =	vsub.f32 $1.500000000e+00, v25;
	v56 =	vmul.f32 v36, v54;
	v28 =	vsub.f32 $1.500000000e+00, v52  }
0x11a: {  	v60 =	vld [tilespmem:$0xBD0];
	v26 =	vmul.f32 v23, v26;
	v32 =	vmul.f32 v55, v30  }
0x11b: {  	v22 =	vmul.f32 v25, v61;
	v61 =	vld [tilespmem:$0x760];
	v28 =	vmul.f32 v33, v28;
	v33 =	vsub.f32 $1.500000000e+00, v56  }
0x11c: {  	v12 =	vmul.f32 v12, v0;
	v46 =	vld [tilespmem:$0x9B0];
	v26 =	vmul.f32 v26, v23;
	v32 =	vsub.f32 $1.500000000e+00, v32  }
0x11d: {  	v62 =	vld [tilespmem:$0x570];
	v57 =	vmul.f32 v28, v24;
	v33 =	vmul.f32 v36, v33  }
0x11e: {  	v49 =	vld [tilespmem:$0x780];
	v25 =	vadd.f32 v51, v45;
	v45 =	vsub.f32 $1.500000000e+00, v38;
	v30 =	vmul.f32 v32, v30  }
0x11f: {  	v51 =	vld [tilespmem:$0x590];
	v26 =	vsub.f32 $1.500000000e+00, v26;
	v34 =	vmul.f32 v57, v28;
	v43 =	vmul.f32 v33, v27  }
0x120: {  	v22 =	vmul.f32 v22, v25;
	v25 =	vadd.f32 v61, v59;
	v61 =	vld [tilespmem:$0x790];
	v29 =	vmul.f32 v30, v29  }
0x121: {  	v54 =	vld [tilespmem:$0x9C0];
	v23 =	vmul.f32 v26, v23;
	v34 =	vsub.f32 $1.500000000e+00, v34;
	v47 =	vmul.f32 v43, v33  }
0x122: {  	v56 =	vld [tilespmem:$0xBC0];
	v57 =	vadd.f32 v63, v62;
	v43 =	vadd.f32 v60, v58;
	v29 =	vmul.f32 v29, v30  }
0x123: {  	v23 =	vmul.f32 v23, v25;
	v44 =	vmul.f32 v34, v28;
	v50 =	vsub.f32 $1.500000000e+00, v47  }
0x124: {  	v28 =	vmul.f32 v35, v45;
	v34 =	vadd.f32 v48, v46;
	v35 =	vadd.f32 v49, v40  }
0x125: {  	v45 =	vadd.f32 v61, v51;
	v52 =	vsub.f32 $1.500000000e+00, v29;
	v24 =	vmul.f32 v44, v24  }
0x126: {  	v41 =	vmul.f32 v28, v31;
	v53 =	vmul.f32 v50, v33;
	v34 =	vmax.f32 v34, $1.000000020e-16  }
0x127: {  	v33 =	vadd.f32 v56, v54;
	v25 =	vmul.f32 v52, v30;
	v62 =	vshra.s32 v34, $0x1  }
0x128: {  	v34 =	vmul.f32 $5.000000000e-01, v34;
	v30 =	vmax.f32 v43, $1.000000020e-16;
	v24 =	vmul.f32 v24, v44  }
0x129: {  	v55 =	vmul.f32 v41, v28;
	v27 =	vmul.f32 v53, v27;
	v63 =	vsub.s32 $0x5F3759DF, v62  }
0x12a: {  	v48 =	vld [tilespmem:$0x9F0];
	v33 =	vmax.f32 v33, $1.000000020e-16;
	v49 =	vshra.s32 v30, $0x1;
	v30 =	vmul.f32 $5.000000000e-01, v30  }
0x12b: {  	v50 =	vld [tilespmem:$0xBF0];
	v25 =	vmul.f32 v25, v57;
	v41 =	vmul.f32 v63, v34;
	v47 =	vshra.s32 v33, $0x1  }
0x12c: {  	v33 =	vmul.f32 $5.000000000e-01, v33;
	v52 =	vsub.s32 $0x5F3759DF, v49;
	v24 =	vsub.f32 $1.500000000e+00, v24  }
0x12d: {  	v59 =	vsub.f32 $1.500000000e+00, v55;
	v27 =	vmul.f32 v27, v53;
	v54 =	vmul.f32 v52, v30  }
0x12e: {  	v51 =	vsub.s32 $0x5F3759DF, v47;
	v47 =	vmul.f32 v17, v0;
	v42 =	vmul.f32 v63, v41  }
0x12f: {  	v24 =	vmul.f32 v24, v44;
	v26 =	vmul.f32 v59, v28;
	v27 =	vsub.f32 $1.500000000e+00, v27  }
0x130: {  	v57 =	vmul.f32 v52, v54;
	v59 =	vadd.f32 v50, v48;
	v48 =	vmul.f32 v21, v0  }
0x131: {  	v46 =	vld [tilespmem:$0xBE0];
	v29 =	vsub.f32 $1.500000000e+00, v42;
	v42 =	vmul.f32 v15, v0;
	v24 =	vmul.f32 v24, v35  }
0x132: {  	v44 =	vld [tilespmem:$0x9E0];
	v31 =	vmul.f32 v26, v31;
	v27 =	vmul.f32 v27, v53  }
0x133: {  	v53 =	vmul.f32 v51, v33;
	v60 =	vsub.f32 $1.500000000e+00, v57;
	v57 =	vmul.f32 v18, v0  }
0x134: {  	v35 =	vmax.f32 v59, $1.000000020e-16;
	v59 =	vmul.f32 v19, v0;
	v28 =	vmul.f32 v63, v29  }
0x135: {  	v62 =	vshra.s32 v35, $0x1;
	v35 =	vmul.f32 $5.000000000e-01, v35;
	v31 =	vmul.f32 v31, v26  }
0x136: {  	[tilespmem:$0xC80] =	vst v1;
	v27 =	vmul.f32 v27, v45;
	v56 =	vmul.f32 v51, v53;
	v40 =	vsub.s32 $0x5F3759DF, v62  }
0x137: {  	v1 =	vmul.f32 v52, v60;
	[tilespmem:$0xDA0] =	vst v57;
	v57 =	vmul.f32 v24, v0;
	v32 =	vadd.f32 v46, v44  }
0x138: {  	v55 =	vmul.f32 v28, v34;
	v41 =	vmul.f32 v40, v35  }
0x139: {  	v44 =	vmul.f32 v16, v0;
	v31 =	vsub.f32 $1.500000000e+00, v31;
	v32 =	vmax.f32 v32, $1.000000020e-16  }
0x13a: {  	v36 =	vsub.f32 $1.500000000e+00, v56;
	v61 =	vshra.s32 v32, $0x1;
	v32 =	vmul.f32 $5.000000000e-01, v32  }
0x13b: {  	v53 =	vmul.f32 v1, v30;
	v58 =	vmul.f32 v55, v28;
	v39 =	vsub.s32 $0x5F3759DF, v61  }
0x13c: {  	[tilespmem:$0xC90] =	vst v2;
	v56 =	vld [tilespmem:$0x7A0];
	v46 =	vmul.f32 v40, v41;
	v63 =	vmul.f32 v39, v32  }
0x13d: {  	[tilespmem:$0xCA0] =	vst v3;
	v55 =	vld [tilespmem:$0x5A0];
	v26 =	vmul.f32 v31, v26;
	v29 =	vmul.f32 v51, v36;
	v45 =	vsub.f32 $1.500000000e+00, v58  }
0x13e: {  	[tilespmem:$0xCB0] =	vst v4;
	v51 =	vsub.f32 $1.500000000e+00, v46;
	v58 =	vmul.f32 v20, v0;
	v43 =	vmul.f32 v39, v63  }
0x13f: {  	[tilespmem:$0xCC0] =	vst v5;
	v50 =	vmul.f32 v29, v33;
	v49 =	vmul.f32 v45, v28  }
0x140: {  	[tilespmem:$0xCD0] =	vst v7;
	v54 =	vmul.f32 v40, v51;
	v45 =	vmul.f32 v23, v0;
	v15 =	vsub.f32 $1.500000000e+00, v43  }
0x141: {  	[tilespmem:$0xDB0] =	vst v58;
	v58 =	vmul.f32 v27, v0;
	v16 =	vmul.f32 v50, v29  }
0x142: {  	[tilespmem:$0xCF0] =	vst v9;
	v9 =	vadd.f32 v56, v55;
	v55 =	vmul.f32 v25, v0;
	v52 =	vmul.f32 v39, v15  }
0x143: {  	[tilespmem:$0xCE0] =	vst v6;
	v28 =	vmul.f32 v49, v34;
	v15 =	vmul.f32 v53, v1  }
0x144: {  	[tilespmem:$0xD00] =	vst v8;
	v16 =	vsub.f32 $1.500000000e+00, v16;
	v36 =	vmul.f32 v26, v9;
	v62 =	vmul.f32 v52, v32  }
0x145: {  	[tilespmem:$0xD10] =	vst v11;
	v37 =	vld [tilespmem:$0x7C0];
	v60 =	vmul.f32 v28, v49;
	v28 =	vmul.f32 v54, v35;
	v15 =	vsub.f32 $1.500000000e+00, v15  }
0x146: {  	[tilespmem:$0xD20] =	vst v10;
	v61 =	vld [tilespmem:$0x5B0];
	v16 =	vmul.f32 v16, v29;
	v20 =	vmul.f32 v62, v52  }
0x147: {  	[tilespmem:$0xD30] =	vst v13;
	v63 =	vld [tilespmem:$0x7B0];
	v1 =	vmul.f32 v15, v1;
	v15 =	vmul.f32 v28, v54  }
0x148: {  	[tilespmem:$0xD40] =	vst v12;
	v41 =	vld [tilespmem:$0x5D0];
	v29 =	vmul.f32 v22, v0;
	v31 =	vsub.f32 $1.500000000e+00, v60;
	v20 =	vsub.f32 $1.500000000e+00, v20  }
0x149: {  	[tilespmem:$0xD70] =	vst v44;
	v44 =	vld [tilespmem:$0x7D0];
	v2 =	vmul.f32 v36, v0;
	v33 =	vmul.f32 v16, v33;
	v15 =	vsub.f32 $1.500000000e+00, v15  }
0x14a: {  	[tilespmem:$0xD50] =	vst v14;
	v34 =	vld [tilespmem:$0x5C0];
	v39 =	vmul.f32 v31, v49;
	v7 =	vmul.f32 v20, v52  }
0x14b: {  	[tilespmem:$0xD90] =	vst v48;
	v46 =	vld [tilespmem:$0x5E0];
	v38 =	vmul.f32 v1, v30;
	v6 =	vmul.f32 v15, v54  }
0x14c: {  	[tilespmem:$0xD60] =	vst v42;
	v51 =	vld [tilespmem:$0x5F0];
	v42 =	vadd.f32 v63, v61;
	v40 =	vmul.f32 v33, v16;
	v48 =	vmul.f32 v7, v32  }
0x14d: {  	[tilespmem:$0xD80] =	vst v47;
	v49 =	vld [tilespmem:$0x7E0];
	v43 =	vmul.f32 v38, v1;
	v50 =	vmul.f32 v6, v35  }
0x14e: {  	[tilespmem:$0xDC0] =	vst v59;
	v53 =	vld [tilespmem:$0x7F0];
	v3 =	vmul.f32 v39, v42;
	v5 =	vsub.f32 $1.500000000e+00, v40;
	v52 =	vmul.f32 v48, v7  }
0x14f: {  	[tilespmem:$0xE00] =	vst v57;
	v9 =	vadd.f32 v37, v34;
	v47 =	vsub.f32 $1.500000000e+00, v43;
	v56 =	vmul.f32 v50, v6  }
0x150: {  	[tilespmem:$0xDE0] =	vst v45;
	v3 =	vmul.f32 v3, v0;
	v5 =	vmul.f32 v5, v16;
	v4 =	vsub.f32 $1.500000000e+00, v52  }
0x151: {  	[tilespmem:$0xE10] =	vst v58;
	v54 =	vadd.f32 v44, v41;
	v1 =	vmul.f32 v47, v1;
	v59 =	vsub.f32 $1.500000000e+00, v56  }
0x152: {  	[tilespmem:$0xDF0] =	vst v55;
	v60 =	vadd.f32 v49, v46;
	v5 =	vmul.f32 v5, v9;
	v4 =	vmul.f32 v4, v7  }
0x153: {  	[tilespmem:$0xDD0] =	vst v29;
	v8 =	vadd.f32 v53, v51;
	v1 =	vmul.f32 v1, v54;
	v6 =	vmul.f32 v59, v6  }
0x154: {  	[tilespmem:$0xE20] =	vst v2;
	v62 =	vmul.f32 v5, v0;
	v61 =	vmul.f32 v4, v60  }
0x155: {  	[tilespmem:$0xE30] =	vst v3;
	v1 =	vmul.f32 v1, v0;
	v63 =	vmul.f32 v6, v8  }
0x156: {  	[tilespmem:$0xE40] =	vst v62;
	v2 =	vmul.f32 v61, v0  }
0x157: {  	[tilespmem:$0xE50] =	vst v1;
	v0 =	vmul.f32 v63, v0  }
0x158: {  	p0 =	sne.s32 s7, $0x1;
	[tilespmem:$0xE60] =	vst v2  }
.Ltmp0:
0x159: {  	s12 =	rddreg [dreg:$0x6];
	[tilespmem:$0xE70] =	vst v0;
	(pc) =	sbr.rel @p0 .LBB2_1-.Ltmp0, $4  }
0x15a: {  	[hbm4b:s12+s2] =	stream.linear.scatter [tilespmem:s0], [sflag:$0x2], $0x200, $0x38;
	[tilespmem:$0xE80] =	vst v63  }
0x15b: {  	_ =	swait.ge [sflag:s10], $0x200  }
0x15c: {  	[sflag:s10] =	ssyncset.done $0x0  }
0x15d: {  	s7 =	sadd.s32 $0xFFFFFFFF, s7;
	[sflag:s10] =	ssyncadd.s32 $0xFFFFFE00  }
0x15e: {  	_ =	sfence.sel $0x180000  }
0x15f: {  	[bflag:$0x0] =	sbarrier.arrive $0xFFFF  }
0x160: {  	_ =	strace $0x90000047  }
0x161: {  	s0 =	stileid.u32;
	[bflag:$0x2] =	sbarrier.arrive $0xFFFF  }
0x162: {  	p0 =	sne.s32 s0, $0x0;
	s0 =	rddreg [dreg:$0x3]  }
0x163: {  	s0 =	sadd.s32 @!p0 $0x100000, s0  }
0x164: {  	[sflag:s0] =	ssyncadd.tile.s32 @!p0 $0x1;
	_ =	shalt  }
.Lfunc_end2:
_tile_overlayer_lowered:
.L_overlay_start_2:
0x165: {  	(tag) =	ssettag $0x2  }
0x166: {  	s0 =	rddreg [dreg:$0x0];
	s2 =	stileid.u32  }
0x167: {  	s1 =	rddreg [dreg:$0x1];
	p0 =	sne.s32 s2, $0x0  }
0x168: {  	s3 =	rddreg [dreg:$0x2];
	[bflag:$0x3] =	sbarrier.arrive $0xFFFF;
	s2 =	simm.s32 @!p0 $0x1C02  }
0x169: {  	[timem:s3], [sflag:s2] =	dma.local @!p0 [hbm:s0], s1  }
0x16a: {  	s0 =	simm.s32 @!p0 $0x2  }
0x16b: {  	_ =	swait.ge @!p0 [sflag:s0], s1  }
0x16c: {  	s1 =	ssub.s32 @!p0 $0x0, s1;
	[sflag:s0] =	ssyncset.done @!p0 $0x0  }
0x16d: {  	[sflag:s0] =	ssyncadd.s32 @!p0 s1  }
0x16e: {  	[bflag:$0x3] =	sbarrier.arrive $0xFFFF  }
0x16f: {  	_ =	shalt  }

</sc_bundles>
